<compile_context>
chip_gen: v7x
topology: tpu7x:2x2x1
jax: 0.10.2.dev20260603
libtpu: 0.0.44.dev20260713+nightly
codegen_flags: <defaults>
</compile_context>

<pallas_src>
import functools

import jax
import jax.numpy as jnp
from jax import lax
from jax.experimental import pallas as pl
from jax.experimental.pallas import tpu as pltpu
from jax.experimental.pallas import tpu_sc as plsc

N = 10000
NPAD = 10240
E = 320000
CHUNK = 125
NTILES = 16
RPT = NPAD // NTILES
HH = 128

AGG_CHUNKS = E // (NTILES * CHUNK)
DEG_CHUNKS = E // (2 * NTILES * CHUNK)

_sc_mesh = plsc.VectorSubcoreMesh(core_axis_name="c", subcore_axis_name="s")


def _deg_body(dst_hbm, zeros_hbm, ones_hbm, degp_hbm, idx_v, ones_v, deg_sh):
    c = lax.axis_index("c")
    s = lax.axis_index("s")
    pltpu.sync_copy(zeros_hbm, deg_sh.at[pl.ds(s * RPT, RPT)])
    pltpu.sync_copy(dst_hbm.at[c, s], idx_v)
    pltpu.sync_copy(ones_hbm, ones_v)
    plsc.subcore_barrier()

    def body(j, carry):
        pltpu.sync_copy(ones_v.at[pl.ds(0, CHUNK)], deg_sh.at[idx_v.at[j]],
                        add=True)
        return carry

    lax.fori_loop(0, DEG_CHUNKS, body, 0)
    plsc.subcore_barrier()
    pltpu.sync_copy(deg_sh.at[pl.ds(s * RPT, RPT)],
                    degp_hbm.at[c, pl.ds(s * RPT, RPT)])


_deg_kernel = functools.partial(
    pl.kernel,
    out_type=jax.ShapeDtypeStruct((2, NPAD), jnp.float32),
    mesh=_sc_mesh,
    scratch_types=[
        pltpu.VMEM((DEG_CHUNKS, CHUNK), jnp.int32),
        pltpu.VMEM((CHUNK,), jnp.float32),
        pltpu.VMEM_SHARED((NPAD,), jnp.float32),
    ],
)(_deg_body)


GRP = 16
NGRP = AGG_CHUNKS // GRP


def _agg_body(tbl_hbm, src_hbm, dst_hbm, out_hbm, src_v, dst_v, buf, sem,
              agg_sh):
    c = lax.axis_index("c")
    s = lax.axis_index("s")
    r0 = s * RPT
    pltpu.sync_copy(tbl_hbm.at[c, pl.ds(r0, RPT)], agg_sh.at[pl.ds(r0, RPT)])
    plsc.subcore_barrier()

    tbl_c = tbl_hbm.at[c]

    def issue(j, b):
        pltpu.async_copy(tbl_c.at[src_v.at[j]], buf.at[b], sem)

    def group(g, carry):
        pltpu.sync_copy(src_hbm.at[s, pl.ds(g * GRP, GRP)], src_v)
        pltpu.sync_copy(dst_hbm.at[s, pl.ds(g * GRP, GRP)], dst_v)
        issue(0, 0)
        issue(1, 1)

        def body(j2, carry2):
            for b in range(2):
                j = j2 * 2 + b
                pltpu.make_async_copy(tbl_c.at[src_v.at[j]], buf.at[b],
                                      sem).wait()

                @pl.when(j + 2 < GRP)
                def _():
                    issue(j + 2, b)

                pltpu.sync_copy(buf.at[b], agg_sh.at[dst_v.at[j]], add=True)
            return carry2

        lax.fori_loop(0, GRP // 2, body, 0)
        return carry

    lax.fori_loop(0, NGRP, group, 0)
    plsc.subcore_barrier()
    pltpu.sync_copy(agg_sh.at[pl.ds(r0, RPT)], out_hbm.at[c, pl.ds(r0, RPT)])


_agg_kernel = functools.partial(
    pl.kernel,
    out_type=jax.ShapeDtypeStruct((2, NPAD, HH), jnp.float32),
    mesh=_sc_mesh,
    scratch_types=[
        pltpu.VMEM((GRP, CHUNK), jnp.int32),
        pltpu.VMEM((GRP, CHUNK), jnp.int32),
        pltpu.VMEM((2, CHUNK, HH), jnp.float32),
        pltpu.SemaphoreType.DMA,
        pltpu.VMEM_SHARED((NPAD, HH), jnp.float32),
    ],
)(_agg_body)


_BM = 1000


def _mm1_body(dinv_ref, x_ref, w_ref, h_ref):
    h = jnp.dot(x_ref[...], w_ref[...], preferred_element_type=jnp.float32)
    h_ref[0] = h * dinv_ref[...]


def _mm1_call(dinv, x, W1):
    return pl.pallas_call(
        _mm1_body,
        grid=(N // _BM, 2),
        in_specs=[
            pl.BlockSpec((_BM, 1), lambda i, j: (i, 0)),
            pl.BlockSpec((_BM, 128), lambda i, j: (i, 0)),
            pl.BlockSpec((128, HH), lambda i, j: (0, j)),
        ],
        out_specs=pl.BlockSpec((1, _BM, HH), lambda i, j: (j, i, 0)),
        out_shape=jax.ShapeDtypeStruct((2, N, HH), jnp.float32),
    )(dinv, x, W1)


def _mm2_body(agg_ref, dinv_ref, b_ref, w_ref, out_ref):
    dinv = dinv_ref[...]
    a0 = jnp.maximum(agg_ref[0] * dinv + b_ref[0, :][None, :], 0.0)
    a1 = jnp.maximum(agg_ref[1] * dinv + b_ref[1, :][None, :], 0.0)
    h = (jnp.dot(a0, w_ref[0], preferred_element_type=jnp.float32)
         + jnp.dot(a1, w_ref[1], preferred_element_type=jnp.float32))
    out_ref[0] = h * dinv


def _mm2_call(agg1, dinv, b1r, W2r):
    return pl.pallas_call(
        _mm2_body,
        grid=(N // _BM, 2),
        in_specs=[
            pl.BlockSpec((2, _BM, HH), lambda i, j: (0, i, 0)),
            pl.BlockSpec((_BM, 1), lambda i, j: (i, 0)),
            pl.BlockSpec((2, HH), lambda i, j: (0, 0)),
            pl.BlockSpec((2, HH, HH), lambda i, j: (0, 0, j)),
        ],
        out_specs=pl.BlockSpec((1, _BM, HH), lambda i, j: (j, i, 0)),
        out_shape=jax.ShapeDtypeStruct((2, N, HH), jnp.float32),
    )(agg1, dinv, b1r, W2r)


def _out_body(agg_ref, dinv_ref, b_ref, out_ref):
    j = pl.program_id(1)
    out_ref[...] = jnp.maximum(
        agg_ref[0] * dinv_ref[...] + b_ref[pl.ds(j, 1)], 0.0)


def _out_call(agg2, dinv, b2r):
    return pl.pallas_call(
        _out_body,
        grid=(N // _BM, 2),
        in_specs=[
            pl.BlockSpec((1, _BM, HH), lambda i, j: (j, i, 0)),
            pl.BlockSpec((_BM, 1), lambda i, j: (i, 0)),
            pl.BlockSpec((2, HH), lambda i, j: (0, 0)),
        ],
        out_specs=pl.BlockSpec((_BM, HH), lambda i, j: (i, j)),
        out_shape=jax.ShapeDtypeStruct((N, 256), jnp.float32),
    )(agg2, dinv, b2r)


def _pad_rows(h_split):
    return jnp.pad(h_split, ((0, 0), (0, NPAD - N), (0, 0)))


def kernel(x, edge_index, W1, b1, W2, b2):
    ei = edge_index.astype(jnp.int32)
    src = ei[0].reshape(NTILES, AGG_CHUNKS, CHUNK)
    dst = ei[1].reshape(NTILES, AGG_CHUNKS, CHUNK)
    dst_deg = ei[1].reshape(2, NTILES, DEG_CHUNKS, CHUNK)
    zeros = jnp.zeros((RPT,), jnp.float32)
    ones = jnp.ones((CHUNK,), jnp.float32)

    degp = _deg_kernel(dst_deg, zeros, ones)
    dinv = lax.rsqrt(degp[0, :N] + degp[1, :N] + 1.0).reshape(N, 1)
    h1p = _mm1_call(dinv, x, W1)
    agg1 = _agg_kernel(_pad_rows(h1p), src, dst)[:, :N]
    h2p = _mm2_call(agg1, dinv, b1.reshape(2, HH), W2.reshape(2, HH, 256))
    agg2 = _agg_kernel(_pad_rows(h2p), src, dst)[:, :N]
    return _out_call(agg2, dinv, b2.reshape(2, HH))

# --- scband reference (transcript-rebuilt; emitter-appended) ---
"""Pipeline reference for scband-gnn-28767690948719 (READ-ONLY COPY).

The authoritative reference and input builder live on the scoring server;
editing this copy changes nothing except your own understanding.
"""

import jax, jax.numpy as jnp
import numpy as np

N_NODES = 10000


def gcn_conv(x, edge_index, W, b):
    n = x.shape[0]
    h = x @ W
    src = edge_index[0]
    dst = edge_index[1]
    loop = jnp.arange(n, dtype=edge_index.dtype)
    src = jnp.concatenate([src, loop])
    dst = jnp.concatenate([dst, loop])
    deg = jnp.zeros((n,), dtype=h.dtype).at[dst].add(1.0)
    dinv = 1.0 / jnp.sqrt(jnp.clip(deg, 1.0))
    norm = dinv[src] * dinv[dst]
    out = jnp.zeros((n, W.shape[1]), dtype=h.dtype).at[dst].add(h[src] * norm[:, None])
    return out + b


def setup_inputs(seed: int = 0) -> dict:
    key = jax.random.key(seed)
    k_x, k_e, k_w1, k_b1, k_w2, k_b2 = jax.random.split(key, 6)
    in_channels = 128
    hidden_dim = 256
    n_edges = 320000
    x = jax.random.normal(k_x, (N_NODES, in_channels), dtype=jnp.float32)
    edge_index = jax.random.randint(k_e, (2, n_edges), 0, N_NODES, dtype=jnp.int64)
    s1 = 1.0 / np.sqrt(in_channels)
    s2 = 1.0 / np.sqrt(hidden_dim)
    W1 = jax.random.uniform(k_w1, (in_channels, hidden_dim), minval=-s1, maxval=s1, dtype=jnp.float32)
    b1 = jax.random.uniform(k_b1, (hidden_dim,), minval=-s1, maxval=s1, dtype=jnp.float32)
    W2 = jax.random.uniform(k_w2, (hidden_dim, hidden_dim), minval=-s2, maxval=s2, dtype=jnp.float32)
    b2 = jax.random.uniform(k_b2, (hidden_dim,), minval=-s2, maxval=s2, dtype=jnp.float32)
    return {"x": x, "edge_index": edge_index, "W1": W1, "b1": b1, "W2": W2, "b2": b2}


def reference(x, edge_index, W1, b1, W2, b2):
    h = gcn_conv(x, edge_index, W1, b1)
    h = jax.nn.relu(h)
    h = gcn_conv(h, edge_index, W2, b2)
    h = jax.nn.relu(h)
    return h

if __name__ == "__main__":
    import jax
    _d = setup_inputs()
    print(jax.jit(kernel)(*tuple(_d.values())))

</pallas_src>

<mosaic_0001>
#map = affine_map<(d0, d1) -> (0, 0, 0, 0)>
#map1 = affine_map<(d0, d1) -> (0)>
#map2 = affine_map<(d0, d1) -> (0, 0)>
module attributes {stable_mosaic.version = 14 : i64} {
  func.func @_deg_body(%arg0: i32, %arg1: i32, %arg2: memref<2x16x80x125xi32, #tpu.memory_space<hbm>>, %arg3: memref<640xf32, #tpu.memory_space<hbm>>, %arg4: memref<125xf32, #tpu.memory_space<hbm>>, %arg5: memref<2x10240xf32, #tpu.memory_space<hbm>>, %arg6: memref<80x125xi32, #tpu.memory_space<vmem>>, %arg7: memref<125xf32, #tpu.memory_space<vmem>>, %arg8: memref<10240xf32, #tpu.memory_space<vmem_shared>>) attributes {dimension_semantics = [#tpu.dimension_semantics<core_parallel>, #tpu.dimension_semantics<subcore_parallel>], iteration_bounds = array<i64: 2, 16>, scalar_prefetch = 0 : i64, scratch_operands = 3 : i64, tpu.core_type = #tpu.core_type<sc_vector_subcore>, window_params = [{transform_indices = #map}, {transform_indices = #map1}, {transform_indices = #map1}, {transform_indices = #map2}]} {
    %mul3A = arith.constant 640 : i32
    %mul3A_0 = arith.muli %arg1, %mul3A : i32
    "tpu.region"() ({
      %run_scoped3A = tpu.sem_alloc : memref<!tpu.dma_semaphore, #tpu.memory_space<semaphore_mem>>
      %dma_start3A = tpu.memref_slice %arg8[%mul3A_0] : memref<10240xf32, #tpu.memory_space<vmem_shared>> -> memref<640xf32, #tpu.memory_space<vmem_shared>>
      tpu.enqueue_dma source(%arg3 : memref<640xf32, #tpu.memory_space<hbm>>) target(%dma_start3A : memref<640xf32, #tpu.memory_space<vmem_shared>>) target_semaphore(%run_scoped3A : memref<!tpu.dma_semaphore, #tpu.memory_space<semaphore_mem>>)
      %dma_wait3A = tpu.memref_slice %arg8[%mul3A_0] : memref<10240xf32, #tpu.memory_space<vmem_shared>> -> memref<640xf32, #tpu.memory_space<vmem_shared>>
      tpu.wait_dma2 semaphore(%run_scoped3A : memref<!tpu.dma_semaphore, #tpu.memory_space<semaphore_mem>>) src(%arg3 : memref<640xf32, #tpu.memory_space<hbm>>) dst(%dma_wait3A : memref<640xf32, #tpu.memory_space<vmem_shared>>)
      tpu.yield
    }) : () -> ()
    "tpu.region"() ({
      %run_scoped3A = tpu.sem_alloc : memref<!tpu.dma_semaphore, #tpu.memory_space<semaphore_mem>>
      %dma_start3A = arith.constant 0 : i32
      %dma_start3A_11 = arith.constant 0 : i32
      %dma_start3A_12 = tpu.memref_slice %arg2[%arg0, %arg1, %dma_start3A, %dma_start3A_11] : memref<2x16x80x125xi32, #tpu.memory_space<hbm>> -> memref<1x1x80x125xi32, #tpu.memory_space<hbm>>
      %dma_start3A_13 = tpu.memref_squeeze %dma_start3A_12 : memref<1x1x80x125xi32, #tpu.memory_space<hbm>> -> memref<80x125xi32, #tpu.memory_space<hbm>>
      %dma_start3A_14 = arith.constant 0 : i32
      %dma_start3A_15 = arith.constant 0 : i32
      %dma_start3A_16 = tpu.memref_slice %arg2[%arg0, %arg1, %dma_start3A_14, %dma_start3A_15] : memref<2x16x80x125xi32, #tpu.memory_space<hbm>> -> memref<1x1x80x125xi32, #tpu.memory_space<hbm>>
      %dma_start3A_17 = tpu.memref_squeeze %dma_start3A_16 : memref<1x1x80x125xi32, #tpu.memory_space<hbm>> -> memref<80x125xi32, #tpu.memory_space<hbm>>
      tpu.enqueue_dma source(%dma_start3A_17 : memref<80x125xi32, #tpu.memory_space<hbm>>) target(%arg6 : memref<80x125xi32, #tpu.memory_space<vmem>>) target_semaphore(%run_scoped3A : memref<!tpu.dma_semaphore, #tpu.memory_space<semaphore_mem>>)
      %dma_wait3A = arith.constant 0 : i32
      %dma_wait3A_18 = arith.constant 0 : i32
      %dma_wait3A_19 = tpu.memref_slice %arg2[%arg0, %arg1, %dma_wait3A, %dma_wait3A_18] : memref<2x16x80x125xi32, #tpu.memory_space<hbm>> -> memref<1x1x80x125xi32, #tpu.memory_space<hbm>>
      %dma_wait3A_20 = tpu.memref_squeeze %dma_wait3A_19 : memref<1x1x80x125xi32, #tpu.memory_space<hbm>> -> memref<80x125xi32, #tpu.memory_space<hbm>>
      %dma_wait3A_21 = arith.constant 0 : i32
      %dma_wait3A_22 = arith.constant 0 : i32
      %dma_wait3A_23 = tpu.memref_slice %arg2[%arg0, %arg1, %dma_wait3A_21, %dma_wait3A_22] : memref<2x16x80x125xi32, #tpu.memory_space<hbm>> -> memref<1x1x80x125xi32, #tpu.memory_space<hbm>>
      %dma_wait3A_24 = tpu.memref_squeeze %dma_wait3A_23 : memref<1x1x80x125xi32, #tpu.memory_space<hbm>> -> memref<80x125xi32, #tpu.memory_space<hbm>>
      tpu.wait_dma2 semaphore(%run_scoped3A : memref<!tpu.dma_semaphore, #tpu.memory_space<semaphore_mem>>) src(%dma_wait3A_24 : memref<80x125xi32, #tpu.memory_space<hbm>>) dst(%arg6 : memref<80x125xi32, #tpu.memory_space<vmem>>)
      tpu.yield
    }) : () -> ()
    "tpu.region"() ({
      %run_scoped3A = tpu.sem_alloc : memref<!tpu.dma_semaphore, #tpu.memory_space<semaphore_mem>>
      tpu.enqueue_dma source(%arg4 : memref<125xf32, #tpu.memory_space<hbm>>) target(%arg7 : memref<125xf32, #tpu.memory_space<vmem>>) target_semaphore(%run_scoped3A : memref<!tpu.dma_semaphore, #tpu.memory_space<semaphore_mem>>)
      tpu.wait_dma2 semaphore(%run_scoped3A : memref<!tpu.dma_semaphore, #tpu.memory_space<semaphore_mem>>) src(%arg4 : memref<125xf32, #tpu.memory_space<hbm>>) dst(%arg7 : memref<125xf32, #tpu.memory_space<vmem>>)
      tpu.yield
    }) : () -> ()
    %barrier3A = arith.constant 0 : index
    tpu.barrier barrier_id(%barrier3A)
    %scan3A = arith.constant 0 : i32
    %scan3A_1 = arith.constant 0 : i32
    %scan3A_2 = arith.constant 80 : i32
    %scan3A_3 = arith.addi %scan3A_1, %scan3A_2 : i32
    %scan3A_4 = arith.constant 1 : i32
    scf.for %scan3A_11 = %scan3A_1 to %scan3A_3 step %scan3A_4  : i32 {
      "tpu.region"() ({
        %run_scoped3A = tpu.sem_alloc : memref<!tpu.dma_semaphore, #tpu.memory_space<semaphore_mem>>
        %dma_start3A = arith.constant 0 : i32
        %dma_start3A_12 = tpu.memref_slice %arg7[%dma_start3A] : memref<125xf32, #tpu.memory_space<vmem>> -> memref<125xf32, #tpu.memory_space<vmem>>
        %dma_start3A_13 = arith.constant 0 : i32
        %dma_start3A_14 = tpu.memref_slice %arg6[%scan3A_11, %dma_start3A_13] : memref<80x125xi32, #tpu.memory_space<vmem>> -> memref<1x125xi32, #tpu.memory_space<vmem>>
        %dma_start3A_15 = tpu.memref_squeeze %dma_start3A_14 : memref<1x125xi32, #tpu.memory_space<vmem>> -> memref<125xi32, #tpu.memory_space<vmem>>
        %dma_start3A_16 = arith.constant 0 : i32
        %dma_start3A_17 = tpu.memref_slice %arg8[%dma_start3A_16] : memref<10240xf32, #tpu.memory_space<vmem_shared>> -> memref<10240xf32, #tpu.memory_space<vmem_shared>>
        tpu.enqueue_indirect_dma source(%dma_start3A_12 : memref<125xf32, #tpu.memory_space<vmem>>) target(%dma_start3A_17 : memref<10240xf32, #tpu.memory_space<vmem_shared>>) offsets(%dma_start3A_15 : memref<125xi32, #tpu.memory_space<vmem>>) semaphore(%run_scoped3A : memref<!tpu.dma_semaphore, #tpu.memory_space<semaphore_mem>>) {add = true}
        %dma_wait3A = arith.constant 0 : i32
        %dma_wait3A_18 = tpu.memref_slice %arg7[%dma_wait3A] : memref<125xf32, #tpu.memory_space<vmem>> -> memref<125xf32, #tpu.memory_space<vmem>>
        %dma_wait3A_19 = arith.constant 0 : i32
        %dma_wait3A_20 = tpu.memref_slice %arg6[%scan3A_11, %dma_wait3A_19] : memref<80x125xi32, #tpu.memory_space<vmem>> -> memref<1x125xi32, #tpu.memory_space<vmem>>
        %dma_wait3A_21 = tpu.memref_squeeze %dma_wait3A_20 : memref<1x125xi32, #tpu.memory_space<vmem>> -> memref<125xi32, #tpu.memory_space<vmem>>
        %dma_wait3A_22 = arith.constant 0 : i32
        %dma_wait3A_23 = tpu.memref_slice %arg8[%dma_wait3A_22] : memref<10240xf32, #tpu.memory_space<vmem_shared>> -> memref<10240xf32, #tpu.memory_space<vmem_shared>>
        tpu.wait_indirect_dma semaphore(%run_scoped3A : memref<!tpu.dma_semaphore, #tpu.memory_space<semaphore_mem>>) src(%dma_wait3A_18 : memref<125xf32, #tpu.memory_space<vmem>>) dst(%dma_wait3A_23 : memref<10240xf32, #tpu.memory_space<vmem_shared>>)
        tpu.yield
      }) : () -> ()
    }
    %scan3A_5 = arith.constant 80 : i32
    %barrier3A_6 = arith.constant 0 : index
    tpu.barrier barrier_id(%barrier3A_6)
    %mul3A_7 = arith.constant 640 : i32
    %mul3A_8 = arith.muli %arg1, %mul3A_7 : i32
    %mul3A_9 = arith.constant 640 : i32
    %mul3A_10 = arith.muli %arg1, %mul3A_9 : i32
    "tpu.region"() ({
      %run_scoped3A = tpu.sem_alloc : memref<!tpu.dma_semaphore, #tpu.memory_space<semaphore_mem>>
      %dma_start3A = tpu.memref_slice %arg5[%arg0, %mul3A_10] : memref<2x10240xf32, #tpu.memory_space<hbm>> -> memref<1x640xf32, #tpu.memory_space<hbm>>
      %dma_start3A_11 = tpu.memref_squeeze %dma_start3A : memref<1x640xf32, #tpu.memory_space<hbm>> -> memref<640xf32, #tpu.memory_space<hbm>>
      %dma_start3A_12 = tpu.memref_slice %arg8[%mul3A_8] : memref<10240xf32, #tpu.memory_space<vmem_shared>> -> memref<640xf32, #tpu.memory_space<vmem_shared>>
      tpu.enqueue_dma source(%dma_start3A_12 : memref<640xf32, #tpu.memory_space<vmem_shared>>) target(%dma_start3A_11 : memref<640xf32, #tpu.memory_space<hbm>>) target_semaphore(%run_scoped3A : memref<!tpu.dma_semaphore, #tpu.memory_space<semaphore_mem>>)
      %dma_wait3A = tpu.memref_slice %arg5[%arg0, %mul3A_10] : memref<2x10240xf32, #tpu.memory_space<hbm>> -> memref<1x640xf32, #tpu.memory_space<hbm>>
      %dma_wait3A_13 = tpu.memref_squeeze %dma_wait3A : memref<1x640xf32, #tpu.memory_space<hbm>> -> memref<640xf32, #tpu.memory_space<hbm>>
      %dma_wait3A_14 = tpu.memref_slice %arg8[%mul3A_8] : memref<10240xf32, #tpu.memory_space<vmem_shared>> -> memref<640xf32, #tpu.memory_space<vmem_shared>>
      tpu.wait_dma2 semaphore(%run_scoped3A : memref<!tpu.dma_semaphore, #tpu.memory_space<semaphore_mem>>) src(%dma_wait3A_14 : memref<640xf32, #tpu.memory_space<vmem_shared>>) dst(%dma_wait3A_13 : memref<640xf32, #tpu.memory_space<hbm>>)
      tpu.yield
    }) : () -> ()
    return
  }
}

#map = affine_map<(d0, d1) -> (0, 0, 0)>
module attributes {stable_mosaic.version = 14 : i64} {
  func.func @_agg_body(%arg0: i32, %arg1: i32, %arg2: memref<2x10240x128xf32, #tpu.memory_space<hbm>>, %arg3: memref<16x160x125xi32, #tpu.memory_space<hbm>>, %arg4: memref<16x160x125xi32, #tpu.memory_space<hbm>>, %arg5: memref<2x10240x128xf32, #tpu.memory_space<hbm>>, %arg6: memref<16x125xi32, #tpu.memory_space<vmem>>, %arg7: memref<16x125xi32, #tpu.memory_space<vmem>>, %arg8: memref<2x125x128xf32, #tpu.memory_space<vmem>>, %arg9: memref<!tpu.dma_semaphore, #tpu.memory_space<semaphore_mem>>, %arg10: memref<10240x128xf32, #tpu.memory_space<vmem_shared>>) attributes {dimension_semantics = [#tpu.dimension_semantics<core_parallel>, #tpu.dimension_semantics<subcore_parallel>], iteration_bounds = array<i64: 2, 16>, scalar_prefetch = 0 : i64, scratch_operands = 5 : i64, tpu.core_type = #tpu.core_type<sc_vector_subcore>, window_params = [{transform_indices = #map}, {transform_indices = #map}, {transform_indices = #map}, {transform_indices = #map}]} {
    %mul3A = arith.constant 640 : i32
    %mul3A_0 = arith.muli %arg1, %mul3A : i32
    "tpu.region"() ({
      %run_scoped3A = tpu.sem_alloc : memref<!tpu.dma_semaphore, #tpu.memory_space<semaphore_mem>>
      %dma_start3A = arith.constant 0 : i32
      %dma_start3A_7 = tpu.memref_slice %arg10[%mul3A_0, %dma_start3A] : memref<10240x128xf32, #tpu.memory_space<vmem_shared>> -> memref<640x128xf32, #tpu.memory_space<vmem_shared>>
      %dma_start3A_8 = arith.constant 0 : i32
      %dma_start3A_9 = tpu.memref_slice %arg2[%arg0, %mul3A_0, %dma_start3A_8] : memref<2x10240x128xf32, #tpu.memory_space<hbm>> -> memref<1x640x128xf32, #tpu.memory_space<hbm>>
      %dma_start3A_10 = tpu.memref_squeeze %dma_start3A_9 : memref<1x640x128xf32, #tpu.memory_space<hbm>> -> memref<640x128xf32, #tpu.memory_space<hbm>>
      tpu.enqueue_dma source(%dma_start3A_10 : memref<640x128xf32, #tpu.memory_space<hbm>>) target(%dma_start3A_7 : memref<640x128xf32, #tpu.memory_space<vmem_shared>>) target_semaphore(%run_scoped3A : memref<!tpu.dma_semaphore, #tpu.memory_space<semaphore_mem>>)
      %dma_wait3A = arith.constant 0 : i32
      %dma_wait3A_11 = tpu.memref_slice %arg10[%mul3A_0, %dma_wait3A] : memref<10240x128xf32, #tpu.memory_space<vmem_shared>> -> memref<640x128xf32, #tpu.memory_space<vmem_shared>>
      %dma_wait3A_12 = arith.constant 0 : i32
      %dma_wait3A_13 = tpu.memref_slice %arg2[%arg0, %mul3A_0, %dma_wait3A_12] : memref<2x10240x128xf32, #tpu.memory_space<hbm>> -> memref<1x640x128xf32, #tpu.memory_space<hbm>>
      %dma_wait3A_14 = tpu.memref_squeeze %dma_wait3A_13 : memref<1x640x128xf32, #tpu.memory_space<hbm>> -> memref<640x128xf32, #tpu.memory_space<hbm>>
      tpu.wait_dma2 semaphore(%run_scoped3A : memref<!tpu.dma_semaphore, #tpu.memory_space<semaphore_mem>>) src(%dma_wait3A_14 : memref<640x128xf32, #tpu.memory_space<hbm>>) dst(%dma_wait3A_11 : memref<640x128xf32, #tpu.memory_space<vmem_shared>>)
      tpu.yield
    }) : () -> ()
    %barrier3A = arith.constant 0 : index
    tpu.barrier barrier_id(%barrier3A)
    %scan3A = arith.constant 0 : i32
    %scan3A_1 = arith.constant 0 : i32
    %scan3A_2 = arith.constant 10 : i32
    %scan3A_3 = arith.addi %scan3A_1, %scan3A_2 : i32
    %scan3A_4 = arith.constant 1 : i32
    scf.for %scan3A_7 = %scan3A_1 to %scan3A_3 step %scan3A_4  : i32 {
      %mul3A_8 = arith.constant 16 : i32
      %mul3A_9 = arith.muli %scan3A_7, %mul3A_8 : i32
      "tpu.region"() ({
        %run_scoped3A = tpu.sem_alloc : memref<!tpu.dma_semaphore, #tpu.memory_space<semaphore_mem>>
        %dma_start3A_49 = arith.constant 0 : i32
        %dma_start3A_50 = tpu.memref_slice %arg3[%arg1, %mul3A_9, %dma_start3A_49] : memref<16x160x125xi32, #tpu.memory_space<hbm>> -> memref<1x16x125xi32, #tpu.memory_space<hbm>>
        %dma_start3A_51 = tpu.memref_squeeze %dma_start3A_50 : memref<1x16x125xi32, #tpu.memory_space<hbm>> -> memref<16x125xi32, #tpu.memory_space<hbm>>
        %dma_start3A_52 = arith.constant 0 : i32
        %dma_start3A_53 = tpu.memref_slice %arg3[%arg1, %mul3A_9, %dma_start3A_52] : memref<16x160x125xi32, #tpu.memory_space<hbm>> -> memref<1x16x125xi32, #tpu.memory_space<hbm>>
        %dma_start3A_54 = tpu.memref_squeeze %dma_start3A_53 : memref<1x16x125xi32, #tpu.memory_space<hbm>> -> memref<16x125xi32, #tpu.memory_space<hbm>>
        tpu.enqueue_dma source(%dma_start3A_54 : memref<16x125xi32, #tpu.memory_space<hbm>>) target(%arg6 : memref<16x125xi32, #tpu.memory_space<vmem>>) target_semaphore(%run_scoped3A : memref<!tpu.dma_semaphore, #tpu.memory_space<semaphore_mem>>)
        %dma_wait3A = arith.constant 0 : i32
        %dma_wait3A_55 = tpu.memref_slice %arg3[%arg1, %mul3A_9, %dma_wait3A] : memref<16x160x125xi32, #tpu.memory_space<hbm>> -> memref<1x16x125xi32, #tpu.memory_space<hbm>>
        %dma_wait3A_56 = tpu.memref_squeeze %dma_wait3A_55 : memref<1x16x125xi32, #tpu.memory_space<hbm>> -> memref<16x125xi32, #tpu.memory_space<hbm>>
        %dma_wait3A_57 = arith.constant 0 : i32
        %dma_wait3A_58 = tpu.memref_slice %arg3[%arg1, %mul3A_9, %dma_wait3A_57] : memref<16x160x125xi32, #tpu.memory_space<hbm>> -> memref<1x16x125xi32, #tpu.memory_space<hbm>>
        %dma_wait3A_59 = tpu.memref_squeeze %dma_wait3A_58 : memref<1x16x125xi32, #tpu.memory_space<hbm>> -> memref<16x125xi32, #tpu.memory_space<hbm>>
        tpu.wait_dma2 semaphore(%run_scoped3A : memref<!tpu.dma_semaphore, #tpu.memory_space<semaphore_mem>>) src(%dma_wait3A_59 : memref<16x125xi32, #tpu.memory_space<hbm>>) dst(%arg6 : memref<16x125xi32, #tpu.memory_space<vmem>>)
        tpu.yield
      }) : () -> ()
      %mul3A_10 = arith.constant 16 : i32
      %mul3A_11 = arith.muli %scan3A_7, %mul3A_10 : i32
      "tpu.region"() ({
        %run_scoped3A = tpu.sem_alloc : memref<!tpu.dma_semaphore, #tpu.memory_space<semaphore_mem>>
        %dma_start3A_49 = arith.constant 0 : i32
        %dma_start3A_50 = tpu.memref_slice %arg4[%arg1, %mul3A_11, %dma_start3A_49] : memref<16x160x125xi32, #tpu.memory_space<hbm>> -> memref<1x16x125xi32, #tpu.memory_space<hbm>>
        %dma_start3A_51 = tpu.memref_squeeze %dma_start3A_50 : memref<1x16x125xi32, #tpu.memory_space<hbm>> -> memref<16x125xi32, #tpu.memory_space<hbm>>
        %dma_start3A_52 = arith.constant 0 : i32
        %dma_start3A_53 = tpu.memref_slice %arg4[%arg1, %mul3A_11, %dma_start3A_52] : memref<16x160x125xi32, #tpu.memory_space<hbm>> -> memref<1x16x125xi32, #tpu.memory_space<hbm>>
        %dma_start3A_54 = tpu.memref_squeeze %dma_start3A_53 : memref<1x16x125xi32, #tpu.memory_space<hbm>> -> memref<16x125xi32, #tpu.memory_space<hbm>>
        tpu.enqueue_dma source(%dma_start3A_54 : memref<16x125xi32, #tpu.memory_space<hbm>>) target(%arg7 : memref<16x125xi32, #tpu.memory_space<vmem>>) target_semaphore(%run_scoped3A : memref<!tpu.dma_semaphore, #tpu.memory_space<semaphore_mem>>)
        %dma_wait3A = arith.constant 0 : i32
        %dma_wait3A_55 = tpu.memref_slice %arg4[%arg1, %mul3A_11, %dma_wait3A] : memref<16x160x125xi32, #tpu.memory_space<hbm>> -> memref<1x16x125xi32, #tpu.memory_space<hbm>>
        %dma_wait3A_56 = tpu.memref_squeeze %dma_wait3A_55 : memref<1x16x125xi32, #tpu.memory_space<hbm>> -> memref<16x125xi32, #tpu.memory_space<hbm>>
        %dma_wait3A_57 = arith.constant 0 : i32
        %dma_wait3A_58 = tpu.memref_slice %arg4[%arg1, %mul3A_11, %dma_wait3A_57] : memref<16x160x125xi32, #tpu.memory_space<hbm>> -> memref<1x16x125xi32, #tpu.memory_space<hbm>>
        %dma_wait3A_59 = tpu.memref_squeeze %dma_wait3A_58 : memref<1x16x125xi32, #tpu.memory_space<hbm>> -> memref<16x125xi32, #tpu.memory_space<hbm>>
        tpu.wait_dma2 semaphore(%run_scoped3A : memref<!tpu.dma_semaphore, #tpu.memory_space<semaphore_mem>>) src(%dma_wait3A_59 : memref<16x125xi32, #tpu.memory_space<hbm>>) dst(%arg7 : memref<16x125xi32, #tpu.memory_space<vmem>>)
        tpu.yield
      }) : () -> ()
      %dma_start3A = arith.constant 0 : i32
      %dma_start3A_12 = arith.constant 0 : i32
      %dma_start3A_13 = arith.constant 0 : i32
      %dma_start3A_14 = arith.constant 0 : i32
      %dma_start3A_15 = tpu.memref_slice %arg8[%dma_start3A_12, %dma_start3A_13, %dma_start3A_14] : memref<2x125x128xf32, #tpu.memory_space<vmem>> -> memref<1x125x128xf32, #tpu.memory_space<vmem>>
      %dma_start3A_16 = tpu.memref_squeeze %dma_start3A_15 : memref<1x125x128xf32, #tpu.memory_space<vmem>> -> memref<125x128xf32, #tpu.memory_space<vmem>>
      %dma_start3A_17 = arith.constant 0 : i32
      %dma_start3A_18 = tpu.memref_slice %arg6[%dma_start3A, %dma_start3A_17] : memref<16x125xi32, #tpu.memory_space<vmem>> -> memref<1x125xi32, #tpu.memory_space<vmem>>
      %dma_start3A_19 = tpu.memref_squeeze %dma_start3A_18 : memref<1x125xi32, #tpu.memory_space<vmem>> -> memref<125xi32, #tpu.memory_space<vmem>>
      %dma_start3A_20 = arith.constant 0 : i32
      %dma_start3A_21 = arith.constant 0 : i32
      %dma_start3A_22 = tpu.memref_slice %arg2[%arg0, %dma_start3A_20, %dma_start3A_21] : memref<2x10240x128xf32, #tpu.memory_space<hbm>> -> memref<1x10240x128xf32, #tpu.memory_space<hbm>>
      %dma_start3A_23 = tpu.memref_squeeze %dma_start3A_22 : memref<1x10240x128xf32, #tpu.memory_space<hbm>> -> memref<10240x128xf32, #tpu.memory_space<hbm>>
      %dma_start3A_24 = arith.constant 0 : i32
      %dma_start3A_25 = arith.constant 0 : i32
      %dma_start3A_26 = tpu.memref_slice %dma_start3A_23[%dma_start3A_24, %dma_start3A_25] : memref<10240x128xf32, #tpu.memory_space<hbm>> -> memref<10240x128xf32, #tpu.memory_space<hbm>>
      tpu.enqueue_indirect_dma source(%dma_start3A_26 : memref<10240x128xf32, #tpu.memory_space<hbm>>) target(%dma_start3A_16 : memref<125x128xf32, #tpu.memory_space<vmem>>) offsets(%dma_start3A_19 : memref<125xi32, #tpu.memory_space<vmem>>) semaphore(%arg9 : memref<!tpu.dma_semaphore, #tpu.memory_space<semaphore_mem>>)
      %dma_start3A_27 = arith.constant 1 : i32
      %dma_start3A_28 = arith.constant 1 : i32
      %dma_start3A_29 = arith.constant 0 : i32
      %dma_start3A_30 = arith.constant 0 : i32
      %dma_start3A_31 = tpu.memref_slice %arg8[%dma_start3A_28, %dma_start3A_29, %dma_start3A_30] : memref<2x125x128xf32, #tpu.memory_space<vmem>> -> memref<1x125x128xf32, #tpu.memory_space<vmem>>
      %dma_start3A_32 = tpu.memref_squeeze %dma_start3A_31 : memref<1x125x128xf32, #tpu.memory_space<vmem>> -> memref<125x128xf32, #tpu.memory_space<vmem>>
      %dma_start3A_33 = arith.constant 0 : i32
      %dma_start3A_34 = tpu.memref_slice %arg6[%dma_start3A_27, %dma_start3A_33] : memref<16x125xi32, #tpu.memory_space<vmem>> -> memref<1x125xi32, #tpu.memory_space<vmem>>
      %dma_start3A_35 = tpu.memref_squeeze %dma_start3A_34 : memref<1x125xi32, #tpu.memory_space<vmem>> -> memref<125xi32, #tpu.memory_space<vmem>>
      %dma_start3A_36 = arith.constant 0 : i32
      %dma_start3A_37 = arith.constant 0 : i32
      %dma_start3A_38 = tpu.memref_slice %arg2[%arg0, %dma_start3A_36, %dma_start3A_37] : memref<2x10240x128xf32, #tpu.memory_space<hbm>> -> memref<1x10240x128xf32, #tpu.memory_space<hbm>>
      %dma_start3A_39 = tpu.memref_squeeze %dma_start3A_38 : memref<1x10240x128xf32, #tpu.memory_space<hbm>> -> memref<10240x128xf32, #tpu.memory_space<hbm>>
      %dma_start3A_40 = arith.constant 0 : i32
      %dma_start3A_41 = arith.constant 0 : i32
      %dma_start3A_42 = tpu.memref_slice %dma_start3A_39[%dma_start3A_40, %dma_start3A_41] : memref<10240x128xf32, #tpu.memory_space<hbm>> -> memref<10240x128xf32, #tpu.memory_space<hbm>>
      tpu.enqueue_indirect_dma source(%dma_start3A_42 : memref<10240x128xf32, #tpu.memory_space<hbm>>) target(%dma_start3A_32 : memref<125x128xf32, #tpu.memory_space<vmem>>) offsets(%dma_start3A_35 : memref<125xi32, #tpu.memory_space<vmem>>) semaphore(%arg9 : memref<!tpu.dma_semaphore, #tpu.memory_space<semaphore_mem>>)
      %scan3A_43 = arith.constant 0 : i32
      %scan3A_44 = arith.constant 0 : i32
      %scan3A_45 = arith.constant 8 : i32
      %scan3A_46 = arith.addi %scan3A_44, %scan3A_45 : i32
      %scan3A_47 = arith.constant 1 : i32
      scf.for %scan3A_49 = %scan3A_44 to %scan3A_46 step %scan3A_47  : i32 {
        %mul3A_50 = arith.constant 2 : i32
        %mul3A_51 = arith.muli %scan3A_49, %mul3A_50 : i32
        %add3A = arith.constant 0 : i32
        %add3A_52 = arith.addi %mul3A_51, %add3A : i32
        %dma_wait3A = arith.constant 0 : i32
        %dma_wait3A_53 = arith.constant 0 : i32
        %dma_wait3A_54 = arith.constant 0 : i32
        %dma_wait3A_55 = tpu.memref_slice %arg8[%dma_wait3A, %dma_wait3A_53, %dma_wait3A_54] : memref<2x125x128xf32, #tpu.memory_space<vmem>> -> memref<1x125x128xf32, #tpu.memory_space<vmem>>
        %dma_wait3A_56 = tpu.memref_squeeze %dma_wait3A_55 : memref<1x125x128xf32, #tpu.memory_space<vmem>> -> memref<125x128xf32, #tpu.memory_space<vmem>>
        %dma_wait3A_57 = arith.constant 0 : i32
        %dma_wait3A_58 = tpu.memref_slice %arg6[%add3A_52, %dma_wait3A_57] : memref<16x125xi32, #tpu.memory_space<vmem>> -> memref<1x125xi32, #tpu.memory_space<vmem>>
        %dma_wait3A_59 = tpu.memref_squeeze %dma_wait3A_58 : memref<1x125xi32, #tpu.memory_space<vmem>> -> memref<125xi32, #tpu.memory_space<vmem>>
        %dma_wait3A_60 = arith.constant 0 : i32
        %dma_wait3A_61 = arith.constant 0 : i32
        %dma_wait3A_62 = tpu.memref_slice %arg2[%arg0, %dma_wait3A_60, %dma_wait3A_61] : memref<2x10240x128xf32, #tpu.memory_space<hbm>> -> memref<1x10240x128xf32, #tpu.memory_space<hbm>>
        %dma_wait3A_63 = tpu.memref_squeeze %dma_wait3A_62 : memref<1x10240x128xf32, #tpu.memory_space<hbm>> -> memref<10240x128xf32, #tpu.memory_space<hbm>>
        %dma_wait3A_64 = arith.constant 0 : i32
        %dma_wait3A_65 = arith.constant 0 : i32
        %dma_wait3A_66 = tpu.memref_slice %dma_wait3A_63[%dma_wait3A_64, %dma_wait3A_65] : memref<10240x128xf32, #tpu.memory_space<hbm>> -> memref<10240x128xf32, #tpu.memory_space<hbm>>
        tpu.wait_indirect_dma semaphore(%arg9 : memref<!tpu.dma_semaphore, #tpu.memory_space<semaphore_mem>>) src(%dma_wait3A_66 : memref<10240x128xf32, #tpu.memory_space<hbm>>) dst(%dma_wait3A_56 : memref<125x128xf32, #tpu.memory_space<vmem>>)
        %add3A_67 = arith.constant 2 : i32
        %add3A_68 = arith.addi %add3A_52, %add3A_67 : i32
        %lt3A = arith.constant 16 : i32
        %lt3A_69 = arith.cmpi slt, %add3A_68, %lt3A : i32
        %convert_element_type3A = arith.extui %lt3A_69 : i1 to i32
        %cond3A = arith.constant 0 : i32
        %cond3A_70 = arith.cmpi ne, %convert_element_type3A, %cond3A : i32
        scf.if %cond3A_70 {
          %add3A_98 = arith.constant 2 : i32
          %add3A_99 = arith.addi %add3A_52, %add3A_98 : i32
          %dma_start3A_100 = arith.constant 0 : i32
          %dma_start3A_101 = arith.constant 0 : i32
          %dma_start3A_102 = arith.constant 0 : i32
          %dma_start3A_103 = tpu.memref_slice %arg8[%dma_start3A_100, %dma_start3A_101, %dma_start3A_102] : memref<2x125x128xf32, #tpu.memory_space<vmem>> -> memref<1x125x128xf32, #tpu.memory_space<vmem>>
          %dma_start3A_104 = tpu.memref_squeeze %dma_start3A_103 : memref<1x125x128xf32, #tpu.memory_space<vmem>> -> memref<125x128xf32, #tpu.memory_space<vmem>>
          %dma_start3A_105 = arith.constant 0 : i32
          %dma_start3A_106 = tpu.memref_slice %arg6[%add3A_99, %dma_start3A_105] : memref<16x125xi32, #tpu.memory_space<vmem>> -> memref<1x125xi32, #tpu.memory_space<vmem>>
          %dma_start3A_107 = tpu.memref_squeeze %dma_start3A_106 : memref<1x125xi32, #tpu.memory_space<vmem>> -> memref<125xi32, #tpu.memory_space<vmem>>
          %dma_start3A_108 = arith.constant 0 : i32
          %dma_start3A_109 = arith.constant 0 : i32
          %dma_start3A_110 = tpu.memref_slice %arg2[%arg0, %dma_start3A_108, %dma_start3A_109] : memref<2x10240x128xf32, #tpu.memory_space<hbm>> -> memref<1x10240x128xf32, #tpu.memory_space<hbm>>
          %dma_start3A_111 = tpu.memref_squeeze %dma_start3A_110 : memref<1x10240x128xf32, #tpu.memory_space<hbm>> -> memref<10240x128xf32, #tpu.memory_space<hbm>>
          %dma_start3A_112 = arith.constant 0 : i32
          %dma_start3A_113 = arith.constant 0 : i32
          %dma_start3A_114 = tpu.memref_slice %dma_start3A_111[%dma_start3A_112, %dma_start3A_113] : memref<10240x128xf32, #tpu.memory_space<hbm>> -> memref<10240x128xf32, #tpu.memory_space<hbm>>
          tpu.enqueue_indirect_dma source(%dma_start3A_114 : memref<10240x128xf32, #tpu.memory_space<hbm>>) target(%dma_start3A_104 : memref<125x128xf32, #tpu.memory_space<vmem>>) offsets(%dma_start3A_107 : memref<125xi32, #tpu.memory_space<vmem>>) semaphore(%arg9 : memref<!tpu.dma_semaphore, #tpu.memory_space<semaphore_mem>>)
        } else {
        }
        %run_scoped3A = arith.constant 0 : i32
        "tpu.region"() ({
          %run_scoped3A_98 = tpu.sem_alloc : memref<!tpu.dma_semaphore, #tpu.memory_space<semaphore_mem>>
          %dma_start3A_99 = arith.constant 0 : i32
          %dma_start3A_100 = arith.constant 0 : i32
          %dma_start3A_101 = tpu.memref_slice %arg8[%run_scoped3A, %dma_start3A_99, %dma_start3A_100] : memref<2x125x128xf32, #tpu.memory_space<vmem>> -> memref<1x125x128xf32, #tpu.memory_space<vmem>>
          %dma_start3A_102 = tpu.memref_squeeze %dma_start3A_101 : memref<1x125x128xf32, #tpu.memory_space<vmem>> -> memref<125x128xf32, #tpu.memory_space<vmem>>
          %dma_start3A_103 = arith.constant 0 : i32
          %dma_start3A_104 = tpu.memref_slice %arg7[%add3A_52, %dma_start3A_103] : memref<16x125xi32, #tpu.memory_space<vmem>> -> memref<1x125xi32, #tpu.memory_space<vmem>>
          %dma_start3A_105 = tpu.memref_squeeze %dma_start3A_104 : memref<1x125xi32, #tpu.memory_space<vmem>> -> memref<125xi32, #tpu.memory_space<vmem>>
          %dma_start3A_106 = arith.constant 0 : i32
          %dma_start3A_107 = arith.constant 0 : i32
          %dma_start3A_108 = tpu.memref_slice %arg10[%dma_start3A_106, %dma_start3A_107] : memref<10240x128xf32, #tpu.memory_space<vmem_shared>> -> memref<10240x128xf32, #tpu.memory_space<vmem_shared>>
          tpu.enqueue_indirect_dma source(%dma_start3A_102 : memref<125x128xf32, #tpu.memory_space<vmem>>) target(%dma_start3A_108 : memref<10240x128xf32, #tpu.memory_space<vmem_shared>>) offsets(%dma_start3A_105 : memref<125xi32, #tpu.memory_space<vmem>>) semaphore(%run_scoped3A_98 : memref<!tpu.dma_semaphore, #tpu.memory_space<semaphore_mem>>) {add = true}
          %dma_wait3A_109 = arith.constant 0 : i32
          %dma_wait3A_110 = arith.constant 0 : i32
          %dma_wait3A_111 = tpu.memref_slice %arg8[%run_scoped3A, %dma_wait3A_109, %dma_wait3A_110] : memref<2x125x128xf32, #tpu.memory_space<vmem>> -> memref<1x125x128xf32, #tpu.memory_space<vmem>>
          %dma_wait3A_112 = tpu.memref_squeeze %dma_wait3A_111 : memref<1x125x128xf32, #tpu.memory_space<vmem>> -> memref<125x128xf32, #tpu.memory_space<vmem>>
          %dma_wait3A_113 = arith.constant 0 : i32
          %dma_wait3A_114 = tpu.memref_slice %arg7[%add3A_52, %dma_wait3A_113] : memref<16x125xi32, #tpu.memory_space<vmem>> -> memref<1x125xi32, #tpu.memory_space<vmem>>
          %dma_wait3A_115 = tpu.memref_squeeze %dma_wait3A_114 : memref<1x125xi32, #tpu.memory_space<vmem>> -> memref<125xi32, #tpu.memory_space<vmem>>
          %dma_wait3A_116 = arith.constant 0 : i32
          %dma_wait3A_117 = arith.constant 0 : i32
          %dma_wait3A_118 = tpu.memref_slice %arg10[%dma_wait3A_116, %dma_wait3A_117] : memref<10240x128xf32, #tpu.memory_space<vmem_shared>> -> memref<10240x128xf32, #tpu.memory_space<vmem_shared>>
          tpu.wait_indirect_dma semaphore(%run_scoped3A_98 : memref<!tpu.dma_semaphore, #tpu.memory_space<semaphore_mem>>) src(%dma_wait3A_112 : memref<125x128xf32, #tpu.memory_space<vmem>>) dst(%dma_wait3A_118 : memref<10240x128xf32, #tpu.memory_space<vmem_shared>>)
          tpu.yield
        }) : () -> ()
        %mul3A_71 = arith.constant 2 : i32
        %mul3A_72 = arith.muli %scan3A_49, %mul3A_71 : i32
        %add3A_73 = arith.constant 1 : i32
        %add3A_74 = arith.addi %mul3A_72, %add3A_73 : i32
        %dma_wait3A_75 = arith.constant 1 : i32
        %dma_wait3A_76 = arith.constant 0 : i32
        %dma_wait3A_77 = arith.constant 0 : i32
        %dma_wait3A_78 = tpu.memref_slice %arg8[%dma_wait3A_75, %dma_wait3A_76, %dma_wait3A_77] : memref<2x125x128xf32, #tpu.memory_space<vmem>> -> memref<1x125x128xf32, #tpu.memory_space<vmem>>
        %dma_wait3A_79 = tpu.memref_squeeze %dma_wait3A_78 : memref<1x125x128xf32, #tpu.memory_space<vmem>> -> memref<125x128xf32, #tpu.memory_space<vmem>>
        %dma_wait3A_80 = arith.constant 0 : i32
        %dma_wait3A_81 = tpu.memref_slice %arg6[%add3A_74, %dma_wait3A_80] : memref<16x125xi32, #tpu.memory_space<vmem>> -> memref<1x125xi32, #tpu.memory_space<vmem>>
        %dma_wait3A_82 = tpu.memref_squeeze %dma_wait3A_81 : memref<1x125xi32, #tpu.memory_space<vmem>> -> memref<125xi32, #tpu.memory_space<vmem>>
        %dma_wait3A_83 = arith.constant 0 : i32
        %dma_wait3A_84 = arith.constant 0 : i32
        %dma_wait3A_85 = tpu.memref_slice %arg2[%arg0, %dma_wait3A_83, %dma_wait3A_84] : memref<2x10240x128xf32, #tpu.memory_space<hbm>> -> memref<1x10240x128xf32, #tpu.memory_space<hbm>>
        %dma_wait3A_86 = tpu.memref_squeeze %dma_wait3A_85 : memref<1x10240x128xf32, #tpu.memory_space<hbm>> -> memref<10240x128xf32, #tpu.memory_space<hbm>>
        %dma_wait3A_87 = arith.constant 0 : i32
        %dma_wait3A_88 = arith.constant 0 : i32
        %dma_wait3A_89 = tpu.memref_slice %dma_wait3A_86[%dma_wait3A_87, %dma_wait3A_88] : memref<10240x128xf32, #tpu.memory_space<hbm>> -> memref<10240x128xf32, #tpu.memory_space<hbm>>
        tpu.wait_indirect_dma semaphore(%arg9 : memref<!tpu.dma_semaphore, #tpu.memory_space<semaphore_mem>>) src(%dma_wait3A_89 : memref<10240x128xf32, #tpu.memory_space<hbm>>) dst(%dma_wait3A_79 : memref<125x128xf32, #tpu.memory_space<vmem>>)
        %add3A_90 = arith.constant 2 : i32
        %add3A_91 = arith.addi %add3A_74, %add3A_90 : i32
        %lt3A_92 = arith.constant 16 : i32
        %lt3A_93 = arith.cmpi slt, %add3A_91, %lt3A_92 : i32
        %convert_element_type3A_94 = arith.extui %lt3A_93 : i1 to i32
        %cond3A_95 = arith.constant 0 : i32
        %cond3A_96 = arith.cmpi ne, %convert_element_type3A_94, %cond3A_95 : i32
        scf.if %cond3A_96 {
          %add3A_98 = arith.constant 2 : i32
          %add3A_99 = arith.addi %add3A_74, %add3A_98 : i32
          %dma_start3A_100 = arith.constant 1 : i32
          %dma_start3A_101 = arith.constant 0 : i32
          %dma_start3A_102 = arith.constant 0 : i32
          %dma_start3A_103 = tpu.memref_slice %arg8[%dma_start3A_100, %dma_start3A_101, %dma_start3A_102] : memref<2x125x128xf32, #tpu.memory_space<vmem>> -> memref<1x125x128xf32, #tpu.memory_space<vmem>>
          %dma_start3A_104 = tpu.memref_squeeze %dma_start3A_103 : memref<1x125x128xf32, #tpu.memory_space<vmem>> -> memref<125x128xf32, #tpu.memory_space<vmem>>
          %dma_start3A_105 = arith.constant 0 : i32
          %dma_start3A_106 = tpu.memref_slice %arg6[%add3A_99, %dma_start3A_105] : memref<16x125xi32, #tpu.memory_space<vmem>> -> memref<1x125xi32, #tpu.memory_space<vmem>>
          %dma_start3A_107 = tpu.memref_squeeze %dma_start3A_106 : memref<1x125xi32, #tpu.memory_space<vmem>> -> memref<125xi32, #tpu.memory_space<vmem>>
          %dma_start3A_108 = arith.constant 0 : i32
          %dma_start3A_109 = arith.constant 0 : i32
          %dma_start3A_110 = tpu.memref_slice %arg2[%arg0, %dma_start3A_108, %dma_start3A_109] : memref<2x10240x128xf32, #tpu.memory_space<hbm>> -> memref<1x10240x128xf32, #tpu.memory_space<hbm>>
          %dma_start3A_111 = tpu.memref_squeeze %dma_start3A_110 : memref<1x10240x128xf32, #tpu.memory_space<hbm>> -> memref<10240x128xf32, #tpu.memory_space<hbm>>
          %dma_start3A_112 = arith.constant 0 : i32
          %dma_start3A_113 = arith.constant 0 : i32
          %dma_start3A_114 = tpu.memref_slice %dma_start3A_111[%dma_start3A_112, %dma_start3A_113] : memref<10240x128xf32, #tpu.memory_space<hbm>> -> memref<10240x128xf32, #tpu.memory_space<hbm>>
          tpu.enqueue_indirect_dma source(%dma_start3A_114 : memref<10240x128xf32, #tpu.memory_space<hbm>>) target(%dma_start3A_104 : memref<125x128xf32, #tpu.memory_space<vmem>>) offsets(%dma_start3A_107 : memref<125xi32, #tpu.memory_space<vmem>>) semaphore(%arg9 : memref<!tpu.dma_semaphore, #tpu.memory_space<semaphore_mem>>)
        } else {
        }
        %run_scoped3A_97 = arith.constant 1 : i32
        "tpu.region"() ({
          %run_scoped3A_98 = tpu.sem_alloc : memref<!tpu.dma_semaphore, #tpu.memory_space<semaphore_mem>>
          %dma_start3A_99 = arith.constant 0 : i32
          %dma_start3A_100 = arith.constant 0 : i32
          %dma_start3A_101 = tpu.memref_slice %arg8[%run_scoped3A_97, %dma_start3A_99, %dma_start3A_100] : memref<2x125x128xf32, #tpu.memory_space<vmem>> -> memref<1x125x128xf32, #tpu.memory_space<vmem>>
          %dma_start3A_102 = tpu.memref_squeeze %dma_start3A_101 : memref<1x125x128xf32, #tpu.memory_space<vmem>> -> memref<125x128xf32, #tpu.memory_space<vmem>>
          %dma_start3A_103 = arith.constant 0 : i32
          %dma_start3A_104 = tpu.memref_slice %arg7[%add3A_74, %dma_start3A_103] : memref<16x125xi32, #tpu.memory_space<vmem>> -> memref<1x125xi32, #tpu.memory_space<vmem>>
          %dma_start3A_105 = tpu.memref_squeeze %dma_start3A_104 : memref<1x125xi32, #tpu.memory_space<vmem>> -> memref<125xi32, #tpu.memory_space<vmem>>
          %dma_start3A_106 = arith.constant 0 : i32
          %dma_start3A_107 = arith.constant 0 : i32
          %dma_start3A_108 = tpu.memref_slice %arg10[%dma_start3A_106, %dma_start3A_107] : memref<10240x128xf32, #tpu.memory_space<vmem_shared>> -> memref<10240x128xf32, #tpu.memory_space<vmem_shared>>
          tpu.enqueue_indirect_dma source(%dma_start3A_102 : memref<125x128xf32, #tpu.memory_space<vmem>>) target(%dma_start3A_108 : memref<10240x128xf32, #tpu.memory_space<vmem_shared>>) offsets(%dma_start3A_105 : memref<125xi32, #tpu.memory_space<vmem>>) semaphore(%run_scoped3A_98 : memref<!tpu.dma_semaphore, #tpu.memory_space<semaphore_mem>>) {add = true}
          %dma_wait3A_109 = arith.constant 0 : i32
          %dma_wait3A_110 = arith.constant 0 : i32
          %dma_wait3A_111 = tpu.memref_slice %arg8[%run_scoped3A_97, %dma_wait3A_109, %dma_wait3A_110] : memref<2x125x128xf32, #tpu.memory_space<vmem>> -> memref<1x125x128xf32, #tpu.memory_space<vmem>>
          %dma_wait3A_112 = tpu.memref_squeeze %dma_wait3A_111 : memref<1x125x128xf32, #tpu.memory_space<vmem>> -> memref<125x128xf32, #tpu.memory_space<vmem>>
          %dma_wait3A_113 = arith.constant 0 : i32
          %dma_wait3A_114 = tpu.memref_slice %arg7[%add3A_74, %dma_wait3A_113] : memref<16x125xi32, #tpu.memory_space<vmem>> -> memref<1x125xi32, #tpu.memory_space<vmem>>
          %dma_wait3A_115 = tpu.memref_squeeze %dma_wait3A_114 : memref<1x125xi32, #tpu.memory_space<vmem>> -> memref<125xi32, #tpu.memory_space<vmem>>
          %dma_wait3A_116 = arith.constant 0 : i32
          %dma_wait3A_117 = arith.constant 0 : i32
          %dma_wait3A_118 = tpu.memref_slice %arg10[%dma_wait3A_116, %dma_wait3A_117] : memref<10240x128xf32, #tpu.memory_space<vmem_shared>> -> memref<10240x128xf32, #tpu.memory_space<vmem_shared>>
          tpu.wait_indirect_dma semaphore(%run_scoped3A_98 : memref<!tpu.dma_semaphore, #tpu.memory_space<semaphore_mem>>) src(%dma_wait3A_112 : memref<125x128xf32, #tpu.memory_space<vmem>>) dst(%dma_wait3A_118 : memref<10240x128xf32, #tpu.memory_space<vmem_shared>>)
          tpu.yield
        }) : () -> ()
      }
      %scan3A_48 = arith.constant 8 : i32
    }
    %scan3A_5 = arith.constant 10 : i32
    %barrier3A_6 = arith.constant 0 : index
    tpu.barrier barrier_id(%barrier3A_6)
    "tpu.region"() ({
      %run_scoped3A = tpu.sem_alloc : memref<!tpu.dma_semaphore, #tpu.memory_space<semaphore_mem>>
      %dma_start3A = arith.constant 0 : i32
      %dma_start3A_7 = tpu.memref_slice %arg5[%arg0, %mul3A_0, %dma_start3A] : memref<2x10240x128xf32, #tpu.memory_space<hbm>> -> memref<1x640x128xf32, #tpu.memory_space<hbm>>
      %dma_start3A_8 = tpu.memref_squeeze %dma_start3A_7 : memref<1x640x128xf32, #tpu.memory_space<hbm>> -> memref<640x128xf32, #tpu.memory_space<hbm>>
      %dma_start3A_9 = arith.constant 0 : i32
      %dma_start3A_10 = tpu.memref_slice %arg10[%mul3A_0, %dma_start3A_9] : memref<10240x128xf32, #tpu.memory_space<vmem_shared>> -> memref<640x128xf32, #tpu.memory_space<vmem_shared>>
      tpu.enqueue_dma source(%dma_start3A_10 : memref<640x128xf32, #tpu.memory_space<vmem_shared>>) target(%dma_start3A_8 : memref<640x128xf32, #tpu.memory_space<hbm>>) target_semaphore(%run_scoped3A : memref<!tpu.dma_semaphore, #tpu.memory_space<semaphore_mem>>)
      %dma_wait3A = arith.constant 0 : i32
      %dma_wait3A_11 = tpu.memref_slice %arg5[%arg0, %mul3A_0, %dma_wait3A] : memref<2x10240x128xf32, #tpu.memory_space<hbm>> -> memref<1x640x128xf32, #tpu.memory_space<hbm>>
      %dma_wait3A_12 = tpu.memref_squeeze %dma_wait3A_11 : memref<1x640x128xf32, #tpu.memory_space<hbm>> -> memref<640x128xf32, #tpu.memory_space<hbm>>
      %dma_wait3A_13 = arith.constant 0 : i32
      %dma_wait3A_14 = tpu.memref_slice %arg10[%mul3A_0, %dma_wait3A_13] : memref<10240x128xf32, #tpu.memory_space<vmem_shared>> -> memref<640x128xf32, #tpu.memory_space<vmem_shared>>
      tpu.wait_dma2 semaphore(%run_scoped3A : memref<!tpu.dma_semaphore, #tpu.memory_space<semaphore_mem>>) src(%dma_wait3A_14 : memref<640x128xf32, #tpu.memory_space<vmem_shared>>) dst(%dma_wait3A_12 : memref<640x128xf32, #tpu.memory_space<hbm>>)
      tpu.yield
    }) : () -> ()
    return
  }
}

#map = affine_map<(d0, d1) -> (0, 0, 0)>
module attributes {stable_mosaic.version = 14 : i64} {
  func.func @_agg_body(%arg0: i32, %arg1: i32, %arg2: memref<2x10240x128xf32, #tpu.memory_space<hbm>>, %arg3: memref<16x160x125xi32, #tpu.memory_space<hbm>>, %arg4: memref<16x160x125xi32, #tpu.memory_space<hbm>>, %arg5: memref<2x10240x128xf32, #tpu.memory_space<hbm>>, %arg6: memref<16x125xi32, #tpu.memory_space<vmem>>, %arg7: memref<16x125xi32, #tpu.memory_space<vmem>>, %arg8: memref<2x125x128xf32, #tpu.memory_space<vmem>>, %arg9: memref<!tpu.dma_semaphore, #tpu.memory_space<semaphore_mem>>, %arg10: memref<10240x128xf32, #tpu.memory_space<vmem_shared>>) attributes {dimension_semantics = [#tpu.dimension_semantics<core_parallel>, #tpu.dimension_semantics<subcore_parallel>], iteration_bounds = array<i64: 2, 16>, scalar_prefetch = 0 : i64, scratch_operands = 5 : i64, tpu.core_type = #tpu.core_type<sc_vector_subcore>, window_params = [{transform_indices = #map}, {transform_indices = #map}, {transform_indices = #map}, {transform_indices = #map}]} {
    %mul3A = arith.constant 640 : i32
    %mul3A_0 = arith.muli %arg1, %mul3A : i32
    "tpu.region"() ({
      %run_scoped3A = tpu.sem_alloc : memref<!tpu.dma_semaphore, #tpu.memory_space<semaphore_mem>>
      %dma_start3A = arith.constant 0 : i32
      %dma_start3A_7 = tpu.memref_slice %arg10[%mul3A_0, %dma_start3A] : memref<10240x128xf32, #tpu.memory_space<vmem_shared>> -> memref<640x128xf32, #tpu.memory_space<vmem_shared>>
      %dma_start3A_8 = arith.constant 0 : i32
      %dma_start3A_9 = tpu.memref_slice %arg2[%arg0, %mul3A_0, %dma_start3A_8] : memref<2x10240x128xf32, #tpu.memory_space<hbm>> -> memref<1x640x128xf32, #tpu.memory_space<hbm>>
      %dma_start3A_10 = tpu.memref_squeeze %dma_start3A_9 : memref<1x640x128xf32, #tpu.memory_space<hbm>> -> memref<640x128xf32, #tpu.memory_space<hbm>>
      tpu.enqueue_dma source(%dma_start3A_10 : memref<640x128xf32, #tpu.memory_space<hbm>>) target(%dma_start3A_7 : memref<640x128xf32, #tpu.memory_space<vmem_shared>>) target_semaphore(%run_scoped3A : memref<!tpu.dma_semaphore, #tpu.memory_space<semaphore_mem>>)
      %dma_wait3A = arith.constant 0 : i32
      %dma_wait3A_11 = tpu.memref_slice %arg10[%mul3A_0, %dma_wait3A] : memref<10240x128xf32, #tpu.memory_space<vmem_shared>> -> memref<640x128xf32, #tpu.memory_space<vmem_shared>>
      %dma_wait3A_12 = arith.constant 0 : i32
      %dma_wait3A_13 = tpu.memref_slice %arg2[%arg0, %mul3A_0, %dma_wait3A_12] : memref<2x10240x128xf32, #tpu.memory_space<hbm>> -> memref<1x640x128xf32, #tpu.memory_space<hbm>>
      %dma_wait3A_14 = tpu.memref_squeeze %dma_wait3A_13 : memref<1x640x128xf32, #tpu.memory_space<hbm>> -> memref<640x128xf32, #tpu.memory_space<hbm>>
      tpu.wait_dma2 semaphore(%run_scoped3A : memref<!tpu.dma_semaphore, #tpu.memory_space<semaphore_mem>>) src(%dma_wait3A_14 : memref<640x128xf32, #tpu.memory_space<hbm>>) dst(%dma_wait3A_11 : memref<640x128xf32, #tpu.memory_space<vmem_shared>>)
      tpu.yield
    }) : () -> ()
    %barrier3A = arith.constant 0 : index
    tpu.barrier barrier_id(%barrier3A)
    %scan3A = arith.constant 0 : i32
    %scan3A_1 = arith.constant 0 : i32
    %scan3A_2 = arith.constant 10 : i32
    %scan3A_3 = arith.addi %scan3A_1, %scan3A_2 : i32
    %scan3A_4 = arith.constant 1 : i32
    scf.for %scan3A_7 = %scan3A_1 to %scan3A_3 step %scan3A_4  : i32 {
      %mul3A_8 = arith.constant 16 : i32
      %mul3A_9 = arith.muli %scan3A_7, %mul3A_8 : i32
      "tpu.region"() ({
        %run_scoped3A = tpu.sem_alloc : memref<!tpu.dma_semaphore, #tpu.memory_space<semaphore_mem>>
        %dma_start3A_49 = arith.constant 0 : i32
        %dma_start3A_50 = tpu.memref_slice %arg3[%arg1, %mul3A_9, %dma_start3A_49] : memref<16x160x125xi32, #tpu.memory_space<hbm>> -> memref<1x16x125xi32, #tpu.memory_space<hbm>>
        %dma_start3A_51 = tpu.memref_squeeze %dma_start3A_50 : memref<1x16x125xi32, #tpu.memory_space<hbm>> -> memref<16x125xi32, #tpu.memory_space<hbm>>
        %dma_start3A_52 = arith.constant 0 : i32
        %dma_start3A_53 = tpu.memref_slice %arg3[%arg1, %mul3A_9, %dma_start3A_52] : memref<16x160x125xi32, #tpu.memory_space<hbm>> -> memref<1x16x125xi32, #tpu.memory_space<hbm>>
        %dma_start3A_54 = tpu.memref_squeeze %dma_start3A_53 : memref<1x16x125xi32, #tpu.memory_space<hbm>> -> memref<16x125xi32, #tpu.memory_space<hbm>>
        tpu.enqueue_dma source(%dma_start3A_54 : memref<16x125xi32, #tpu.memory_space<hbm>>) target(%arg6 : memref<16x125xi32, #tpu.memory_space<vmem>>) target_semaphore(%run_scoped3A : memref<!tpu.dma_semaphore, #tpu.memory_space<semaphore_mem>>)
        %dma_wait3A = arith.constant 0 : i32
        %dma_wait3A_55 = tpu.memref_slice %arg3[%arg1, %mul3A_9, %dma_wait3A] : memref<16x160x125xi32, #tpu.memory_space<hbm>> -> memref<1x16x125xi32, #tpu.memory_space<hbm>>
        %dma_wait3A_56 = tpu.memref_squeeze %dma_wait3A_55 : memref<1x16x125xi32, #tpu.memory_space<hbm>> -> memref<16x125xi32, #tpu.memory_space<hbm>>
        %dma_wait3A_57 = arith.constant 0 : i32
        %dma_wait3A_58 = tpu.memref_slice %arg3[%arg1, %mul3A_9, %dma_wait3A_57] : memref<16x160x125xi32, #tpu.memory_space<hbm>> -> memref<1x16x125xi32, #tpu.memory_space<hbm>>
        %dma_wait3A_59 = tpu.memref_squeeze %dma_wait3A_58 : memref<1x16x125xi32, #tpu.memory_space<hbm>> -> memref<16x125xi32, #tpu.memory_space<hbm>>
        tpu.wait_dma2 semaphore(%run_scoped3A : memref<!tpu.dma_semaphore, #tpu.memory_space<semaphore_mem>>) src(%dma_wait3A_59 : memref<16x125xi32, #tpu.memory_space<hbm>>) dst(%arg6 : memref<16x125xi32, #tpu.memory_space<vmem>>)
        tpu.yield
      }) : () -> ()
      %mul3A_10 = arith.constant 16 : i32
      %mul3A_11 = arith.muli %scan3A_7, %mul3A_10 : i32
      "tpu.region"() ({
        %run_scoped3A = tpu.sem_alloc : memref<!tpu.dma_semaphore, #tpu.memory_space<semaphore_mem>>
        %dma_start3A_49 = arith.constant 0 : i32
        %dma_start3A_50 = tpu.memref_slice %arg4[%arg1, %mul3A_11, %dma_start3A_49] : memref<16x160x125xi32, #tpu.memory_space<hbm>> -> memref<1x16x125xi32, #tpu.memory_space<hbm>>
        %dma_start3A_51 = tpu.memref_squeeze %dma_start3A_50 : memref<1x16x125xi32, #tpu.memory_space<hbm>> -> memref<16x125xi32, #tpu.memory_space<hbm>>
        %dma_start3A_52 = arith.constant 0 : i32
        %dma_start3A_53 = tpu.memref_slice %arg4[%arg1, %mul3A_11, %dma_start3A_52] : memref<16x160x125xi32, #tpu.memory_space<hbm>> -> memref<1x16x125xi32, #tpu.memory_space<hbm>>
        %dma_start3A_54 = tpu.memref_squeeze %dma_start3A_53 : memref<1x16x125xi32, #tpu.memory_space<hbm>> -> memref<16x125xi32, #tpu.memory_space<hbm>>
        tpu.enqueue_dma source(%dma_start3A_54 : memref<16x125xi32, #tpu.memory_space<hbm>>) target(%arg7 : memref<16x125xi32, #tpu.memory_space<vmem>>) target_semaphore(%run_scoped3A : memref<!tpu.dma_semaphore, #tpu.memory_space<semaphore_mem>>)
        %dma_wait3A = arith.constant 0 : i32
        %dma_wait3A_55 = tpu.memref_slice %arg4[%arg1, %mul3A_11, %dma_wait3A] : memref<16x160x125xi32, #tpu.memory_space<hbm>> -> memref<1x16x125xi32, #tpu.memory_space<hbm>>
        %dma_wait3A_56 = tpu.memref_squeeze %dma_wait3A_55 : memref<1x16x125xi32, #tpu.memory_space<hbm>> -> memref<16x125xi32, #tpu.memory_space<hbm>>
        %dma_wait3A_57 = arith.constant 0 : i32
        %dma_wait3A_58 = tpu.memref_slice %arg4[%arg1, %mul3A_11, %dma_wait3A_57] : memref<16x160x125xi32, #tpu.memory_space<hbm>> -> memref<1x16x125xi32, #tpu.memory_space<hbm>>
        %dma_wait3A_59 = tpu.memref_squeeze %dma_wait3A_58 : memref<1x16x125xi32, #tpu.memory_space<hbm>> -> memref<16x125xi32, #tpu.memory_space<hbm>>
        tpu.wait_dma2 semaphore(%run_scoped3A : memref<!tpu.dma_semaphore, #tpu.memory_space<semaphore_mem>>) src(%dma_wait3A_59 : memref<16x125xi32, #tpu.memory_space<hbm>>) dst(%arg7 : memref<16x125xi32, #tpu.memory_space<vmem>>)
        tpu.yield
      }) : () -> ()
      %dma_start3A = arith.constant 0 : i32
      %dma_start3A_12 = arith.constant 0 : i32
      %dma_start3A_13 = arith.constant 0 : i32
      %dma_start3A_14 = arith.constant 0 : i32
      %dma_start3A_15 = tpu.memref_slice %arg8[%dma_start3A_12, %dma_start3A_13, %dma_start3A_14] : memref<2x125x128xf32, #tpu.memory_space<vmem>> -> memref<1x125x128xf32, #tpu.memory_space<vmem>>
      %dma_start3A_16 = tpu.memref_squeeze %dma_start3A_15 : memref<1x125x128xf32, #tpu.memory_space<vmem>> -> memref<125x128xf32, #tpu.memory_space<vmem>>
      %dma_start3A_17 = arith.constant 0 : i32
      %dma_start3A_18 = tpu.memref_slice %arg6[%dma_start3A, %dma_start3A_17] : memref<16x125xi32, #tpu.memory_space<vmem>> -> memref<1x125xi32, #tpu.memory_space<vmem>>
      %dma_start3A_19 = tpu.memref_squeeze %dma_start3A_18 : memref<1x125xi32, #tpu.memory_space<vmem>> -> memref<125xi32, #tpu.memory_space<vmem>>
      %dma_start3A_20 = arith.constant 0 : i32
      %dma_start3A_21 = arith.constant 0 : i32
      %dma_start3A_22 = tpu.memref_slice %arg2[%arg0, %dma_start3A_20, %dma_start3A_21] : memref<2x10240x128xf32, #tpu.memory_space<hbm>> -> memref<1x10240x128xf32, #tpu.memory_space<hbm>>
      %dma_start3A_23 = tpu.memref_squeeze %dma_start3A_22 : memref<1x10240x128xf32, #tpu.memory_space<hbm>> -> memref<10240x128xf32, #tpu.memory_space<hbm>>
      %dma_start3A_24 = arith.constant 0 : i32
      %dma_start3A_25 = arith.constant 0 : i32
      %dma_start3A_26 = tpu.memref_slice %dma_start3A_23[%dma_start3A_24, %dma_start3A_25] : memref<10240x128xf32, #tpu.memory_space<hbm>> -> memref<10240x128xf32, #tpu.memory_space<hbm>>
      tpu.enqueue_indirect_dma source(%dma_start3A_26 : memref<10240x128xf32, #tpu.memory_space<hbm>>) target(%dma_start3A_16 : memref<125x128xf32, #tpu.memory_space<vmem>>) offsets(%dma_start3A_19 : memref<125xi32, #tpu.memory_space<vmem>>) semaphore(%arg9 : memref<!tpu.dma_semaphore, #tpu.memory_space<semaphore_mem>>)
      %dma_start3A_27 = arith.constant 1 : i32
      %dma_start3A_28 = arith.constant 1 : i32
      %dma_start3A_29 = arith.constant 0 : i32
      %dma_start3A_30 = arith.constant 0 : i32
      %dma_start3A_31 = tpu.memref_slice %arg8[%dma_start3A_28, %dma_start3A_29, %dma_start3A_30] : memref<2x125x128xf32, #tpu.memory_space<vmem>> -> memref<1x125x128xf32, #tpu.memory_space<vmem>>
      %dma_start3A_32 = tpu.memref_squeeze %dma_start3A_31 : memref<1x125x128xf32, #tpu.memory_space<vmem>> -> memref<125x128xf32, #tpu.memory_space<vmem>>
      %dma_start3A_33 = arith.constant 0 : i32
      %dma_start3A_34 = tpu.memref_slice %arg6[%dma_start3A_27, %dma_start3A_33] : memref<16x125xi32, #tpu.memory_space<vmem>> -> memref<1x125xi32, #tpu.memory_space<vmem>>
      %dma_start3A_35 = tpu.memref_squeeze %dma_start3A_34 : memref<1x125xi32, #tpu.memory_space<vmem>> -> memref<125xi32, #tpu.memory_space<vmem>>
      %dma_start3A_36 = arith.constant 0 : i32
      %dma_start3A_37 = arith.constant 0 : i32
      %dma_start3A_38 = tpu.memref_slice %arg2[%arg0, %dma_start3A_36, %dma_start3A_37] : memref<2x10240x128xf32, #tpu.memory_space<hbm>> -> memref<1x10240x128xf32, #tpu.memory_space<hbm>>
      %dma_start3A_39 = tpu.memref_squeeze %dma_start3A_38 : memref<1x10240x128xf32, #tpu.memory_space<hbm>> -> memref<10240x128xf32, #tpu.memory_space<hbm>>
      %dma_start3A_40 = arith.constant 0 : i32
      %dma_start3A_41 = arith.constant 0 : i32
      %dma_start3A_42 = tpu.memref_slice %dma_start3A_39[%dma_start3A_40, %dma_start3A_41] : memref<10240x128xf32, #tpu.memory_space<hbm>> -> memref<10240x128xf32, #tpu.memory_space<hbm>>
      tpu.enqueue_indirect_dma source(%dma_start3A_42 : memref<10240x128xf32, #tpu.memory_space<hbm>>) target(%dma_start3A_32 : memref<125x128xf32, #tpu.memory_space<vmem>>) offsets(%dma_start3A_35 : memref<125xi32, #tpu.memory_space<vmem>>) semaphore(%arg9 : memref<!tpu.dma_semaphore, #tpu.memory_space<semaphore_mem>>)
      %scan3A_43 = arith.constant 0 : i32
      %scan3A_44 = arith.constant 0 : i32
      %scan3A_45 = arith.constant 8 : i32
      %scan3A_46 = arith.addi %scan3A_44, %scan3A_45 : i32
      %scan3A_47 = arith.constant 1 : i32
      scf.for %scan3A_49 = %scan3A_44 to %scan3A_46 step %scan3A_47  : i32 {
        %mul3A_50 = arith.constant 2 : i32
        %mul3A_51 = arith.muli %scan3A_49, %mul3A_50 : i32
        %add3A = arith.constant 0 : i32
        %add3A_52 = arith.addi %mul3A_51, %add3A : i32
        %dma_wait3A = arith.constant 0 : i32
        %dma_wait3A_53 = arith.constant 0 : i32
        %dma_wait3A_54 = arith.constant 0 : i32
        %dma_wait3A_55 = tpu.memref_slice %arg8[%dma_wait3A, %dma_wait3A_53, %dma_wait3A_54] : memref<2x125x128xf32, #tpu.memory_space<vmem>> -> memref<1x125x128xf32, #tpu.memory_space<vmem>>
        %dma_wait3A_56 = tpu.memref_squeeze %dma_wait3A_55 : memref<1x125x128xf32, #tpu.memory_space<vmem>> -> memref<125x128xf32, #tpu.memory_space<vmem>>
        %dma_wait3A_57 = arith.constant 0 : i32
        %dma_wait3A_58 = tpu.memref_slice %arg6[%add3A_52, %dma_wait3A_57] : memref<16x125xi32, #tpu.memory_space<vmem>> -> memref<1x125xi32, #tpu.memory_space<vmem>>
        %dma_wait3A_59 = tpu.memref_squeeze %dma_wait3A_58 : memref<1x125xi32, #tpu.memory_space<vmem>> -> memref<125xi32, #tpu.memory_space<vmem>>
        %dma_wait3A_60 = arith.constant 0 : i32
        %dma_wait3A_61 = arith.constant 0 : i32
        %dma_wait3A_62 = tpu.memref_slice %arg2[%arg0, %dma_wait3A_60, %dma_wait3A_61] : memref<2x10240x128xf32, #tpu.memory_space<hbm>> -> memref<1x10240x128xf32, #tpu.memory_space<hbm>>
        %dma_wait3A_63 = tpu.memref_squeeze %dma_wait3A_62 : memref<1x10240x128xf32, #tpu.memory_space<hbm>> -> memref<10240x128xf32, #tpu.memory_space<hbm>>
        %dma_wait3A_64 = arith.constant 0 : i32
        %dma_wait3A_65 = arith.constant 0 : i32
        %dma_wait3A_66 = tpu.memref_slice %dma_wait3A_63[%dma_wait3A_64, %dma_wait3A_65] : memref<10240x128xf32, #tpu.memory_space<hbm>> -> memref<10240x128xf32, #tpu.memory_space<hbm>>
        tpu.wait_indirect_dma semaphore(%arg9 : memref<!tpu.dma_semaphore, #tpu.memory_space<semaphore_mem>>) src(%dma_wait3A_66 : memref<10240x128xf32, #tpu.memory_space<hbm>>) dst(%dma_wait3A_56 : memref<125x128xf32, #tpu.memory_space<vmem>>)
        %add3A_67 = arith.constant 2 : i32
        %add3A_68 = arith.addi %add3A_52, %add3A_67 : i32
        %lt3A = arith.constant 16 : i32
        %lt3A_69 = arith.cmpi slt, %add3A_68, %lt3A : i32
        %convert_element_type3A = arith.extui %lt3A_69 : i1 to i32
        %cond3A = arith.constant 0 : i32
        %cond3A_70 = arith.cmpi ne, %convert_element_type3A, %cond3A : i32
        scf.if %cond3A_70 {
          %add3A_98 = arith.constant 2 : i32
          %add3A_99 = arith.addi %add3A_52, %add3A_98 : i32
          %dma_start3A_100 = arith.constant 0 : i32
          %dma_start3A_101 = arith.constant 0 : i32
          %dma_start3A_102 = arith.constant 0 : i32
          %dma_start3A_103 = tpu.memref_slice %arg8[%dma_start3A_100, %dma_start3A_101, %dma_start3A_102] : memref<2x125x128xf32, #tpu.memory_space<vmem>> -> memref<1x125x128xf32, #tpu.memory_space<vmem>>
          %dma_start3A_104 = tpu.memref_squeeze %dma_start3A_103 : memref<1x125x128xf32, #tpu.memory_space<vmem>> -> memref<125x128xf32, #tpu.memory_space<vmem>>
          %dma_start3A_105 = arith.constant 0 : i32
          %dma_start3A_106 = tpu.memref_slice %arg6[%add3A_99, %dma_start3A_105] : memref<16x125xi32, #tpu.memory_space<vmem>> -> memref<1x125xi32, #tpu.memory_space<vmem>>
          %dma_start3A_107 = tpu.memref_squeeze %dma_start3A_106 : memref<1x125xi32, #tpu.memory_space<vmem>> -> memref<125xi32, #tpu.memory_space<vmem>>
          %dma_start3A_108 = arith.constant 0 : i32
          %dma_start3A_109 = arith.constant 0 : i32
          %dma_start3A_110 = tpu.memref_slice %arg2[%arg0, %dma_start3A_108, %dma_start3A_109] : memref<2x10240x128xf32, #tpu.memory_space<hbm>> -> memref<1x10240x128xf32, #tpu.memory_space<hbm>>
          %dma_start3A_111 = tpu.memref_squeeze %dma_start3A_110 : memref<1x10240x128xf32, #tpu.memory_space<hbm>> -> memref<10240x128xf32, #tpu.memory_space<hbm>>
          %dma_start3A_112 = arith.constant 0 : i32
          %dma_start3A_113 = arith.constant 0 : i32
          %dma_start3A_114 = tpu.memref_slice %dma_start3A_111[%dma_start3A_112, %dma_start3A_113] : memref<10240x128xf32, #tpu.memory_space<hbm>> -> memref<10240x128xf32, #tpu.memory_space<hbm>>
          tpu.enqueue_indirect_dma source(%dma_start3A_114 : memref<10240x128xf32, #tpu.memory_space<hbm>>) target(%dma_start3A_104 : memref<125x128xf32, #tpu.memory_space<vmem>>) offsets(%dma_start3A_107 : memref<125xi32, #tpu.memory_space<vmem>>) semaphore(%arg9 : memref<!tpu.dma_semaphore, #tpu.memory_space<semaphore_mem>>)
        } else {
        }
        %run_scoped3A = arith.constant 0 : i32
        "tpu.region"() ({
          %run_scoped3A_98 = tpu.sem_alloc : memref<!tpu.dma_semaphore, #tpu.memory_space<semaphore_mem>>
          %dma_start3A_99 = arith.constant 0 : i32
          %dma_start3A_100 = arith.constant 0 : i32
          %dma_start3A_101 = tpu.memref_slice %arg8[%run_scoped3A, %dma_start3A_99, %dma_start3A_100] : memref<2x125x128xf32, #tpu.memory_space<vmem>> -> memref<1x125x128xf32, #tpu.memory_space<vmem>>
          %dma_start3A_102 = tpu.memref_squeeze %dma_start3A_101 : memref<1x125x128xf32, #tpu.memory_space<vmem>> -> memref<125x128xf32, #tpu.memory_space<vmem>>
          %dma_start3A_103 = arith.constant 0 : i32
          %dma_start3A_104 = tpu.memref_slice %arg7[%add3A_52, %dma_start3A_103] : memref<16x125xi32, #tpu.memory_space<vmem>> -> memref<1x125xi32, #tpu.memory_space<vmem>>
          %dma_start3A_105 = tpu.memref_squeeze %dma_start3A_104 : memref<1x125xi32, #tpu.memory_space<vmem>> -> memref<125xi32, #tpu.memory_space<vmem>>
          %dma_start3A_106 = arith.constant 0 : i32
          %dma_start3A_107 = arith.constant 0 : i32
          %dma_start3A_108 = tpu.memref_slice %arg10[%dma_start3A_106, %dma_start3A_107] : memref<10240x128xf32, #tpu.memory_space<vmem_shared>> -> memref<10240x128xf32, #tpu.memory_space<vmem_shared>>
          tpu.enqueue_indirect_dma source(%dma_start3A_102 : memref<125x128xf32, #tpu.memory_space<vmem>>) target(%dma_start3A_108 : memref<10240x128xf32, #tpu.memory_space<vmem_shared>>) offsets(%dma_start3A_105 : memref<125xi32, #tpu.memory_space<vmem>>) semaphore(%run_scoped3A_98 : memref<!tpu.dma_semaphore, #tpu.memory_space<semaphore_mem>>) {add = true}
          %dma_wait3A_109 = arith.constant 0 : i32
          %dma_wait3A_110 = arith.constant 0 : i32
          %dma_wait3A_111 = tpu.memref_slice %arg8[%run_scoped3A, %dma_wait3A_109, %dma_wait3A_110] : memref<2x125x128xf32, #tpu.memory_space<vmem>> -> memref<1x125x128xf32, #tpu.memory_space<vmem>>
          %dma_wait3A_112 = tpu.memref_squeeze %dma_wait3A_111 : memref<1x125x128xf32, #tpu.memory_space<vmem>> -> memref<125x128xf32, #tpu.memory_space<vmem>>
          %dma_wait3A_113 = arith.constant 0 : i32
          %dma_wait3A_114 = tpu.memref_slice %arg7[%add3A_52, %dma_wait3A_113] : memref<16x125xi32, #tpu.memory_space<vmem>> -> memref<1x125xi32, #tpu.memory_space<vmem>>
          %dma_wait3A_115 = tpu.memref_squeeze %dma_wait3A_114 : memref<1x125xi32, #tpu.memory_space<vmem>> -> memref<125xi32, #tpu.memory_space<vmem>>
          %dma_wait3A_116 = arith.constant 0 : i32
          %dma_wait3A_117 = arith.constant 0 : i32
          %dma_wait3A_118 = tpu.memref_slice %arg10[%dma_wait3A_116, %dma_wait3A_117] : memref<10240x128xf32, #tpu.memory_space<vmem_shared>> -> memref<10240x128xf32, #tpu.memory_space<vmem_shared>>
          tpu.wait_indirect_dma semaphore(%run_scoped3A_98 : memref<!tpu.dma_semaphore, #tpu.memory_space<semaphore_mem>>) src(%dma_wait3A_112 : memref<125x128xf32, #tpu.memory_space<vmem>>) dst(%dma_wait3A_118 : memref<10240x128xf32, #tpu.memory_space<vmem_shared>>)
          tpu.yield
        }) : () -> ()
        %mul3A_71 = arith.constant 2 : i32
        %mul3A_72 = arith.muli %scan3A_49, %mul3A_71 : i32
        %add3A_73 = arith.constant 1 : i32
        %add3A_74 = arith.addi %mul3A_72, %add3A_73 : i32
        %dma_wait3A_75 = arith.constant 1 : i32
        %dma_wait3A_76 = arith.constant 0 : i32
        %dma_wait3A_77 = arith.constant 0 : i32
        %dma_wait3A_78 = tpu.memref_slice %arg8[%dma_wait3A_75, %dma_wait3A_76, %dma_wait3A_77] : memref<2x125x128xf32, #tpu.memory_space<vmem>> -> memref<1x125x128xf32, #tpu.memory_space<vmem>>
        %dma_wait3A_79 = tpu.memref_squeeze %dma_wait3A_78 : memref<1x125x128xf32, #tpu.memory_space<vmem>> -> memref<125x128xf32, #tpu.memory_space<vmem>>
        %dma_wait3A_80 = arith.constant 0 : i32
        %dma_wait3A_81 = tpu.memref_slice %arg6[%add3A_74, %dma_wait3A_80] : memref<16x125xi32, #tpu.memory_space<vmem>> -> memref<1x125xi32, #tpu.memory_space<vmem>>
        %dma_wait3A_82 = tpu.memref_squeeze %dma_wait3A_81 : memref<1x125xi32, #tpu.memory_space<vmem>> -> memref<125xi32, #tpu.memory_space<vmem>>
        %dma_wait3A_83 = arith.constant 0 : i32
        %dma_wait3A_84 = arith.constant 0 : i32
        %dma_wait3A_85 = tpu.memref_slice %arg2[%arg0, %dma_wait3A_83, %dma_wait3A_84] : memref<2x10240x128xf32, #tpu.memory_space<hbm>> -> memref<1x10240x128xf32, #tpu.memory_space<hbm>>
        %dma_wait3A_86 = tpu.memref_squeeze %dma_wait3A_85 : memref<1x10240x128xf32, #tpu.memory_space<hbm>> -> memref<10240x128xf32, #tpu.memory_space<hbm>>
        %dma_wait3A_87 = arith.constant 0 : i32
        %dma_wait3A_88 = arith.constant 0 : i32
        %dma_wait3A_89 = tpu.memref_slice %dma_wait3A_86[%dma_wait3A_87, %dma_wait3A_88] : memref<10240x128xf32, #tpu.memory_space<hbm>> -> memref<10240x128xf32, #tpu.memory_space<hbm>>
        tpu.wait_indirect_dma semaphore(%arg9 : memref<!tpu.dma_semaphore, #tpu.memory_space<semaphore_mem>>) src(%dma_wait3A_89 : memref<10240x128xf32, #tpu.memory_space<hbm>>) dst(%dma_wait3A_79 : memref<125x128xf32, #tpu.memory_space<vmem>>)
        %add3A_90 = arith.constant 2 : i32
        %add3A_91 = arith.addi %add3A_74, %add3A_90 : i32
        %lt3A_92 = arith.constant 16 : i32
        %lt3A_93 = arith.cmpi slt, %add3A_91, %lt3A_92 : i32
        %convert_element_type3A_94 = arith.extui %lt3A_93 : i1 to i32
        %cond3A_95 = arith.constant 0 : i32
        %cond3A_96 = arith.cmpi ne, %convert_element_type3A_94, %cond3A_95 : i32
        scf.if %cond3A_96 {
          %add3A_98 = arith.constant 2 : i32
          %add3A_99 = arith.addi %add3A_74, %add3A_98 : i32
          %dma_start3A_100 = arith.constant 1 : i32
          %dma_start3A_101 = arith.constant 0 : i32
          %dma_start3A_102 = arith.constant 0 : i32
          %dma_start3A_103 = tpu.memref_slice %arg8[%dma_start3A_100, %dma_start3A_101, %dma_start3A_102] : memref<2x125x128xf32, #tpu.memory_space<vmem>> -> memref<1x125x128xf32, #tpu.memory_space<vmem>>
          %dma_start3A_104 = tpu.memref_squeeze %dma_start3A_103 : memref<1x125x128xf32, #tpu.memory_space<vmem>> -> memref<125x128xf32, #tpu.memory_space<vmem>>
          %dma_start3A_105 = arith.constant 0 : i32
          %dma_start3A_106 = tpu.memref_slice %arg6[%add3A_99, %dma_start3A_105] : memref<16x125xi32, #tpu.memory_space<vmem>> -> memref<1x125xi32, #tpu.memory_space<vmem>>
          %dma_start3A_107 = tpu.memref_squeeze %dma_start3A_106 : memref<1x125xi32, #tpu.memory_space<vmem>> -> memref<125xi32, #tpu.memory_space<vmem>>
          %dma_start3A_108 = arith.constant 0 : i32
          %dma_start3A_109 = arith.constant 0 : i32
          %dma_start3A_110 = tpu.memref_slice %arg2[%arg0, %dma_start3A_108, %dma_start3A_109] : memref<2x10240x128xf32, #tpu.memory_space<hbm>> -> memref<1x10240x128xf32, #tpu.memory_space<hbm>>
          %dma_start3A_111 = tpu.memref_squeeze %dma_start3A_110 : memref<1x10240x128xf32, #tpu.memory_space<hbm>> -> memref<10240x128xf32, #tpu.memory_space<hbm>>
          %dma_start3A_112 = arith.constant 0 : i32
          %dma_start3A_113 = arith.constant 0 : i32
          %dma_start3A_114 = tpu.memref_slice %dma_start3A_111[%dma_start3A_112, %dma_start3A_113] : memref<10240x128xf32, #tpu.memory_space<hbm>> -> memref<10240x128xf32, #tpu.memory_space<hbm>>
          tpu.enqueue_indirect_dma source(%dma_start3A_114 : memref<10240x128xf32, #tpu.memory_space<hbm>>) target(%dma_start3A_104 : memref<125x128xf32, #tpu.memory_space<vmem>>) offsets(%dma_start3A_107 : memref<125xi32, #tpu.memory_space<vmem>>) semaphore(%arg9 : memref<!tpu.dma_semaphore, #tpu.memory_space<semaphore_mem>>)
        } else {
        }
        %run_scoped3A_97 = arith.constant 1 : i32
        "tpu.region"() ({
          %run_scoped3A_98 = tpu.sem_alloc : memref<!tpu.dma_semaphore, #tpu.memory_space<semaphore_mem>>
          %dma_start3A_99 = arith.constant 0 : i32
          %dma_start3A_100 = arith.constant 0 : i32
          %dma_start3A_101 = tpu.memref_slice %arg8[%run_scoped3A_97, %dma_start3A_99, %dma_start3A_100] : memref<2x125x128xf32, #tpu.memory_space<vmem>> -> memref<1x125x128xf32, #tpu.memory_space<vmem>>
          %dma_start3A_102 = tpu.memref_squeeze %dma_start3A_101 : memref<1x125x128xf32, #tpu.memory_space<vmem>> -> memref<125x128xf32, #tpu.memory_space<vmem>>
          %dma_start3A_103 = arith.constant 0 : i32
          %dma_start3A_104 = tpu.memref_slice %arg7[%add3A_74, %dma_start3A_103] : memref<16x125xi32, #tpu.memory_space<vmem>> -> memref<1x125xi32, #tpu.memory_space<vmem>>
          %dma_start3A_105 = tpu.memref_squeeze %dma_start3A_104 : memref<1x125xi32, #tpu.memory_space<vmem>> -> memref<125xi32, #tpu.memory_space<vmem>>
          %dma_start3A_106 = arith.constant 0 : i32
          %dma_start3A_107 = arith.constant 0 : i32
          %dma_start3A_108 = tpu.memref_slice %arg10[%dma_start3A_106, %dma_start3A_107] : memref<10240x128xf32, #tpu.memory_space<vmem_shared>> -> memref<10240x128xf32, #tpu.memory_space<vmem_shared>>
          tpu.enqueue_indirect_dma source(%dma_start3A_102 : memref<125x128xf32, #tpu.memory_space<vmem>>) target(%dma_start3A_108 : memref<10240x128xf32, #tpu.memory_space<vmem_shared>>) offsets(%dma_start3A_105 : memref<125xi32, #tpu.memory_space<vmem>>) semaphore(%run_scoped3A_98 : memref<!tpu.dma_semaphore, #tpu.memory_space<semaphore_mem>>) {add = true}
          %dma_wait3A_109 = arith.constant 0 : i32
          %dma_wait3A_110 = arith.constant 0 : i32
          %dma_wait3A_111 = tpu.memref_slice %arg8[%run_scoped3A_97, %dma_wait3A_109, %dma_wait3A_110] : memref<2x125x128xf32, #tpu.memory_space<vmem>> -> memref<1x125x128xf32, #tpu.memory_space<vmem>>
          %dma_wait3A_112 = tpu.memref_squeeze %dma_wait3A_111 : memref<1x125x128xf32, #tpu.memory_space<vmem>> -> memref<125x128xf32, #tpu.memory_space<vmem>>
          %dma_wait3A_113 = arith.constant 0 : i32
          %dma_wait3A_114 = tpu.memref_slice %arg7[%add3A_74, %dma_wait3A_113] : memref<16x125xi32, #tpu.memory_space<vmem>> -> memref<1x125xi32, #tpu.memory_space<vmem>>
          %dma_wait3A_115 = tpu.memref_squeeze %dma_wait3A_114 : memref<1x125xi32, #tpu.memory_space<vmem>> -> memref<125xi32, #tpu.memory_space<vmem>>
          %dma_wait3A_116 = arith.constant 0 : i32
          %dma_wait3A_117 = arith.constant 0 : i32
          %dma_wait3A_118 = tpu.memref_slice %arg10[%dma_wait3A_116, %dma_wait3A_117] : memref<10240x128xf32, #tpu.memory_space<vmem_shared>> -> memref<10240x128xf32, #tpu.memory_space<vmem_shared>>
          tpu.wait_indirect_dma semaphore(%run_scoped3A_98 : memref<!tpu.dma_semaphore, #tpu.memory_space<semaphore_mem>>) src(%dma_wait3A_112 : memref<125x128xf32, #tpu.memory_space<vmem>>) dst(%dma_wait3A_118 : memref<10240x128xf32, #tpu.memory_space<vmem_shared>>)
          tpu.yield
        }) : () -> ()
      }
      %scan3A_48 = arith.constant 8 : i32
    }
    %scan3A_5 = arith.constant 10 : i32
    %barrier3A_6 = arith.constant 0 : index
    tpu.barrier barrier_id(%barrier3A_6)
    "tpu.region"() ({
      %run_scoped3A = tpu.sem_alloc : memref<!tpu.dma_semaphore, #tpu.memory_space<semaphore_mem>>
      %dma_start3A = arith.constant 0 : i32
      %dma_start3A_7 = tpu.memref_slice %arg5[%arg0, %mul3A_0, %dma_start3A] : memref<2x10240x128xf32, #tpu.memory_space<hbm>> -> memref<1x640x128xf32, #tpu.memory_space<hbm>>
      %dma_start3A_8 = tpu.memref_squeeze %dma_start3A_7 : memref<1x640x128xf32, #tpu.memory_space<hbm>> -> memref<640x128xf32, #tpu.memory_space<hbm>>
      %dma_start3A_9 = arith.constant 0 : i32
      %dma_start3A_10 = tpu.memref_slice %arg10[%mul3A_0, %dma_start3A_9] : memref<10240x128xf32, #tpu.memory_space<vmem_shared>> -> memref<640x128xf32, #tpu.memory_space<vmem_shared>>
      tpu.enqueue_dma source(%dma_start3A_10 : memref<640x128xf32, #tpu.memory_space<vmem_shared>>) target(%dma_start3A_8 : memref<640x128xf32, #tpu.memory_space<hbm>>) target_semaphore(%run_scoped3A : memref<!tpu.dma_semaphore, #tpu.memory_space<semaphore_mem>>)
      %dma_wait3A = arith.constant 0 : i32
      %dma_wait3A_11 = tpu.memref_slice %arg5[%arg0, %mul3A_0, %dma_wait3A] : memref<2x10240x128xf32, #tpu.memory_space<hbm>> -> memref<1x640x128xf32, #tpu.memory_space<hbm>>
      %dma_wait3A_12 = tpu.memref_squeeze %dma_wait3A_11 : memref<1x640x128xf32, #tpu.memory_space<hbm>> -> memref<640x128xf32, #tpu.memory_space<hbm>>
      %dma_wait3A_13 = arith.constant 0 : i32
      %dma_wait3A_14 = tpu.memref_slice %arg10[%mul3A_0, %dma_wait3A_13] : memref<10240x128xf32, #tpu.memory_space<vmem_shared>> -> memref<640x128xf32, #tpu.memory_space<vmem_shared>>
      tpu.wait_dma2 semaphore(%run_scoped3A : memref<!tpu.dma_semaphore, #tpu.memory_space<semaphore_mem>>) src(%dma_wait3A_14 : memref<640x128xf32, #tpu.memory_space<vmem_shared>>) dst(%dma_wait3A_12 : memref<640x128xf32, #tpu.memory_space<hbm>>)
      tpu.yield
    }) : () -> ()
    return
  }
}

module attributes {stable_mosaic.version = 14 : i64} {
  func.func @_mm1_body(%arg0: i32, %arg1: i32, %arg2: memref<1000x1xf32, #tpu.memory_space<vmem>>, %arg3: memref<1000x128xf32, #tpu.memory_space<vmem>>, %arg4: memref<128x128xf32, #tpu.memory_space<vmem>>, %arg5: memref<1x1000x128xf32, #tpu.memory_space<vmem>>) attributes {dimension_semantics = [#tpu.dimension_semantics<arbitrary>, #tpu.dimension_semantics<arbitrary>], iteration_bounds = array<i64: 10, 2>, scalar_prefetch = 0 : i64, scratch_operands = 0 : i64, tpu.core_type = #tpu.core_type<tc>, window_params = [{transform_indices = @transform_0, window_bounds = array<i64: 1000, 1>}, {transform_indices = @transform_1, window_bounds = array<i64: 1000, 128>}, {transform_indices = @transform_2, window_bounds = array<i64: 128, 128>}, {transform_indices = @transform_3, window_bounds = array<i64: 1, 1000, 128>}]} {
    %get3A = arith.constant 0 : index
    %get3A_0 = arith.constant 0 : index
    %get3A_1 = vector.load %arg3[%get3A, %get3A_0] : memref<1000x128xf32, #tpu.memory_space<vmem>>, vector<1000x128xf32>
    %get3A_2 = arith.constant 0 : index
    %get3A_3 = arith.constant 0 : index
    %get3A_4 = vector.load %arg4[%get3A_2, %get3A_3] : memref<128x128xf32, #tpu.memory_space<vmem>>, vector<128x128xf32>
    %dot_general3A = arith.constant dense<0.000000e+00> : vector<1000x128xf32>
    %dot_general3A_5 = tpu.matmul %get3A_1, %get3A_4, %dot_general3A {dimension_numbers = #tpu.dot_dimension_numbers<[1], [0], [0], [1], [0, 0, 1, 1], [], []>, transpose_lhs_hint = false} : vector<1000x128xf32>, vector<128x128xf32>, vector<1000x128xf32> -> vector<1000x128xf32>
    %get3A_6 = arith.constant 0 : index
    %get3A_7 = arith.constant 0 : index
    %get3A_8 = vector.load %arg2[%get3A_6, %get3A_7] : memref<1000x1xf32, #tpu.memory_space<vmem>>, vector<1000x1xf32>
    %mul3A = vector.broadcast %get3A_8 : vector<1000x1xf32> to vector<1000x128xf32>
    %mul3A_9 = arith.mulf %dot_general3A_5, %mul3A : vector<1000x128xf32>
    %swap3A = arith.constant 0 : index
    %swap3A_10 = arith.constant 0 : index
    %swap3A_11 = arith.constant 0 : index
    %swap3A_12 = vector.load %arg5[%swap3A, %swap3A_10, %swap3A_11] : memref<1x1000x128xf32, #tpu.memory_space<vmem>>, vector<1x1000x128xf32>
    %swap3A_13 = vector.shape_cast %swap3A_12 : vector<1x1000x128xf32> to vector<1000x128xf32>
    %swap3A_14 = vector.shape_cast %mul3A_9 : vector<1000x128xf32> to vector<1x1000x128xf32>
    tpu.vector_store %arg5[%swap3A, %swap3A_10, %swap3A_11], %swap3A_14 {strides = array<i32>} : memref<1x1000x128xf32, #tpu.memory_space<vmem>>, vector<1x1000x128xf32>,
    return
  }
  func.func @transform_0(%arg0: i32, %arg1: i32) -> (i32, i32) {
    %c0_i32 = arith.constant 0 : i32
    %c0_i32_0 = arith.constant 0 : i32
    return %arg0, %c0_i32 : i32, i32
  }
  func.func @transform_1(%arg0: i32, %arg1: i32) -> (i32, i32) {
    %c0_i32 = arith.constant 0 : i32
    %c0_i32_0 = arith.constant 0 : i32
    return %arg0, %c0_i32 : i32, i32
  }
  func.func @transform_2(%arg0: i32, %arg1: i32) -> (i32, i32) {
    %c0_i32 = arith.constant 0 : i32
    %c0_i32_0 = arith.constant 0 : i32
    return %c0_i32, %arg1 : i32, i32
  }
  func.func @transform_3(%arg0: i32, %arg1: i32) -> (i32, i32, i32) {
    %c0_i32 = arith.constant 0 : i32
    %c0_i32_0 = arith.constant 0 : i32
    return %arg1, %arg0, %c0_i32 : i32, i32, i32
  }
}

module attributes {stable_mosaic.version = 14 : i64} {
  func.func @_mm2_body(%arg0: i32, %arg1: i32, %arg2: memref<2x1000x128xf32, #tpu.memory_space<vmem>>, %arg3: memref<1000x1xf32, #tpu.memory_space<vmem>>, %arg4: memref<2x128xf32, #tpu.memory_space<vmem>>, %arg5: memref<2x128x128xf32, #tpu.memory_space<vmem>>, %arg6: memref<1x1000x128xf32, #tpu.memory_space<vmem>>) attributes {dimension_semantics = [#tpu.dimension_semantics<arbitrary>, #tpu.dimension_semantics<arbitrary>], iteration_bounds = array<i64: 10, 2>, scalar_prefetch = 0 : i64, scratch_operands = 0 : i64, tpu.core_type = #tpu.core_type<tc>, window_params = [{transform_indices = @transform_0, window_bounds = array<i64: 2, 1000, 128>}, {transform_indices = @transform_1, window_bounds = array<i64: 1000, 1>}, {pipeline_mode = #tpu.pipeline_mode<synchronous>, transform_indices = @transform_2, window_bounds = array<i64: 2, 128>}, {transform_indices = @transform_3, window_bounds = array<i64: 2, 128, 128>}, {transform_indices = @transform_4, window_bounds = array<i64: 1, 1000, 128>}]} {
    %get3A = arith.constant 0 : index
    %get3A_0 = arith.constant 0 : index
    %get3A_1 = vector.load %arg3[%get3A, %get3A_0] : memref<1000x1xf32, #tpu.memory_space<vmem>>, vector<1000x1xf32>
    %get3A_2 = arith.constant 0 : index
    %get3A_3 = arith.constant 0 : index
    %get3A_4 = arith.constant 0 : index
    %get3A_5 = vector.load %arg2[%get3A_2, %get3A_3, %get3A_4] : memref<2x1000x128xf32, #tpu.memory_space<vmem>>, vector<1x1000x128xf32>
    %get3A_6 = vector.shape_cast %get3A_5 : vector<1x1000x128xf32> to vector<1000x128xf32>
    %mul3A = vector.broadcast %get3A_1 : vector<1000x1xf32> to vector<1000x128xf32>
    %mul3A_7 = arith.mulf %get3A_6, %mul3A : vector<1000x128xf32>
    %get3A_8 = arith.constant 0 : index
    %get3A_9 = arith.constant 0 : index
    %get3A_10 = vector.load %arg4[%get3A_8, %get3A_9] : memref<2x128xf32, #tpu.memory_space<vmem>>, vector<1x128xf32>
    %get3A_11 = vector.shape_cast %get3A_10 : vector<1x128xf32> to vector<128xf32>
    %broadcast_in_dim3A = vector.shape_cast %get3A_11 : vector<128xf32> to vector<1x128xf32>
    %add3A = vector.broadcast %broadcast_in_dim3A : vector<1x128xf32> to vector<1000x128xf32>
    %add3A_12 = arith.addf %mul3A_7, %add3A : vector<1000x128xf32>
    %max3A = arith.constant 0.000000e+00 : f32
    %max3A_13 = vector.broadcast %max3A : f32 to vector<1000x128xf32>
    %max3A_14 = arith.maximumf %add3A_12, %max3A_13 : vector<1000x128xf32>
    %get3A_15 = arith.constant 1 : index
    %get3A_16 = arith.constant 0 : index
    %get3A_17 = arith.constant 0 : index
    %get3A_18 = vector.load %arg2[%get3A_15, %get3A_16, %get3A_17] : memref<2x1000x128xf32, #tpu.memory_space<vmem>>, vector<1x1000x128xf32>
    %get3A_19 = vector.shape_cast %get3A_18 : vector<1x1000x128xf32> to vector<1000x128xf32>
    %mul3A_20 = vector.broadcast %get3A_1 : vector<1000x1xf32> to vector<1000x128xf32>
    %mul3A_21 = arith.mulf %get3A_19, %mul3A_20 : vector<1000x128xf32>
    %get3A_22 = arith.constant 1 : index
    %get3A_23 = arith.constant 0 : index
    %get3A_24 = vector.load %arg4[%get3A_22, %get3A_23] : memref<2x128xf32, #tpu.memory_space<vmem>>, vector<1x128xf32>
    %get3A_25 = vector.shape_cast %get3A_24 : vector<1x128xf32> to vector<128xf32>
    %broadcast_in_dim3A_26 = vector.shape_cast %get3A_25 : vector<128xf32> to vector<1x128xf32>
    %add3A_27 = vector.broadcast %broadcast_in_dim3A_26 : vector<1x128xf32> to vector<1000x128xf32>
    %add3A_28 = arith.addf %mul3A_21, %add3A_27 : vector<1000x128xf32>
    %max3A_29 = arith.constant 0.000000e+00 : f32
    %max3A_30 = vector.broadcast %max3A_29 : f32 to vector<1000x128xf32>
    %max3A_31 = arith.maximumf %add3A_28, %max3A_30 : vector<1000x128xf32>
    %get3A_32 = arith.constant 0 : index
    %get3A_33 = arith.constant 0 : index
    %get3A_34 = arith.constant 0 : index
    %get3A_35 = vector.load %arg5[%get3A_32, %get3A_33, %get3A_34] : memref<2x128x128xf32, #tpu.memory_space<vmem>>, vector<1x128x128xf32>
    %get3A_36 = vector.shape_cast %get3A_35 : vector<1x128x128xf32> to vector<128x128xf32>
    %dot_general3A = arith.constant dense<0.000000e+00> : vector<1000x128xf32>
    %dot_general3A_37 = tpu.matmul %max3A_14, %get3A_36, %dot_general3A {dimension_numbers = #tpu.dot_dimension_numbers<[1], [0], [0], [1], [0, 0, 1, 1], [], []>, transpose_lhs_hint = false} : vector<1000x128xf32>, vector<128x128xf32>, vector<1000x128xf32> -> vector<1000x128xf32>
    %get3A_38 = arith.constant 1 : index
    %get3A_39 = arith.constant 0 : index
    %get3A_40 = arith.constant 0 : index
    %get3A_41 = vector.load %arg5[%get3A_38, %get3A_39, %get3A_40] : memref<2x128x128xf32, #tpu.memory_space<vmem>>, vector<1x128x128xf32>
    %get3A_42 = vector.shape_cast %get3A_41 : vector<1x128x128xf32> to vector<128x128xf32>
    %dot_general3A_43 = arith.constant dense<0.000000e+00> : vector<1000x128xf32>
    %dot_general3A_44 = tpu.matmul %max3A_31, %get3A_42, %dot_general3A_43 {dimension_numbers = #tpu.dot_dimension_numbers<[1], [0], [0], [1], [0, 0, 1, 1], [], []>, transpose_lhs_hint = false} : vector<1000x128xf32>, vector<128x128xf32>, vector<1000x128xf32> -> vector<1000x128xf32>
    %add3A_45 = arith.addf %dot_general3A_37, %dot_general3A_44 : vector<1000x128xf32>
    %mul3A_46 = vector.broadcast %get3A_1 : vector<1000x1xf32> to vector<1000x128xf32>
    %mul3A_47 = arith.mulf %add3A_45, %mul3A_46 : vector<1000x128xf32>
    %swap3A = arith.constant 0 : index
    %swap3A_48 = arith.constant 0 : index
    %swap3A_49 = arith.constant 0 : index
    %swap3A_50 = vector.load %arg6[%swap3A, %swap3A_48, %swap3A_49] : memref<1x1000x128xf32, #tpu.memory_space<vmem>>, vector<1x1000x128xf32>
    %swap3A_51 = vector.shape_cast %swap3A_50 : vector<1x1000x128xf32> to vector<1000x128xf32>
    %swap3A_52 = vector.shape_cast %mul3A_47 : vector<1000x128xf32> to vector<1x1000x128xf32>
    tpu.vector_store %arg6[%swap3A, %swap3A_48, %swap3A_49], %swap3A_52 {strides = array<i32>} : memref<1x1000x128xf32, #tpu.memory_space<vmem>>, vector<1x1000x128xf32>,
    return
  }
  func.func @transform_0(%arg0: i32, %arg1: i32) -> (i32, i32, i32) {
    %c0_i32 = arith.constant 0 : i32
    %c0_i32_0 = arith.constant 0 : i32
    %c0_i32_1 = arith.constant 0 : i32
    return %c0_i32, %arg0, %c0_i32_0 : i32, i32, i32
  }
  func.func @transform_1(%arg0: i32, %arg1: i32) -> (i32, i32) {
    %c0_i32 = arith.constant 0 : i32
    %c0_i32_0 = arith.constant 0 : i32
    return %arg0, %c0_i32 : i32, i32
  }
  func.func @transform_2(%arg0: i32, %arg1: i32) -> (i32, i32) {
    %c0_i32 = arith.constant 0 : i32
    %c0_i32_0 = arith.constant 0 : i32
    %c0_i32_1 = arith.constant 0 : i32
    return %c0_i32, %c0_i32_0 : i32, i32
  }
  func.func @transform_3(%arg0: i32, %arg1: i32) -> (i32, i32, i32) {
    %c0_i32 = arith.constant 0 : i32
    %c0_i32_0 = arith.constant 0 : i32
    %c0_i32_1 = arith.constant 0 : i32
    return %c0_i32, %c0_i32_0, %arg1 : i32, i32, i32
  }
  func.func @transform_4(%arg0: i32, %arg1: i32) -> (i32, i32, i32) {
    %c0_i32 = arith.constant 0 : i32
    %c0_i32_0 = arith.constant 0 : i32
    return %arg1, %arg0, %c0_i32 : i32, i32, i32
  }
}

module attributes {stable_mosaic.version = 14 : i64} {
  func.func @_out_body(%arg0: i32, %arg1: i32, %arg2: memref<1x1000x128xf32, #tpu.memory_space<vmem>>, %arg3: memref<1000x1xf32, #tpu.memory_space<vmem>>, %arg4: memref<2x128xf32, #tpu.memory_space<vmem>>, %arg5: memref<1000x128xf32, #tpu.memory_space<vmem>>) attributes {dimension_semantics = [#tpu.dimension_semantics<arbitrary>, #tpu.dimension_semantics<arbitrary>], iteration_bounds = array<i64: 10, 2>, scalar_prefetch = 0 : i64, scratch_operands = 0 : i64, tpu.core_type = #tpu.core_type<tc>, window_params = [{transform_indices = @transform_0, window_bounds = array<i64: 1, 1000, 128>}, {transform_indices = @transform_1, window_bounds = array<i64: 1000, 1>}, {pipeline_mode = #tpu.pipeline_mode<synchronous>, transform_indices = @transform_2, window_bounds = array<i64: 2, 128>}, {transform_indices = @transform_3, window_bounds = array<i64: 1000, 128>}]} {
    %get3A = arith.constant 0 : index
    %get3A_0 = arith.constant 0 : index
    %get3A_1 = arith.constant 0 : index
    %get3A_2 = vector.load %arg2[%get3A, %get3A_0, %get3A_1] : memref<1x1000x128xf32, #tpu.memory_space<vmem>>, vector<1x1000x128xf32>
    %get3A_3 = vector.shape_cast %get3A_2 : vector<1x1000x128xf32> to vector<1000x128xf32>
    %get3A_4 = arith.constant 0 : index
    %get3A_5 = arith.constant 0 : index
    %get3A_6 = vector.load %arg3[%get3A_4, %get3A_5] : memref<1000x1xf32, #tpu.memory_space<vmem>>, vector<1000x1xf32>
    %mul3A = vector.broadcast %get3A_6 : vector<1000x1xf32> to vector<1000x128xf32>
    %mul3A_7 = arith.mulf %get3A_3, %mul3A : vector<1000x128xf32>
    %get3A_8 = arith.index_cast %arg1 : i32 to index
    %get3A_9 = arith.constant 0 : index
    %get3A_10 = vector.load %arg4[%get3A_8, %get3A_9] : memref<2x128xf32, #tpu.memory_space<vmem>>, vector<1x128xf32>
    %add3A = vector.broadcast %get3A_10 : vector<1x128xf32> to vector<1000x128xf32>
    %add3A_11 = arith.addf %mul3A_7, %add3A : vector<1000x128xf32>
    %max3A = arith.constant 0.000000e+00 : f32
    %max3A_12 = vector.broadcast %max3A : f32 to vector<1000x128xf32>
    %max3A_13 = arith.maximumf %add3A_11, %max3A_12 : vector<1000x128xf32>
    %swap3A = arith.constant 0 : index
    %swap3A_14 = arith.constant 0 : index
    %swap3A_15 = vector.load %arg5[%swap3A, %swap3A_14] : memref<1000x128xf32, #tpu.memory_space<vmem>>, vector<1000x128xf32>
    tpu.vector_store %arg5[%swap3A, %swap3A_14], %max3A_13 {strides = array<i32>} : memref<1000x128xf32, #tpu.memory_space<vmem>>, vector<1000x128xf32>,
    return
  }
  func.func @transform_0(%arg0: i32, %arg1: i32) -> (i32, i32, i32) {
    %c0_i32 = arith.constant 0 : i32
    %c0_i32_0 = arith.constant 0 : i32
    return %arg1, %arg0, %c0_i32 : i32, i32, i32
  }
  func.func @transform_1(%arg0: i32, %arg1: i32) -> (i32, i32) {
    %c0_i32 = arith.constant 0 : i32
    %c0_i32_0 = arith.constant 0 : i32
    return %arg0, %c0_i32 : i32, i32
  }
  func.func @transform_2(%arg0: i32, %arg1: i32) -> (i32, i32) {
    %c0_i32 = arith.constant 0 : i32
    %c0_i32_0 = arith.constant 0 : i32
    %c0_i32_1 = arith.constant 0 : i32
    return %c0_i32, %c0_i32_0 : i32, i32
  }
  func.func @transform_3(%arg0: i32, %arg1: i32) -> (i32, i32) {
    %c0_i32 = arith.constant 0 : i32
    return %arg0, %arg1 : i32, i32
  }
}

</mosaic_0001>

<sc_bundles>
// kernel: kernel.11.cloned.1.call-start
scs
__scs_entry_jumppad:
0x0: {  	(pc) =	sbr.rel $0x88, $3  }
0x1: {  	(tag) =	ssettag $0x0;
	lr =	simm.s32 $0x1  }
0x2: {  	[smem:$0x3F9B] =	sst lr;
	_ =	strace $0xD0000000  }
0x3: {  	_ = 	snop  }
0x4: {  	_ = 	snop  }
0x5: {  	_ = 	snop  }
0x6: {  	_ = 	snop  }
0x7: {  	_ = 	snop  }
__scs_overlays_trampoline_lowered:
0x8: {  	[smem:$0x3FAA] =	sst s0  }
0x9: {  	[smem:$0x3FAB] =	sst s1  }
0xa: {  	[smem:$0x3FAC] =	sst s2  }
0xb: {  	[smem:$0x3FAD] =	sst s3  }
0xc: {  	[smem:$0x3FAE] =	sst s4  }
0xd: {  	[smem:$0x3FAF] =	sst s5  }
0xe: {  	[smem:$0x3FB0] =	sst s6  }
0xf: {  	[smem:$0x3FB1] =	sst s7  }
0x10: {  	[smem:$0x3FB2] =	sst s8  }
0x11: {  	[smem:$0x3FB3] =	sst s9;
	s0 =	simm.s32 @!p0 $0x0  }
0x12: {  	s1 =	sld [smem:$0x3F99];
	s0 =	simm.s32 @p0 $0x1  }
0x13: {  	[smem:$0x3FB4] =	sst s0;
	s0 =	simm.s32 @!p1 $0x0  }
0x14: {  	s2 =	sld [smem:$0x3F98];
	s0 =	simm.s32 @p1 $0x1  }
0x15: {  	[smem:$0x3FB5] =	sst s0;
	s0 =	simm.s32 @!p2 $0x0  }
0x16: {  	s3 =	sld [smem:$0x3FDB];
	s0 =	simm.s32 @p2 $0x1  }
0x17: {  	s4 =	simm.s32 $0x1BF5;
	[smem:$0x3FB7] =	sst s0  }
0x18: {  	s0 =	sld [smem:$0x3F9A];
	_ =	swait.ge [sflag:s4], $0x0  }
0x19: {  	s7 =	sld [smem:$0x3F9B]  }
0x1a: {  	s8 =	sadd.s32 $0xFFFFE003, lr  }
0x1b: {  	s9 =	sadd.s32 $0xFFFFFEF7, lr;
	s5 =	simm.s32 $0xFFFFFFFF;
	p2 =	slt.u32 s8, $0xFFFFF086  }
0x1c: {  	p1 =	slt.u32 s9, $0xF7A;
	s5 =	simm.s32 @!p2 $0x0  }
0x1d: {  	s5 =	simm.s32 @p1 $0x1;
	p0 =	seq.s32 s7, s2  }
0x1e: {  	s7 =	smul.u32 @!p0 $0xF7A, s2;
	p2 =	seq.s32 @!p0 s5, $0x0  }
0x1f: {  	s9 =	smul.u32 $0xF7A, s1;
	s8 =	simm.s32 @!p0 $0x1BF5;
	p2 =	por !p2, p0  }
0x20: {  	[sflag:s8] =	ssyncset.s32 @!p0 $0xFFFFF086;
	s6 =	sadd.s32 @!p0 s3, s7;
	s7 =	simm.s32 @!p0 $0x108  }
0x21: {  	s3 =	sadd.s32 s3, s9;
	s6 =	sadd.s32 @!p0 $0x88, s6;
	s7 =	simm.s32 @p2 $0x1082  }
0x22: {  	[simem:s7], [sflag:s8] =	dma.local @!p0 [hbm:s6], $0xF7A  }
0x23: {  	s9 =	sor.u32 $0xD0000000, s2;
	s6 =	simm.s32 $0x108;
	_ =	swait.ge @!p0 [sflag:s8], $0x0  }
0x24: {  	s3 =	sadd.s32 $0x88, s3;
	s6 =	simm.s32 @!p1 $0x1082;
	[sflag:s4] =	ssyncset.s32 $0xFFFFF086  }
0x25: {  	[simem:s6], [sflag:s4] =	dma.local [hbm:s3], $0xF7A  }
0x26: {  	[smem:$0x3F9B] =	sst s1;
	(tag) =	ssettag s2;
	_ =	strace s9  }
0x27: {  	s1 =	sld [smem:$0x3FAB]  }
0x28: {  	s2 =	sld [smem:$0x3FAC]  }
0x29: {  	s4 =	sld [smem:$0x3FAE]  }
0x2a: {  	p0 =	seq.s32 s5, $0x0;
	s5 =	sld [smem:$0x3FAF]  }
0x2b: {  	s6 =	sld [smem:$0x3FB0]  }
0x2c: {  	s7 =	sld [smem:$0x3FB1]  }
0x2d: {  	s3 =	simm.s32 $0x108;
	s8 =	sld [smem:$0x3FB2]  }
0x2e: {  	s3 =	simm.s32 @!p0 $0x1082;
	s9 =	sld [smem:$0x3FB3]  }
0x2f: {  	lr =	sadd.s32 s0, s3;
	s0 =	sld [smem:$0x3FAA]  }
0x30: {  	s3 =	sld [smem:$0x3FAD]  }
0x31: {  	[smem:$0x3FB6] =	sst s10  }
0x32: {  	s10 =	sld [smem:$0x3FB4];
	_ =	sdelay $0x3  }
0x33: {  	p0 =	seq.s32 s10, $0x1;
	s10 =	sld [smem:$0x3FB6];
	_ =	sdelay $0x3  }
0x34: {  	[smem:$0x3FB6] =	sst s10  }
0x35: {  	s10 =	sld [smem:$0x3FB5];
	_ =	sdelay $0x3  }
0x36: {  	p1 =	seq.s32 s10, $0x1;
	s10 =	sld [smem:$0x3FB6];
	_ =	sdelay $0x3  }
0x37: {  	[smem:$0x3FB6] =	sst s10  }
0x38: {  	s10 =	sld [smem:$0x3FB7]  }
0x39: {  	_ = 	snop;
	(pc) =	sbr.ind lr, $3  }
0x3a: {  	_ = 	snop  }
0x3b: {  	_ = 	snop  }
0x3c: {  	p2 =	seq.s32 s10, $0x1;
	s10 =	sld [smem:$0x3FB6]  }
0x3d: {  	_ =	shalt  }
0x3e: {  	_ =	shalt  }
0x3f: {  	_ =	shalt  }
0x40: {  	_ =	shalt  }
0x41: {  	_ =	shalt  }
0x42: {  	_ =	shalt  }
0x43: {  	_ =	shalt  }
0x44: {  	_ =	shalt  }
0x45: {  	_ =	shalt  }
0x46: {  	_ =	shalt  }
0x47: {  	_ =	shalt  }
0x48: {  	_ =	shalt  }
0x49: {  	_ =	shalt  }
0x4a: {  	_ =	shalt  }
0x4b: {  	_ =	shalt  }
0x4c: {  	_ =	shalt  }
0x4d: {  	_ =	shalt  }
0x4e: {  	_ =	shalt  }
0x4f: {  	_ =	shalt  }
0x50: {  	_ =	shalt  }
0x51: {  	_ =	shalt  }
0x52: {  	_ =	shalt  }
0x53: {  	_ =	shalt  }
0x54: {  	_ =	shalt  }
0x55: {  	_ =	shalt  }
0x56: {  	_ =	shalt  }
0x57: {  	_ =	shalt  }
0x58: {  	_ =	shalt  }
0x59: {  	_ =	shalt  }
0x5a: {  	_ =	shalt  }
0x5b: {  	_ =	shalt  }
0x5c: {  	_ =	shalt  }
0x5d: {  	_ =	shalt  }
0x5e: {  	_ =	shalt  }
0x5f: {  	_ =	shalt  }
0x60: {  	_ =	shalt  }
0x61: {  	_ =	shalt  }
0x62: {  	_ =	shalt  }
0x63: {  	_ =	shalt  }
0x64: {  	_ =	shalt  }
0x65: {  	_ =	shalt  }
0x66: {  	_ =	shalt  }
0x67: {  	_ =	shalt  }
0x68: {  	_ =	shalt  }
0x69: {  	_ =	shalt  }
0x6a: {  	_ =	shalt  }
0x6b: {  	_ =	shalt  }
0x6c: {  	_ =	shalt  }
0x6d: {  	_ =	shalt  }
0x6e: {  	_ =	shalt  }
0x6f: {  	_ =	shalt  }
0x70: {  	_ =	shalt  }
0x71: {  	_ =	shalt  }
0x72: {  	_ =	shalt  }
0x73: {  	_ =	shalt  }
0x74: {  	_ =	shalt  }
0x75: {  	_ =	shalt  }
0x76: {  	_ =	shalt  }
0x77: {  	_ =	shalt  }
0x78: {  	_ =	shalt  }
0x79: {  	_ =	shalt  }
0x7a: {  	_ =	shalt  }
0x7b: {  	_ =	shalt  }
0x7c: {  	_ =	shalt  }
0x7d: {  	_ =	shalt  }
0x7e: {  	_ =	shalt  }
0x7f: {  	_ =	shalt  }
0x80: {  	_ =	shalt  }
0x81: {  	_ =	shalt  }
0x82: {  	_ =	shalt  }
0x83: {  	_ =	shalt  }
0x84: {  	_ =	shalt  }
0x85: {  	_ =	shalt  }
0x86: {  	_ =	shalt  }
0x87: {  	_ =	shalt  }
.Lfunc_end0:
.L_simem_size_0:
called_computation.1_lowered:
.L_overlay_start_0:
0x88: {  	s2 =	sld [smem:$0x3FD9]  }
0x89: {  	s3 =	sld [smem:$0x3FFE];
	_ =	sdelay $0x1  }
0x8a: {  	s1 =	srdreg.scid  }
0x8b: {  	s0 =	sand.u32 $0x1, s1  }
0x8c: {  	s16 =	sshll.u32 s0, $0xA;
	s2 =	sadd.s32 s3, s2  }
0x8d: {  	s2 =	sadd.s32 s2, s16  }
0x8e: {  	[smem:$0x3FC2] =	sst s2  }
0x8f: {  	_ = 	snop  }
0x90: {  	(tm) =	ssettm $0x1  }
0x91: {  	s17 =	sld [smem:$0x3FFB];
	_ =	sdelay $0x3  }
0x92: {  	_ =	strace s17  }
0x93: {  	s2 =	sld [smem:$0x3FFC];
	_ =	sdelay $0x3  }
0x94: {  	_ =	strace s2  }
0x95: {  	s2 =	sld [smem:$0x3FFD];
	_ =	sdelay $0x3  }
0x96: {  	_ =	strace s2  }
0x97: {  	_ =	strace $0x8FFFFFFF  }
0x98: {  	s18 =	sld [smem:$0x3FDB];
	_ =	sdelay $0x1  }
0x99: {  	s19 =	simm.s32 $_scs_section_size  }
0x9a: {  	s4 =	simm.s32 $_size__tile_overlayer_lowered;
	s5 =	simm.s32 $_tile_overlayer_lowered  }
0x9b: {  	s22 =	simm.s32 $0x1BFF;
	s21 =	sshll.u32 s5, $0x1;
	s2 =	sadd.s32 s19, s18  }
0x9c: {  	s6 =	simm.s32 $0x0;
	s20 =	sshll.u32 s4, $0x1;
	s4 =	sadd.s32 s21, s2  }
0x9d: {  	[timem:s6], [sflag:s22] =	dma.local [hbm:s4], s20  }
0x9e: {  	_ =	swait.ge [sflag:s22], s20  }
0x9f: {  	s3 =	ssub.s32 $0x0, s20;
	[sflag:s22] =	ssyncset.done $0x0  }
0xa0: {  	[sflag:s22] =	ssyncadd.s32 s3;
	_ =	sdelay $0x1  }
0xa1: {  	s23 =	simm.s32 $0x1B8B  }
0xa2: {  	_ =	swait.ge [sflag:s23], $0x1  }
0xa3: {  	[sflag:s23] =	ssyncset.done $0x0  }
0xa4: {  	s25 =	simm.s32 $0x1B8E;
	s24 =	sld [smem:$0x3FFE];
	[sflag:s23] =	ssyncadd.s32 $0xFFFFFFFF  }
0xa5: {  	s26 =	simm.s32 $execute0_lowered;
	[smem:$0x3FD2] =	sst s25  }
0xa6: {  	s4 =	sshll.u32 s26, $0x1;
	_ =	strace $0x80000049;
	[dreg:$0x1] =	wrdreg $0xFFFFFFFF  }
0xa7: {  	s28 =	simm.s32 $_size_execute0_lowered;
	s2 =	sadd.s32 s2, s4;
	[dreg:$0x0] =	wrdreg $0x0  }
0xa8: {  	s4 =	sshll.u32 s28, $0x1;
	[dreg:$0x2] =	wrdreg s2  }
0xa9: {  	[dreg:$0x3] =	wrdreg s4  }
0xaa: {  	[dreg:$0x4] =	wrdreg $0xC0  }
0xab: {  	_ =	task [dreg:s6], $0x5FFFF  }
0xac: {  	[dreg:$0x1] =	wrdreg $0xFFFFFFFF  }
0xad: {  	[dreg:$0x0] =	wrdreg $0x60  }
0xae: {  	[dreg:$0x2] =	wrdreg s24  }
0xaf: {  	[dreg:$0x3] =	wrdreg $0x90000  }
0xb0: {  	[dreg:$0x4] =	wrdreg $0x9  }
0xb1: {  	_ =	task.clear_ibuf [dreg:s6], $0x5FFFF;
	_ =	strace $0x90000049  }
0xb2: {  	s29 =	simm.s32 $0x9;
	_ =	strace $0x8000004B  }
0xb3: {  	_ =	swait.ge [sflag:s29], $0x1  }
0xb4: {  	[sflag:s29] =	ssyncadd.s32 $0xFFFFFFFF  }
0xb5: {  	_ =	strace $0x9000004B  }
0xb6: {  	_ =	sfence  }
0xb7: {  	s30 =	sld [smem:$0x0];
	_ =	sdelay $0x2  }
0xb8: {  	s31 =	sshll.u32 s1, $0xD;
	s1 =	sshrl.u32 s1, $0x2  }
0xb9: {  	s3 =	sand.u32 $0x4000, s31;
	s1 =	sadd.s32 s1, s30  }
0xba: {  	s0 =	sor.u32 s3, s0;
	s1 =	sshll.u32 s1, $0x11  }
0xbb: {  	s0 =	sor.u32 s1, s0  }
0xbc: {  	s0 =	sadd.s32 $0x8F2B, s0  }
0xbd: {  	[sflag:s0] =	ssyncadd.remote.s32 $0x1  }
0xbe: {  	_ =	sfence.sel $0xFFFF  }
0xbf: {  	[dreg:$0x0] =	wrdreg $0xFFFFFFFF;
	(pc) =	sbr.abs _section_cstart, $3  }
0xc0: {  	[dreg:$0x1] =	wrdreg $0xFFFFFFFF  }
0xc1: {  	_ =	task.clear_ibuf [dreg:s6], $0x2FFFF;
	_ =	strace $0x9FFFFFFF  }
0xc2: {  	(tm) =	ssettm $0x7FFFFFFF  }
0xc3: {  	_ =	shalt  }
tec
execute0_lowered:
.L_overlay_start_1:
0x0: {  	(tag) =	ssettag $0x1  }
0x1: {  	s0 =	rddreg [dreg:$0x0]  }
0x2: {  	s1 =	rddreg [dreg:$0x1];
	s2 =	srdreg.scid;
	s3 =	simm.s32 $0x0  }
0x3: {  	s10 =	stileid.u32;
	s15 =	simm.s32 $0x80;
	s16 =	simm.s32 $0x100  }
0x4: {  	s17 =	simm.s32 $0x180;
	s18 =	simm.s32 $0x880;
	[smem:$0x7FF] =	sst s3  }
0x5: {  	s19 =	simm.s32 $0x200;
	_ =	strace $0x8000004A;
	[dreg:$0x5] =	wrdreg s15  }
0x6: {  	s20 =	simm.s32 $0x900;
	s21 =	simm.s32 $0x280;
	[dreg:$0x6] =	wrdreg s16  }
0x7: {  	s22 =	simm.s32 $0x980;
	s11 =	simm.s32 $0x800;
	[dreg:$0x7] =	wrdreg s17  }
0x8: {  	s23 =	simm.s32 $0x300;
	s24 =	simm.s32 $0xA00;
	[dreg:$0x8] =	wrdreg s18  }
0x9: {  	s25 =	simm.s32 $0x380;
	s26 =	simm.s32 $0xA80;
	[dreg:$0x9] =	wrdreg s19  }
0xa: {  	s28 =	simm.s32 $0xD80;
	s29 =	simm.s32 $0x700;
	[dreg:$0xa] =	wrdreg s20  }
0xb: {  	s30 =	simm.s32 $0xE00;
	s31 =	simm.s32 $0x780;
	[dreg:$0xb] =	wrdreg s21  }
0xc: {  	s2 =	sand.u32 $0x1, s2;
	s5 =	smul.u32 $0x14000, s10;
	[dreg:$0xc] =	wrdreg s22  }
0xd: {  	s6 =	smul.u32 $0xA00, s10;
	s7 =	sadd.s32 $0x16200, s0;
	[dreg:$0xd] =	wrdreg s23  }
0xe: {  	s8 =	smul.u32 $0x50000, s10;
	s14 =	sshll.u32 s10, $0x6;
	[dreg:$0xe] =	wrdreg s24  }
0xf: {  	s10 =	simm.s32 $0x2;
	s4 =	smul.u32 $0x140000, s2;
	[dreg:$0xf] =	wrdreg s25  }
0x10: {  	s2 =	ssub.s32 $0x2, s2;
	s15 =	simm.s32 $0x1;
	[dreg:$0x10] =	wrdreg s26  }
0x11: {  	s16 =	simm.s32 $0x400;
	s17 =	simm.s32 $0xB00;
	s18 =	simm.s32 $0x480  }
0x12: {  	s19 =	simm.s32 $0xB80;
	s20 =	simm.s32 $0x500;
	s21 =	simm.s32 $0xC00  }
0x13: {  	s22 =	simm.s32 $0x580;
	s23 =	simm.s32 $0xC80;
	s24 =	simm.s32 $0x600  }
0x14: {  	s25 =	simm.s32 $0xD00;
	s26 =	simm.s32 $0x680;
	s6 =	sadd.s32 s6, s0  }
0x15: {  	s9 =	sshrl.u32 s2, $0x1;
	s8 =	sshrl.u32 s8, $0x2;
	s5 =	sadd.s32 s5, s4  }
0x16: {  	s2 =	ssub.s32 s2, s9;
	s8 =	sadd.s32 s8, s1;
	s12 =	sadd.s32 $0x2200, s6  }
0x17: {  	s13 =	sadd.s32 $0xC200, s6;
	s9 =	sor.u32 $0x1C02, s14;
	s4 =	sshrl.u32 s4, $0x3  }
0x18: {  	s14 =	simm.s32 $0x5000;
	s5 =	sshrl.u32 s5, $0x3;
	[dreg:$0x3] =	wrdreg s12  }
0x19: {  	[dreg:$0x4] =	wrdreg s13;
	s6 =	sadd.s32 s7, s4;
	s2 =	smax.u32 s2, $0x1  }
0x1a: {  	s12 =	simm.s32 $0x7D;
	s13 =	simm.s32 $0x1000;
	[dreg:$0x12] =	wrdreg s9  }
0x1b: {  	s0 =	sadd.s32 s5, s0;
	s5 =	sadd.s32 s7, s5;
	[dreg:$0x14] =	wrdreg s2  }
0x1c: {  	s4 =	simm.s32 $0xF80;
	s7 =	sshrl.u32 s8, $0x3;
	[dreg:$0x11] =	wrdreg s5  }
0x1d: {  	s2 =	simm.s32 $0xF00;
	s0 =	sadd.s32 $0x66200, s0;
	[dreg:$0x15] =	wrdreg s7  }
0x1e: {  	s8 =	simm.s32 $0x0;
	[dreg:$0x13] =	wrdreg s0;
	s0 =	simm.s32 $0xE80  }
.LBB2_1:
0x1f: {  	[dreg:$0x16] =	wrdreg s8  }
0x20: {  	s5 =	rddreg [dreg:$0x11]  }
0x21: {  	[spmem:s7], [sflag:s9] =	dma.local [hbm:s5], $0x2800  }
0x22: {  	_ =	swait.ge [sflag:s10], $0x2800  }
0x23: {  	[sflag:s10] =	ssyncset.done $0x0  }
0x24: {  	[sflag:s10] =	ssyncadd.s32 $0xFFFFD800  }
0x25: {  	[bflag:$0x0] =	sbarrier.arrive $0xFFFF  }
0x26: {  	s8 =	rddreg [dreg:$0x4]  }
0x27: {  	s5 =	sadd.s32 $0x0, s8  }
0x28: {  	[tilespmem:s3], [sflag:$0x2] =	stream.linear.gather [hbm4b:s5+s3], $0x800, $0x38;
	[tilespmem:$0x1D000] =	vst v63  }
0x29: {  	_ =	swait.ge [sflag:s10], $0x800  }
0x2a: {  	s9 =	rddreg [dreg:$0x3];
	[sflag:s10] =	ssyncset.done $0x0  }
0x2b: {  	[sflag:s10] =	ssyncadd.s32 $0xFFFFF800;
	s5 =	sadd.s32 $0x0, s9  }
0x2c: {  	[tilespmem:s11], [sflag:$0x2] =	stream.linear.gather [hbm4b:s5+s3], $0x800, $0x38;
	[tilespmem:$0x1D000] =	vst v63  }
0x2d: {  	_ =	swait.ge [sflag:s10], $0x800  }
0x2e: {  	[sflag:s10] =	ssyncset.done $0x0  }
0x2f: {  	[sflag:s10] =	ssyncadd.s32 $0xFFFFF800  }
0x30: {  	[tilespmem:s13], [sflag:$0x1] =	stream.indirect.gather [hbm4b:s6+s12], $0x80, s3, s12, $0xb8;
	[tilespmem:$0x1D000] =	vst v63  }
0x31: {  	s7 =	rddreg [dreg:$0x5]  }
0x32: {  	[tilespmem:s14], [sflag:$0x1] =	stream.indirect.gather [hbm4b:s6+s12], $0x80, s7, s12, $0xb8;
	[tilespmem:$0x1D000] =	vst v63  }
0x33: {  	_ =	swait.ge [sflag:s15], $0x3E80  }
0x34: {  	[sflag:s15] =	ssyncset.done $0x0  }
0x35: {  	s8 =	rddreg [dreg:$0x6];
	[sflag:s15] =	ssyncadd.s32 $0xFFFFC180  }
0x36: {  	[tilespmem:s13], [sflag:$0x1] =	stream.indirect.gather [hbm4b:s6+s12], $0x80, s8, s12, $0xb8;
	[tilespmem:$0x1D000] =	vst v63  }
0x37: {  	_ = 	snop  }
0x38: {  	[spmem:s1] =	stream.indirect.scatter.add.f32 [tilespmem:s13], [sflag:$0x2], $0x80, s11, s12, $0xb8;
	[tilespmem:$0x1D000] =	vst v63  }
0x39: {  	_ =	swait.ge [sflag:s10], $0x3E80  }
0x3a: {  	[sflag:s10] =	ssyncset.done $0x0  }
0x3b: {  	[sflag:s10] =	ssyncadd.s32 $0xFFFFC180  }
0x3c: {  	_ =	swait.ge [sflag:s15], $0x3E80  }
0x3d: {  	[sflag:s15] =	ssyncset.done $0x0  }
0x3e: {  	s9 =	rddreg [dreg:$0x7];
	[sflag:s15] =	ssyncadd.s32 $0xFFFFC180  }
0x3f: {  	[tilespmem:s14], [sflag:$0x1] =	stream.indirect.gather [hbm4b:s6+s12], $0x80, s9, s12, $0xb8;
	[tilespmem:$0x1D000] =	vst v63  }
0x40: {  	s7 =	rddreg [dreg:$0x8]  }
0x41: {  	[spmem:s1] =	stream.indirect.scatter.add.f32 [tilespmem:s14], [sflag:$0x2], $0x80, s7, s12, $0xb8;
	[tilespmem:$0x1D000] =	vst v63  }
0x42: {  	_ =	swait.ge [sflag:s10], $0x3E80  }
0x43: {  	[sflag:s10] =	ssyncset.done $0x0  }
0x44: {  	[sflag:s10] =	ssyncadd.s32 $0xFFFFC180  }
0x45: {  	_ =	swait.ge [sflag:s15], $0x3E80  }
0x46: {  	[sflag:s15] =	ssyncset.done $0x0  }
0x47: {  	s9 =	rddreg [dreg:$0x9];
	[sflag:s15] =	ssyncadd.s32 $0xFFFFC180  }
0x48: {  	[tilespmem:s13], [sflag:$0x1] =	stream.indirect.gather [hbm4b:s6+s12], $0x80, s9, s12, $0xb8;
	[tilespmem:$0x1D000] =	vst v63  }
0x49: {  	s7 =	rddreg [dreg:$0xa]  }
0x4a: {  	[spmem:s1] =	stream.indirect.scatter.add.f32 [tilespmem:s13], [sflag:$0x2], $0x80, s7, s12, $0xb8;
	[tilespmem:$0x1D000] =	vst v63  }
0x4b: {  	_ =	swait.ge [sflag:s10], $0x3E80  }
0x4c: {  	[sflag:s10] =	ssyncset.done $0x0  }
0x4d: {  	[sflag:s10] =	ssyncadd.s32 $0xFFFFC180  }
0x4e: {  	_ =	swait.ge [sflag:s15], $0x3E80  }
0x4f: {  	[sflag:s15] =	ssyncset.done $0x0  }
0x50: {  	s9 =	rddreg [dreg:$0xb];
	[sflag:s15] =	ssyncadd.s32 $0xFFFFC180  }
0x51: {  	[tilespmem:s14], [sflag:$0x1] =	stream.indirect.gather [hbm4b:s6+s12], $0x80, s9, s12, $0xb8;
	[tilespmem:$0x1D000] =	vst v63  }
0x52: {  	s7 =	rddreg [dreg:$0xc]  }
0x53: {  	[spmem:s1] =	stream.indirect.scatter.add.f32 [tilespmem:s14], [sflag:$0x2], $0x80, s7, s12, $0xb8;
	[tilespmem:$0x1D000] =	vst v63  }
0x54: {  	_ =	swait.ge [sflag:s10], $0x3E80  }
0x55: {  	[sflag:s10] =	ssyncset.done $0x0  }
0x56: {  	[sflag:s10] =	ssyncadd.s32 $0xFFFFC180  }
0x57: {  	_ =	swait.ge [sflag:s15], $0x3E80  }
0x58: {  	[sflag:s15] =	ssyncset.done $0x0  }
0x59: {  	s9 =	rddreg [dreg:$0xd];
	[sflag:s15] =	ssyncadd.s32 $0xFFFFC180  }
0x5a: {  	[tilespmem:s13], [sflag:$0x1] =	stream.indirect.gather [hbm4b:s6+s12], $0x80, s9, s12, $0xb8;
	[tilespmem:$0x1D000] =	vst v63  }
0x5b: {  	s7 =	rddreg [dreg:$0xe]  }
0x5c: {  	[spmem:s1] =	stream.indirect.scatter.add.f32 [tilespmem:s13], [sflag:$0x2], $0x80, s7, s12, $0xb8;
	[tilespmem:$0x1D000] =	vst v63  }
0x5d: {  	_ =	swait.ge [sflag:s10], $0x3E80  }
0x5e: {  	[sflag:s10] =	ssyncset.done $0x0  }
0x5f: {  	[sflag:s10] =	ssyncadd.s32 $0xFFFFC180  }
0x60: {  	_ =	swait.ge [sflag:s15], $0x3E80  }
0x61: {  	[sflag:s15] =	ssyncset.done $0x0  }
0x62: {  	s8 =	rddreg [dreg:$0xf];
	[sflag:s15] =	ssyncadd.s32 $0xFFFFC180  }
0x63: {  	[tilespmem:s14], [sflag:$0x1] =	stream.indirect.gather [hbm4b:s6+s12], $0x80, s8, s12, $0xb8;
	[tilespmem:$0x1D000] =	vst v63  }
0x64: {  	s9 =	rddreg [dreg:$0x10]  }
0x65: {  	[spmem:s1] =	stream.indirect.scatter.add.f32 [tilespmem:s14], [sflag:$0x2], $0x80, s9, s12, $0xb8;
	[tilespmem:$0x1D000] =	vst v63  }
0x66: {  	_ =	swait.ge [sflag:s10], $0x3E80  }
0x67: {  	[sflag:s10] =	ssyncset.done $0x0  }
0x68: {  	[sflag:s10] =	ssyncadd.s32 $0xFFFFC180  }
0x69: {  	_ =	swait.ge [sflag:s15], $0x3E80  }
0x6a: {  	[sflag:s15] =	ssyncset.done $0x0  }
0x6b: {  	[sflag:s15] =	ssyncadd.s32 $0xFFFFC180  }
0x6c: {  	[tilespmem:s13], [sflag:$0x1] =	stream.indirect.gather [hbm4b:s6+s12], $0x80, s16, s12, $0xb8;
	[tilespmem:$0x1D000] =	vst v63  }
0x6d: {  	_ = 	snop  }
0x6e: {  	[spmem:s1] =	stream.indirect.scatter.add.f32 [tilespmem:s13], [sflag:$0x2], $0x80, s17, s12, $0xb8;
	[tilespmem:$0x1D000] =	vst v63  }
0x6f: {  	_ =	swait.ge [sflag:s10], $0x3E80  }
0x70: {  	[sflag:s10] =	ssyncset.done $0x0  }
0x71: {  	[sflag:s10] =	ssyncadd.s32 $0xFFFFC180  }
0x72: {  	_ =	swait.ge [sflag:s15], $0x3E80  }
0x73: {  	[sflag:s15] =	ssyncset.done $0x0  }
0x74: {  	[sflag:s15] =	ssyncadd.s32 $0xFFFFC180  }
0x75: {  	[tilespmem:s14], [sflag:$0x1] =	stream.indirect.gather [hbm4b:s6+s12], $0x80, s18, s12, $0xb8;
	[tilespmem:$0x1D000] =	vst v63  }
0x76: {  	_ = 	snop  }
0x77: {  	[spmem:s1] =	stream.indirect.scatter.add.f32 [tilespmem:s14], [sflag:$0x2], $0x80, s19, s12, $0xb8;
	[tilespmem:$0x1D000] =	vst v63  }
0x78: {  	_ =	swait.ge [sflag:s10], $0x3E80  }
0x79: {  	[sflag:s10] =	ssyncset.done $0x0  }
0x7a: {  	[sflag:s10] =	ssyncadd.s32 $0xFFFFC180  }
0x7b: {  	_ =	swait.ge [sflag:s15], $0x3E80  }
0x7c: {  	[sflag:s15] =	ssyncset.done $0x0  }
0x7d: {  	[sflag:s15] =	ssyncadd.s32 $0xFFFFC180  }
0x7e: {  	[tilespmem:s13], [sflag:$0x1] =	stream.indirect.gather [hbm4b:s6+s12], $0x80, s20, s12, $0xb8;
	[tilespmem:$0x1D000] =	vst v63  }
0x7f: {  	_ = 	snop  }
0x80: {  	[spmem:s1] =	stream.indirect.scatter.add.f32 [tilespmem:s13], [sflag:$0x2], $0x80, s21, s12, $0xb8;
	[tilespmem:$0x1D000] =	vst v63  }
0x81: {  	_ =	swait.ge [sflag:s10], $0x3E80  }
0x82: {  	[sflag:s10] =	ssyncset.done $0x0  }
0x83: {  	[sflag:s10] =	ssyncadd.s32 $0xFFFFC180  }
0x84: {  	_ =	swait.ge [sflag:s15], $0x3E80  }
0x85: {  	[sflag:s15] =	ssyncset.done $0x0  }
0x86: {  	[sflag:s15] =	ssyncadd.s32 $0xFFFFC180  }
0x87: {  	[tilespmem:s14], [sflag:$0x1] =	stream.indirect.gather [hbm4b:s6+s12], $0x80, s22, s12, $0xb8;
	[tilespmem:$0x1D000] =	vst v63  }
0x88: {  	_ = 	snop  }
0x89: {  	[spmem:s1] =	stream.indirect.scatter.add.f32 [tilespmem:s14], [sflag:$0x2], $0x80, s23, s12, $0xb8;
	[tilespmem:$0x1D000] =	vst v63  }
0x8a: {  	_ =	swait.ge [sflag:s10], $0x3E80  }
0x8b: {  	[sflag:s10] =	ssyncset.done $0x0  }
0x8c: {  	[sflag:s10] =	ssyncadd.s32 $0xFFFFC180  }
0x8d: {  	_ =	swait.ge [sflag:s15], $0x3E80  }
0x8e: {  	[sflag:s15] =	ssyncset.done $0x0  }
0x8f: {  	[sflag:s15] =	ssyncadd.s32 $0xFFFFC180  }
0x90: {  	[tilespmem:s13], [sflag:$0x1] =	stream.indirect.gather [hbm4b:s6+s12], $0x80, s24, s12, $0xb8;
	[tilespmem:$0x1D000] =	vst v63  }
0x91: {  	_ = 	snop  }
0x92: {  	[spmem:s1] =	stream.indirect.scatter.add.f32 [tilespmem:s13], [sflag:$0x2], $0x80, s25, s12, $0xb8;
	[tilespmem:$0x1D000] =	vst v63  }
0x93: {  	_ =	swait.ge [sflag:s10], $0x3E80  }
0x94: {  	[sflag:s10] =	ssyncset.done $0x0  }
0x95: {  	[sflag:s10] =	ssyncadd.s32 $0xFFFFC180  }
0x96: {  	_ =	swait.ge [sflag:s15], $0x3E80  }
0x97: {  	[sflag:s15] =	ssyncset.done $0x0  }
0x98: {  	[sflag:s15] =	ssyncadd.s32 $0xFFFFC180  }
0x99: {  	[tilespmem:s14], [sflag:$0x1] =	stream.indirect.gather [hbm4b:s6+s12], $0x80, s26, s12, $0xb8;
	[tilespmem:$0x1D000] =	vst v63  }
0x9a: {  	_ = 	snop  }
0x9b: {  	[spmem:s1] =	stream.indirect.scatter.add.f32 [tilespmem:s14], [sflag:$0x2], $0x80, s28, s12, $0xb8;
	[tilespmem:$0x1D000] =	vst v63  }
0x9c: {  	_ =	swait.ge [sflag:s10], $0x3E80  }
0x9d: {  	[sflag:s10] =	ssyncset.done $0x0  }
0x9e: {  	[sflag:s10] =	ssyncadd.s32 $0xFFFFC180  }
0x9f: {  	_ =	swait.ge [sflag:s15], $0x3E80  }
0xa0: {  	[sflag:s15] =	ssyncset.done $0x0  }
0xa1: {  	[sflag:s15] =	ssyncadd.s32 $0xFFFFC180  }
0xa2: {  	[tilespmem:s13], [sflag:$0x1] =	stream.indirect.gather [hbm4b:s6+s12], $0x80, s29, s12, $0xb8;
	[tilespmem:$0x1D000] =	vst v63  }
0xa3: {  	_ = 	snop  }
0xa4: {  	[spmem:s1] =	stream.indirect.scatter.add.f32 [tilespmem:s13], [sflag:$0x2], $0x80, s30, s12, $0xb8;
	[tilespmem:$0x1D000] =	vst v63  }
0xa5: {  	_ =	swait.ge [sflag:s10], $0x3E80  }
0xa6: {  	[sflag:s10] =	ssyncset.done $0x0  }
0xa7: {  	[sflag:s10] =	ssyncadd.s32 $0xFFFFC180  }
0xa8: {  	_ =	swait.ge [sflag:s15], $0x3E80  }
0xa9: {  	[sflag:s15] =	ssyncset.done $0x0  }
0xaa: {  	[sflag:s15] =	ssyncadd.s32 $0xFFFFC180  }
0xab: {  	[tilespmem:s14], [sflag:$0x1] =	stream.indirect.gather [hbm4b:s6+s12], $0x80, s31, s12, $0xb8;
	[tilespmem:$0x1D000] =	vst v63  }
0xac: {  	_ = 	snop  }
0xad: {  	[spmem:s1] =	stream.indirect.scatter.add.f32 [tilespmem:s14], [sflag:$0x2], $0x80, s0, s12, $0xb8;
	[tilespmem:$0x1D000] =	vst v63  }
0xae: {  	_ =	swait.ge [sflag:s10], $0x3E80  }
0xaf: {  	[sflag:s10] =	ssyncset.done $0x0  }
0xb0: {  	[sflag:s10] =	ssyncadd.s32 $0xFFFFC180  }
0xb1: {  	_ =	swait.ge [sflag:s15], $0x3E80  }
0xb2: {  	[sflag:s15] =	ssyncset.done $0x0  }
0xb3: {  	[sflag:s15] =	ssyncadd.s32 $0xFFFFC180  }
0xb4: {  	[spmem:s1] =	stream.indirect.scatter.add.f32 [tilespmem:s13], [sflag:$0x2], $0x80, s2, s12, $0xb8;
	[tilespmem:$0x1D000] =	vst v63  }
0xb5: {  	_ =	swait.ge [sflag:s10], $0x3E80  }
0xb6: {  	[sflag:s10] =	ssyncset.done $0x0  }
0xb7: {  	[sflag:s10] =	ssyncadd.s32 $0xFFFFC180  }
0xb8: {  	_ =	swait.ge [sflag:s15], $0x3E80  }
0xb9: {  	[sflag:s15] =	ssyncset.done $0x0  }
0xba: {  	[sflag:s15] =	ssyncadd.s32 $0xFFFFC180  }
0xbb: {  	[spmem:s1] =	stream.indirect.scatter.add.f32 [tilespmem:s14], [sflag:$0x2], $0x80, s4, s12, $0xb8;
	[tilespmem:$0x1D000] =	vst v63  }
0xbc: {  	s5 =	simm.s32 $0x200;
	_ =	swait.ge [sflag:s10], $0x3E80  }
0xbd: {  	s8 =	simm.s32 $0x100;
	s9 =	rddreg [dreg:$0x4];
	[sflag:s10] =	ssyncset.done $0x0  }
.LBB2_2:
0xbe: {  	[sflag:s10] =	ssyncadd.s32 $0xFFFFC180;
	s9 =	sadd.s32 s8, s9  }
0xbf: {  	[tilespmem:s3], [sflag:$0x2] =	stream.linear.gather [hbm4b:s9+s3], $0x800, $0x38;
	[tilespmem:$0x1D000] =	vst v63  }
0xc0: {  	_ =	swait.ge [sflag:s10], $0x800  }
0xc1: {  	s9 =	rddreg [dreg:$0x3];
	[sflag:s10] =	ssyncset.done $0x0  }
0xc2: {  	[sflag:s10] =	ssyncadd.s32 $0xFFFFF800;
	s9 =	sadd.s32 s8, s9  }
0xc3: {  	[tilespmem:s11], [sflag:$0x2] =	stream.linear.gather [hbm4b:s9+s3], $0x800, $0x38;
	[tilespmem:$0x1D000] =	vst v63  }
0xc4: {  	_ =	swait.ge [sflag:s10], $0x800  }
0xc5: {  	[sflag:s10] =	ssyncset.done $0x0  }
0xc6: {  	[sflag:s10] =	ssyncadd.s32 $0xFFFFF800  }
0xc7: {  	[tilespmem:s13], [sflag:$0x1] =	stream.indirect.gather [hbm4b:s6+s12], $0x80, s3, s12, $0xb8;
	[tilespmem:$0x1D000] =	vst v63  }
0xc8: {  	s9 =	rddreg [dreg:$0x5]  }
0xc9: {  	[tilespmem:s14], [sflag:$0x1] =	stream.indirect.gather [hbm4b:s6+s12], $0x80, s9, s12, $0xb8;
	[tilespmem:$0x1D000] =	vst v63  }
0xca: {  	_ =	swait.ge [sflag:s15], $0x3E80  }
0xcb: {  	[sflag:s15] =	ssyncset.done $0x0  }
0xcc: {  	s9 =	rddreg [dreg:$0x6];
	[sflag:s15] =	ssyncadd.s32 $0xFFFFC180  }
0xcd: {  	[tilespmem:s13], [sflag:$0x1] =	stream.indirect.gather [hbm4b:s6+s12], $0x80, s9, s12, $0xb8;
	[tilespmem:$0x1D000] =	vst v63  }
0xce: {  	_ = 	snop  }
0xcf: {  	[spmem:s1] =	stream.indirect.scatter.add.f32 [tilespmem:s13], [sflag:$0x2], $0x80, s11, s12, $0xb8;
	[tilespmem:$0x1D000] =	vst v63  }
0xd0: {  	_ =	swait.ge [sflag:s10], $0x3E80  }
0xd1: {  	[sflag:s10] =	ssyncset.done $0x0  }
0xd2: {  	[sflag:s10] =	ssyncadd.s32 $0xFFFFC180  }
0xd3: {  	_ =	swait.ge [sflag:s15], $0x3E80  }
0xd4: {  	s7 =	smov.u32 s5;
	[sflag:s15] =	ssyncset.done $0x0  }
0xd5: {  	s8 =	smov.u32 s7;
	s7 =	rddreg [dreg:$0x7];
	[sflag:s15] =	ssyncadd.s32 $0xFFFFC180  }
0xd6: {  	[tilespmem:s14], [sflag:$0x1] =	stream.indirect.gather [hbm4b:s6+s12], $0x80, s7, s12, $0xb8;
	[tilespmem:$0x1D000] =	vst v63  }
0xd7: {  	s9 =	rddreg [dreg:$0x8]  }
0xd8: {  	[spmem:s1] =	stream.indirect.scatter.add.f32 [tilespmem:s14], [sflag:$0x2], $0x80, s9, s12, $0xb8;
	[tilespmem:$0x1D000] =	vst v63  }
0xd9: {  	_ =	swait.ge [sflag:s10], $0x3E80  }
0xda: {  	[sflag:s10] =	ssyncset.done $0x0  }
0xdb: {  	[sflag:s10] =	ssyncadd.s32 $0xFFFFC180  }
0xdc: {  	_ =	swait.ge [sflag:s15], $0x3E80  }
0xdd: {  	[sflag:s15] =	ssyncset.done $0x0  }
0xde: {  	s7 =	rddreg [dreg:$0x9];
	[sflag:s15] =	ssyncadd.s32 $0xFFFFC180  }
0xdf: {  	[tilespmem:s13], [sflag:$0x1] =	stream.indirect.gather [hbm4b:s6+s12], $0x80, s7, s12, $0xb8;
	[tilespmem:$0x1D000] =	vst v63  }
0xe0: {  	s9 =	rddreg [dreg:$0xa]  }
0xe1: {  	[spmem:s1] =	stream.indirect.scatter.add.f32 [tilespmem:s13], [sflag:$0x2], $0x80, s9, s12, $0xb8;
	[tilespmem:$0x1D000] =	vst v63  }
0xe2: {  	_ =	swait.ge [sflag:s10], $0x3E80  }
0xe3: {  	[sflag:s10] =	ssyncset.done $0x0  }
0xe4: {  	[sflag:s10] =	ssyncadd.s32 $0xFFFFC180  }
0xe5: {  	_ =	swait.ge [sflag:s15], $0x3E80  }
0xe6: {  	[sflag:s15] =	ssyncset.done $0x0  }
0xe7: {  	s7 =	rddreg [dreg:$0xb];
	[sflag:s15] =	ssyncadd.s32 $0xFFFFC180  }
0xe8: {  	[tilespmem:s14], [sflag:$0x1] =	stream.indirect.gather [hbm4b:s6+s12], $0x80, s7, s12, $0xb8;
	[tilespmem:$0x1D000] =	vst v63  }
0xe9: {  	s9 =	rddreg [dreg:$0xc]  }
0xea: {  	[spmem:s1] =	stream.indirect.scatter.add.f32 [tilespmem:s14], [sflag:$0x2], $0x80, s9, s12, $0xb8;
	[tilespmem:$0x1D000] =	vst v63  }
0xeb: {  	_ =	swait.ge [sflag:s10], $0x3E80  }
0xec: {  	[sflag:s10] =	ssyncset.done $0x0  }
0xed: {  	[sflag:s10] =	ssyncadd.s32 $0xFFFFC180  }
0xee: {  	_ =	swait.ge [sflag:s15], $0x3E80  }
0xef: {  	[sflag:s15] =	ssyncset.done $0x0  }
0xf0: {  	s7 =	rddreg [dreg:$0xd];
	[sflag:s15] =	ssyncadd.s32 $0xFFFFC180  }
0xf1: {  	[tilespmem:s13], [sflag:$0x1] =	stream.indirect.gather [hbm4b:s6+s12], $0x80, s7, s12, $0xb8;
	[tilespmem:$0x1D000] =	vst v63  }
0xf2: {  	s9 =	rddreg [dreg:$0xe]  }
0xf3: {  	[spmem:s1] =	stream.indirect.scatter.add.f32 [tilespmem:s13], [sflag:$0x2], $0x80, s9, s12, $0xb8;
	[tilespmem:$0x1D000] =	vst v63  }
0xf4: {  	_ =	swait.ge [sflag:s10], $0x3E80  }
0xf5: {  	[sflag:s10] =	ssyncset.done $0x0  }
0xf6: {  	[sflag:s10] =	ssyncadd.s32 $0xFFFFC180  }
0xf7: {  	_ =	swait.ge [sflag:s15], $0x3E80  }
0xf8: {  	[sflag:s15] =	ssyncset.done $0x0  }
0xf9: {  	s7 =	rddreg [dreg:$0xf];
	[sflag:s15] =	ssyncadd.s32 $0xFFFFC180  }
0xfa: {  	[tilespmem:s14], [sflag:$0x1] =	stream.indirect.gather [hbm4b:s6+s12], $0x80, s7, s12, $0xb8;
	[tilespmem:$0x1D000] =	vst v63  }
0xfb: {  	s9 =	rddreg [dreg:$0x10]  }
0xfc: {  	[spmem:s1] =	stream.indirect.scatter.add.f32 [tilespmem:s14], [sflag:$0x2], $0x80, s9, s12, $0xb8;
	[tilespmem:$0x1D000] =	vst v63  }
0xfd: {  	_ =	swait.ge [sflag:s10], $0x3E80  }
0xfe: {  	[sflag:s10] =	ssyncset.done $0x0  }
0xff: {  	[sflag:s10] =	ssyncadd.s32 $0xFFFFC180  }
0x100: {  	_ =	swait.ge [sflag:s15], $0x3E80  }
0x101: {  	[sflag:s15] =	ssyncset.done $0x0  }
0x102: {  	[sflag:s15] =	ssyncadd.s32 $0xFFFFC180  }
0x103: {  	[tilespmem:s13], [sflag:$0x1] =	stream.indirect.gather [hbm4b:s6+s12], $0x80, s16, s12, $0xb8;
	[tilespmem:$0x1D000] =	vst v63  }
0x104: {  	_ = 	snop  }
0x105: {  	[spmem:s1] =	stream.indirect.scatter.add.f32 [tilespmem:s13], [sflag:$0x2], $0x80, s17, s12, $0xb8;
	[tilespmem:$0x1D000] =	vst v63  }
0x106: {  	_ =	swait.ge [sflag:s10], $0x3E80  }
0x107: {  	[sflag:s10] =	ssyncset.done $0x0  }
0x108: {  	[sflag:s10] =	ssyncadd.s32 $0xFFFFC180  }
0x109: {  	_ =	swait.ge [sflag:s15], $0x3E80  }
0x10a: {  	[sflag:s15] =	ssyncset.done $0x0  }
0x10b: {  	[sflag:s15] =	ssyncadd.s32 $0xFFFFC180  }
0x10c: {  	[tilespmem:s14], [sflag:$0x1] =	stream.indirect.gather [hbm4b:s6+s12], $0x80, s18, s12, $0xb8;
	[tilespmem:$0x1D000] =	vst v63  }
0x10d: {  	_ = 	snop  }
0x10e: {  	[spmem:s1] =	stream.indirect.scatter.add.f32 [tilespmem:s14], [sflag:$0x2], $0x80, s19, s12, $0xb8;
	[tilespmem:$0x1D000] =	vst v63  }
0x10f: {  	_ =	swait.ge [sflag:s10], $0x3E80  }
0x110: {  	[sflag:s10] =	ssyncset.done $0x0  }
0x111: {  	[sflag:s10] =	ssyncadd.s32 $0xFFFFC180  }
0x112: {  	_ =	swait.ge [sflag:s15], $0x3E80  }
0x113: {  	[sflag:s15] =	ssyncset.done $0x0  }
0x114: {  	[sflag:s15] =	ssyncadd.s32 $0xFFFFC180  }
0x115: {  	[tilespmem:s13], [sflag:$0x1] =	stream.indirect.gather [hbm4b:s6+s12], $0x80, s20, s12, $0xb8;
	[tilespmem:$0x1D000] =	vst v63  }
0x116: {  	_ = 	snop  }
0x117: {  	[spmem:s1] =	stream.indirect.scatter.add.f32 [tilespmem:s13], [sflag:$0x2], $0x80, s21, s12, $0xb8;
	[tilespmem:$0x1D000] =	vst v63  }
0x118: {  	_ =	swait.ge [sflag:s10], $0x3E80  }
0x119: {  	[sflag:s10] =	ssyncset.done $0x0  }
0x11a: {  	[sflag:s10] =	ssyncadd.s32 $0xFFFFC180  }
0x11b: {  	_ =	swait.ge [sflag:s15], $0x3E80  }
0x11c: {  	[sflag:s15] =	ssyncset.done $0x0  }
0x11d: {  	[sflag:s15] =	ssyncadd.s32 $0xFFFFC180  }
0x11e: {  	[tilespmem:s14], [sflag:$0x1] =	stream.indirect.gather [hbm4b:s6+s12], $0x80, s22, s12, $0xb8;
	[tilespmem:$0x1D000] =	vst v63  }
0x11f: {  	_ = 	snop  }
0x120: {  	[spmem:s1] =	stream.indirect.scatter.add.f32 [tilespmem:s14], [sflag:$0x2], $0x80, s23, s12, $0xb8;
	[tilespmem:$0x1D000] =	vst v63  }
0x121: {  	_ =	swait.ge [sflag:s10], $0x3E80  }
0x122: {  	[sflag:s10] =	ssyncset.done $0x0  }
0x123: {  	[sflag:s10] =	ssyncadd.s32 $0xFFFFC180  }
0x124: {  	_ =	swait.ge [sflag:s15], $0x3E80  }
0x125: {  	[sflag:s15] =	ssyncset.done $0x0  }
0x126: {  	[sflag:s15] =	ssyncadd.s32 $0xFFFFC180  }
0x127: {  	[tilespmem:s13], [sflag:$0x1] =	stream.indirect.gather [hbm4b:s6+s12], $0x80, s24, s12, $0xb8;
	[tilespmem:$0x1D000] =	vst v63  }
0x128: {  	_ = 	snop  }
0x129: {  	[spmem:s1] =	stream.indirect.scatter.add.f32 [tilespmem:s13], [sflag:$0x2], $0x80, s25, s12, $0xb8;
	[tilespmem:$0x1D000] =	vst v63  }
0x12a: {  	_ =	swait.ge [sflag:s10], $0x3E80  }
0x12b: {  	[sflag:s10] =	ssyncset.done $0x0  }
0x12c: {  	[sflag:s10] =	ssyncadd.s32 $0xFFFFC180  }
0x12d: {  	_ =	swait.ge [sflag:s15], $0x3E80  }
0x12e: {  	[sflag:s15] =	ssyncset.done $0x0  }
0x12f: {  	[sflag:s15] =	ssyncadd.s32 $0xFFFFC180  }
0x130: {  	[tilespmem:s14], [sflag:$0x1] =	stream.indirect.gather [hbm4b:s6+s12], $0x80, s26, s12, $0xb8;
	[tilespmem:$0x1D000] =	vst v63  }
0x131: {  	_ = 	snop  }
0x132: {  	[spmem:s1] =	stream.indirect.scatter.add.f32 [tilespmem:s14], [sflag:$0x2], $0x80, s28, s12, $0xb8;
	[tilespmem:$0x1D000] =	vst v63  }
0x133: {  	_ =	swait.ge [sflag:s10], $0x3E80  }
0x134: {  	[sflag:s10] =	ssyncset.done $0x0  }
0x135: {  	[sflag:s10] =	ssyncadd.s32 $0xFFFFC180  }
0x136: {  	_ =	swait.ge [sflag:s15], $0x3E80  }
0x137: {  	[sflag:s15] =	ssyncset.done $0x0  }
0x138: {  	[sflag:s15] =	ssyncadd.s32 $0xFFFFC180  }
0x139: {  	[tilespmem:s13], [sflag:$0x1] =	stream.indirect.gather [hbm4b:s6+s12], $0x80, s29, s12, $0xb8;
	[tilespmem:$0x1D000] =	vst v63  }
0x13a: {  	_ = 	snop  }
0x13b: {  	[spmem:s1] =	stream.indirect.scatter.add.f32 [tilespmem:s13], [sflag:$0x2], $0x80, s30, s12, $0xb8;
	[tilespmem:$0x1D000] =	vst v63  }
0x13c: {  	_ =	swait.ge [sflag:s10], $0x3E80  }
0x13d: {  	[sflag:s10] =	ssyncset.done $0x0  }
0x13e: {  	[sflag:s10] =	ssyncadd.s32 $0xFFFFC180  }
0x13f: {  	_ =	swait.ge [sflag:s15], $0x3E80  }
0x140: {  	[sflag:s15] =	ssyncset.done $0x0  }
0x141: {  	[sflag:s15] =	ssyncadd.s32 $0xFFFFC180  }
0x142: {  	[tilespmem:s14], [sflag:$0x1] =	stream.indirect.gather [hbm4b:s6+s12], $0x80, s31, s12, $0xb8;
	[tilespmem:$0x1D000] =	vst v63  }
0x143: {  	_ = 	snop  }
0x144: {  	[spmem:s1] =	stream.indirect.scatter.add.f32 [tilespmem:s14], [sflag:$0x2], $0x80, s0, s12, $0xb8;
	[tilespmem:$0x1D000] =	vst v63  }
0x145: {  	_ =	swait.ge [sflag:s10], $0x3E80  }
0x146: {  	[sflag:s10] =	ssyncset.done $0x0  }
0x147: {  	[sflag:s10] =	ssyncadd.s32 $0xFFFFC180  }
0x148: {  	_ =	swait.ge [sflag:s15], $0x3E80  }
0x149: {  	[sflag:s15] =	ssyncset.done $0x0  }
0x14a: {  	[sflag:s15] =	ssyncadd.s32 $0xFFFFC180  }
0x14b: {  	[spmem:s1] =	stream.indirect.scatter.add.f32 [tilespmem:s13], [sflag:$0x2], $0x80, s2, s12, $0xb8;
	[tilespmem:$0x1D000] =	vst v63  }
0x14c: {  	_ =	swait.ge [sflag:s10], $0x3E80  }
0x14d: {  	[sflag:s10] =	ssyncset.done $0x0  }
0x14e: {  	[sflag:s10] =	ssyncadd.s32 $0xFFFFC180  }
0x14f: {  	p0 =	sne.s32 s5, $0x900;
	_ =	swait.ge [sflag:s15], $0x3E80  }
.Ltmp0:
0x150: {  	[sflag:s15] =	ssyncset.done $0x0;
	(pc) =	sbr.rel @p0 .LBB2_2-.Ltmp0, $4  }
0x151: {  	[sflag:s15] =	ssyncadd.s32 $0xFFFFC180  }
0x152: {  	[spmem:s1] =	stream.indirect.scatter.add.f32 [tilespmem:s14], [sflag:$0x2], $0x80, s4, s12, $0xb8;
	[tilespmem:$0x1D000] =	vst v63  }
0x153: {  	_ =	swait.ge [sflag:s10], $0x3E80  }
0x154: {  	s5 =	sadd.s32 $0x100, s5;
	s9 =	rddreg [dreg:$0x4];
	[sflag:s10] =	ssyncset.done $0x0  }
0x155: {  	[sflag:s10] =	ssyncadd.s32 $0xFFFFC180;
	s5 =	sadd.s32 s8, s9  }
0x156: {  	[tilespmem:s3], [sflag:$0x2] =	stream.linear.gather [hbm4b:s5+s3], $0x800, $0x38;
	[tilespmem:$0x1D000] =	vst v63  }
0x157: {  	_ =	swait.ge [sflag:s10], $0x800  }
0x158: {  	s9 =	rddreg [dreg:$0x3];
	[sflag:s10] =	ssyncset.done $0x0  }
0x159: {  	[sflag:s10] =	ssyncadd.s32 $0xFFFFF800;
	s5 =	sadd.s32 s8, s9  }
0x15a: {  	[tilespmem:s11], [sflag:$0x2] =	stream.linear.gather [hbm4b:s5+s3], $0x800, $0x38;
	[tilespmem:$0x1D000] =	vst v63  }
0x15b: {  	_ =	swait.ge [sflag:s10], $0x800  }
0x15c: {  	[sflag:s10] =	ssyncset.done $0x0  }
0x15d: {  	[sflag:s10] =	ssyncadd.s32 $0xFFFFF800  }
0x15e: {  	[tilespmem:s13], [sflag:$0x1] =	stream.indirect.gather [hbm4b:s6+s12], $0x80, s3, s12, $0xb8;
	[tilespmem:$0x1D000] =	vst v63  }
0x15f: {  	s7 =	rddreg [dreg:$0x5]  }
0x160: {  	[tilespmem:s14], [sflag:$0x1] =	stream.indirect.gather [hbm4b:s6+s12], $0x80, s7, s12, $0xb8;
	[tilespmem:$0x1D000] =	vst v63  }
0x161: {  	_ =	swait.ge [sflag:s15], $0x3E80  }
0x162: {  	[sflag:s15] =	ssyncset.done $0x0  }
0x163: {  	s8 =	rddreg [dreg:$0x6];
	[sflag:s15] =	ssyncadd.s32 $0xFFFFC180  }
0x164: {  	[tilespmem:s13], [sflag:$0x1] =	stream.indirect.gather [hbm4b:s6+s12], $0x80, s8, s12, $0xb8;
	[tilespmem:$0x1D000] =	vst v63  }
0x165: {  	_ = 	snop  }
0x166: {  	[spmem:s1] =	stream.indirect.scatter.add.f32 [tilespmem:s13], [sflag:$0x2], $0x80, s11, s12, $0xb8;
	[tilespmem:$0x1D000] =	vst v63  }
0x167: {  	_ =	swait.ge [sflag:s10], $0x3E80  }
0x168: {  	[sflag:s10] =	ssyncset.done $0x0  }
0x169: {  	[sflag:s10] =	ssyncadd.s32 $0xFFFFC180  }
0x16a: {  	_ =	swait.ge [sflag:s15], $0x3E80  }
0x16b: {  	[sflag:s15] =	ssyncset.done $0x0  }
0x16c: {  	s9 =	rddreg [dreg:$0x7];
	[sflag:s15] =	ssyncadd.s32 $0xFFFFC180  }
0x16d: {  	[tilespmem:s14], [sflag:$0x1] =	stream.indirect.gather [hbm4b:s6+s12], $0x80, s9, s12, $0xb8;
	[tilespmem:$0x1D000] =	vst v63  }
0x16e: {  	s7 =	rddreg [dreg:$0x8]  }
0x16f: {  	[spmem:s1] =	stream.indirect.scatter.add.f32 [tilespmem:s14], [sflag:$0x2], $0x80, s7, s12, $0xb8;
	[tilespmem:$0x1D000] =	vst v63  }
0x170: {  	_ =	swait.ge [sflag:s10], $0x3E80  }
0x171: {  	[sflag:s10] =	ssyncset.done $0x0  }
0x172: {  	[sflag:s10] =	ssyncadd.s32 $0xFFFFC180  }
0x173: {  	_ =	swait.ge [sflag:s15], $0x3E80  }
0x174: {  	[sflag:s15] =	ssyncset.done $0x0  }
0x175: {  	s8 =	rddreg [dreg:$0x9];
	[sflag:s15] =	ssyncadd.s32 $0xFFFFC180  }
0x176: {  	[tilespmem:s13], [sflag:$0x1] =	stream.indirect.gather [hbm4b:s6+s12], $0x80, s8, s12, $0xb8;
	[tilespmem:$0x1D000] =	vst v63  }
0x177: {  	s9 =	rddreg [dreg:$0xa]  }
0x178: {  	[spmem:s1] =	stream.indirect.scatter.add.f32 [tilespmem:s13], [sflag:$0x2], $0x80, s9, s12, $0xb8;
	[tilespmem:$0x1D000] =	vst v63  }
0x179: {  	_ =	swait.ge [sflag:s10], $0x3E80  }
0x17a: {  	[sflag:s10] =	ssyncset.done $0x0  }
0x17b: {  	[sflag:s10] =	ssyncadd.s32 $0xFFFFC180  }
0x17c: {  	_ =	swait.ge [sflag:s15], $0x3E80  }
0x17d: {  	[sflag:s15] =	ssyncset.done $0x0  }
0x17e: {  	s8 =	rddreg [dreg:$0xb];
	[sflag:s15] =	ssyncadd.s32 $0xFFFFC180  }
0x17f: {  	[tilespmem:s14], [sflag:$0x1] =	stream.indirect.gather [hbm4b:s6+s12], $0x80, s8, s12, $0xb8;
	[tilespmem:$0x1D000] =	vst v63  }
0x180: {  	s9 =	rddreg [dreg:$0xc]  }
0x181: {  	[spmem:s1] =	stream.indirect.scatter.add.f32 [tilespmem:s14], [sflag:$0x2], $0x80, s9, s12, $0xb8;
	[tilespmem:$0x1D000] =	vst v63  }
0x182: {  	_ =	swait.ge [sflag:s10], $0x3E80  }
0x183: {  	[sflag:s10] =	ssyncset.done $0x0  }
0x184: {  	[sflag:s10] =	ssyncadd.s32 $0xFFFFC180  }
0x185: {  	_ =	swait.ge [sflag:s15], $0x3E80  }
0x186: {  	[sflag:s15] =	ssyncset.done $0x0  }
0x187: {  	s8 =	rddreg [dreg:$0xd];
	[sflag:s15] =	ssyncadd.s32 $0xFFFFC180  }
0x188: {  	[tilespmem:s13], [sflag:$0x1] =	stream.indirect.gather [hbm4b:s6+s12], $0x80, s8, s12, $0xb8;
	[tilespmem:$0x1D000] =	vst v63  }
0x189: {  	s9 =	rddreg [dreg:$0xe]  }
0x18a: {  	[spmem:s1] =	stream.indirect.scatter.add.f32 [tilespmem:s13], [sflag:$0x2], $0x80, s9, s12, $0xb8;
	[tilespmem:$0x1D000] =	vst v63  }
0x18b: {  	_ =	swait.ge [sflag:s10], $0x3E80  }
0x18c: {  	[sflag:s10] =	ssyncset.done $0x0  }
0x18d: {  	[sflag:s10] =	ssyncadd.s32 $0xFFFFC180  }
0x18e: {  	_ =	swait.ge [sflag:s15], $0x3E80  }
0x18f: {  	[sflag:s15] =	ssyncset.done $0x0  }
0x190: {  	s8 =	rddreg [dreg:$0xf];
	[sflag:s15] =	ssyncadd.s32 $0xFFFFC180  }
0x191: {  	[tilespmem:s14], [sflag:$0x1] =	stream.indirect.gather [hbm4b:s6+s12], $0x80, s8, s12, $0xb8;
	[tilespmem:$0x1D000] =	vst v63  }
0x192: {  	s9 =	rddreg [dreg:$0x10]  }
0x193: {  	[spmem:s1] =	stream.indirect.scatter.add.f32 [tilespmem:s14], [sflag:$0x2], $0x80, s9, s12, $0xb8;
	[tilespmem:$0x1D000] =	vst v63  }
0x194: {  	_ =	swait.ge [sflag:s10], $0x3E80  }
0x195: {  	[sflag:s10] =	ssyncset.done $0x0  }
0x196: {  	[sflag:s10] =	ssyncadd.s32 $0xFFFFC180  }
0x197: {  	_ =	swait.ge [sflag:s15], $0x3E80  }
0x198: {  	[sflag:s15] =	ssyncset.done $0x0  }
0x199: {  	[sflag:s15] =	ssyncadd.s32 $0xFFFFC180  }
0x19a: {  	[tilespmem:s13], [sflag:$0x1] =	stream.indirect.gather [hbm4b:s6+s12], $0x80, s16, s12, $0xb8;
	[tilespmem:$0x1D000] =	vst v63  }
0x19b: {  	_ = 	snop  }
0x19c: {  	[spmem:s1] =	stream.indirect.scatter.add.f32 [tilespmem:s13], [sflag:$0x2], $0x80, s17, s12, $0xb8;
	[tilespmem:$0x1D000] =	vst v63  }
0x19d: {  	_ =	swait.ge [sflag:s10], $0x3E80  }
0x19e: {  	[sflag:s10] =	ssyncset.done $0x0  }
0x19f: {  	[sflag:s10] =	ssyncadd.s32 $0xFFFFC180  }
0x1a0: {  	_ =	swait.ge [sflag:s15], $0x3E80  }
0x1a1: {  	[sflag:s15] =	ssyncset.done $0x0  }
0x1a2: {  	[sflag:s15] =	ssyncadd.s32 $0xFFFFC180  }
0x1a3: {  	[tilespmem:s14], [sflag:$0x1] =	stream.indirect.gather [hbm4b:s6+s12], $0x80, s18, s12, $0xb8;
	[tilespmem:$0x1D000] =	vst v63  }
0x1a4: {  	_ = 	snop  }
0x1a5: {  	[spmem:s1] =	stream.indirect.scatter.add.f32 [tilespmem:s14], [sflag:$0x2], $0x80, s19, s12, $0xb8;
	[tilespmem:$0x1D000] =	vst v63  }
0x1a6: {  	_ =	swait.ge [sflag:s10], $0x3E80  }
0x1a7: {  	[sflag:s10] =	ssyncset.done $0x0  }
0x1a8: {  	[sflag:s10] =	ssyncadd.s32 $0xFFFFC180  }
0x1a9: {  	_ =	swait.ge [sflag:s15], $0x3E80  }
0x1aa: {  	[sflag:s15] =	ssyncset.done $0x0  }
0x1ab: {  	[sflag:s15] =	ssyncadd.s32 $0xFFFFC180  }
0x1ac: {  	[tilespmem:s13], [sflag:$0x1] =	stream.indirect.gather [hbm4b:s6+s12], $0x80, s20, s12, $0xb8;
	[tilespmem:$0x1D000] =	vst v63  }
0x1ad: {  	_ = 	snop  }
0x1ae: {  	[spmem:s1] =	stream.indirect.scatter.add.f32 [tilespmem:s13], [sflag:$0x2], $0x80, s21, s12, $0xb8;
	[tilespmem:$0x1D000] =	vst v63  }
0x1af: {  	_ =	swait.ge [sflag:s10], $0x3E80  }
0x1b0: {  	[sflag:s10] =	ssyncset.done $0x0  }
0x1b1: {  	[sflag:s10] =	ssyncadd.s32 $0xFFFFC180  }
0x1b2: {  	_ =	swait.ge [sflag:s15], $0x3E80  }
0x1b3: {  	[sflag:s15] =	ssyncset.done $0x0  }
0x1b4: {  	[sflag:s15] =	ssyncadd.s32 $0xFFFFC180  }
0x1b5: {  	[tilespmem:s14], [sflag:$0x1] =	stream.indirect.gather [hbm4b:s6+s12], $0x80, s22, s12, $0xb8;
	[tilespmem:$0x1D000] =	vst v63  }
0x1b6: {  	_ = 	snop  }
0x1b7: {  	[spmem:s1] =	stream.indirect.scatter.add.f32 [tilespmem:s14], [sflag:$0x2], $0x80, s23, s12, $0xb8;
	[tilespmem:$0x1D000] =	vst v63  }
0x1b8: {  	_ =	swait.ge [sflag:s10], $0x3E80  }
0x1b9: {  	[sflag:s10] =	ssyncset.done $0x0  }
0x1ba: {  	[sflag:s10] =	ssyncadd.s32 $0xFFFFC180  }
0x1bb: {  	_ =	swait.ge [sflag:s15], $0x3E80  }
0x1bc: {  	[sflag:s15] =	ssyncset.done $0x0  }
0x1bd: {  	[sflag:s15] =	ssyncadd.s32 $0xFFFFC180  }
0x1be: {  	[tilespmem:s13], [sflag:$0x1] =	stream.indirect.gather [hbm4b:s6+s12], $0x80, s24, s12, $0xb8;
	[tilespmem:$0x1D000] =	vst v63  }
0x1bf: {  	_ = 	snop  }
0x1c0: {  	[spmem:s1] =	stream.indirect.scatter.add.f32 [tilespmem:s13], [sflag:$0x2], $0x80, s25, s12, $0xb8;
	[tilespmem:$0x1D000] =	vst v63  }
0x1c1: {  	_ =	swait.ge [sflag:s10], $0x3E80  }
0x1c2: {  	[sflag:s10] =	ssyncset.done $0x0  }
0x1c3: {  	[sflag:s10] =	ssyncadd.s32 $0xFFFFC180  }
0x1c4: {  	_ =	swait.ge [sflag:s15], $0x3E80  }
0x1c5: {  	[sflag:s15] =	ssyncset.done $0x0  }
0x1c6: {  	[sflag:s15] =	ssyncadd.s32 $0xFFFFC180  }
0x1c7: {  	[tilespmem:s14], [sflag:$0x1] =	stream.indirect.gather [hbm4b:s6+s12], $0x80, s26, s12, $0xb8;
	[tilespmem:$0x1D000] =	vst v63  }
0x1c8: {  	_ = 	snop  }
0x1c9: {  	[spmem:s1] =	stream.indirect.scatter.add.f32 [tilespmem:s14], [sflag:$0x2], $0x80, s28, s12, $0xb8;
	[tilespmem:$0x1D000] =	vst v63  }
0x1ca: {  	_ =	swait.ge [sflag:s10], $0x3E80  }
0x1cb: {  	[sflag:s10] =	ssyncset.done $0x0  }
0x1cc: {  	[sflag:s10] =	ssyncadd.s32 $0xFFFFC180  }
0x1cd: {  	_ =	swait.ge [sflag:s15], $0x3E80  }
0x1ce: {  	[sflag:s15] =	ssyncset.done $0x0  }
0x1cf: {  	[sflag:s15] =	ssyncadd.s32 $0xFFFFC180  }
0x1d0: {  	[tilespmem:s13], [sflag:$0x1] =	stream.indirect.gather [hbm4b:s6+s12], $0x80, s29, s12, $0xb8;
	[tilespmem:$0x1D000] =	vst v63  }
0x1d1: {  	_ = 	snop  }
0x1d2: {  	[spmem:s1] =	stream.indirect.scatter.add.f32 [tilespmem:s13], [sflag:$0x2], $0x80, s30, s12, $0xb8;
	[tilespmem:$0x1D000] =	vst v63  }
0x1d3: {  	_ =	swait.ge [sflag:s10], $0x3E80  }
0x1d4: {  	[sflag:s10] =	ssyncset.done $0x0  }
0x1d5: {  	[sflag:s10] =	ssyncadd.s32 $0xFFFFC180  }
0x1d6: {  	_ =	swait.ge [sflag:s15], $0x3E80  }
0x1d7: {  	[sflag:s15] =	ssyncset.done $0x0  }
0x1d8: {  	[sflag:s15] =	ssyncadd.s32 $0xFFFFC180  }
0x1d9: {  	[tilespmem:s14], [sflag:$0x1] =	stream.indirect.gather [hbm4b:s6+s12], $0x80, s31, s12, $0xb8;
	[tilespmem:$0x1D000] =	vst v63  }
0x1da: {  	_ = 	snop  }
0x1db: {  	[spmem:s1] =	stream.indirect.scatter.add.f32 [tilespmem:s14], [sflag:$0x2], $0x80, s0, s12, $0xb8;
	[tilespmem:$0x1D000] =	vst v63  }
0x1dc: {  	_ =	swait.ge [sflag:s10], $0x3E80  }
0x1dd: {  	[sflag:s10] =	ssyncset.done $0x0  }
0x1de: {  	[sflag:s10] =	ssyncadd.s32 $0xFFFFC180  }
0x1df: {  	_ =	swait.ge [sflag:s15], $0x3E80  }
0x1e0: {  	[sflag:s15] =	ssyncset.done $0x0  }
0x1e1: {  	[sflag:s15] =	ssyncadd.s32 $0xFFFFC180  }
0x1e2: {  	[spmem:s1] =	stream.indirect.scatter.add.f32 [tilespmem:s13], [sflag:$0x2], $0x80, s2, s12, $0xb8;
	[tilespmem:$0x1D000] =	vst v63  }
0x1e3: {  	_ =	swait.ge [sflag:s10], $0x3E80  }
0x1e4: {  	[sflag:s10] =	ssyncset.done $0x0  }
0x1e5: {  	[sflag:s10] =	ssyncadd.s32 $0xFFFFC180  }
0x1e6: {  	_ =	swait.ge [sflag:s15], $0x3E80  }
0x1e7: {  	[sflag:s15] =	ssyncset.done $0x0  }
0x1e8: {  	[sflag:s15] =	ssyncadd.s32 $0xFFFFC180  }
0x1e9: {  	[spmem:s1] =	stream.indirect.scatter.add.f32 [tilespmem:s14], [sflag:$0x2], $0x80, s4, s12, $0xb8;
	[tilespmem:$0x1D000] =	vst v63  }
0x1ea: {  	_ =	swait.ge [sflag:s10], $0x3E80  }
0x1eb: {  	[sflag:s10] =	ssyncset.done $0x0  }
0x1ec: {  	[sflag:s10] =	ssyncadd.s32 $0xFFFFC180  }
0x1ed: {  	[bflag:$0x0] =	sbarrier.arrive $0xFFFF  }
0x1ee: {  	s9 =	rddreg [dreg:$0x12]  }
0x1ef: {  	s8 =	rddreg [dreg:$0x13]  }
0x1f0: {  	s7 =	rddreg [dreg:$0x15]  }
0x1f1: {  	[hbm:s8], [sflag:s9] =	dma.local [spmem:s7], $0x2800  }
0x1f2: {  	_ =	swait.ge [sflag:s10], $0x2800  }
0x1f3: {  	s5 =	rddreg [dreg:$0x16]  }
0x1f4: {  	s8 =	sadd.s32 $0x1, s5;
	s5 =	rddreg [dreg:$0x14]  }
0x1f5: {  	p0 =	sne.s32 s8, s5  }
.Ltmp1:
0x1f6: {  	_ = 	snop;
	(pc) =	sbr.rel @p0 .LBB2_1-.Ltmp1, $3  }
0x1f7: {  	_ =	sdelay $0x1  }
0x1f8: {  	[sflag:s10] =	ssyncset.done $0x0  }
0x1f9: {  	[sflag:s10] =	ssyncadd.s32 $0xFFFFD800  }
0x1fa: {  	_ =	sfence.sel $0x180000  }
0x1fb: {  	[bflag:$0x0] =	sbarrier.arrive $0xFFFF  }
0x1fc: {  	_ =	strace $0x9000004A  }
0x1fd: {  	s0 =	stileid.u32;
	[bflag:$0x2] =	sbarrier.arrive $0xFFFF  }
0x1fe: {  	p0 =	sne.s32 s0, $0x0;
	s0 =	rddreg [dreg:$0x2]  }
0x1ff: {  	s0 =	sadd.s32 @!p0 $0x100000, s0  }
0x200: {  	[sflag:s0] =	ssyncadd.tile.s32 @!p0 $0x1;
	_ =	shalt  }
.Lfunc_end2:
_tile_overlayer_lowered:
.L_overlay_start_2:
0x201: {  	(tag) =	ssettag $0x2  }
0x202: {  	s0 =	rddreg [dreg:$0x0];
	s2 =	stileid.u32  }
0x203: {  	s1 =	rddreg [dreg:$0x1];
	p0 =	sne.s32 s2, $0x0  }
0x204: {  	s3 =	rddreg [dreg:$0x2];
	[bflag:$0x3] =	sbarrier.arrive $0xFFFF;
	s2 =	simm.s32 @!p0 $0x1C02  }
0x205: {  	[timem:s3], [sflag:s2] =	dma.local @!p0 [hbm:s0], s1  }
0x206: {  	s0 =	simm.s32 @!p0 $0x2  }
0x207: {  	_ =	swait.ge @!p0 [sflag:s0], s1  }
0x208: {  	s1 =	ssub.s32 @!p0 $0x0, s1;
	[sflag:s0] =	ssyncset.done @!p0 $0x0  }
0x209: {  	[sflag:s0] =	ssyncadd.s32 @!p0 s1  }
0x20a: {  	[bflag:$0x3] =	sbarrier.arrive $0xFFFF  }
0x20b: {  	_ =	shalt  }

// kernel: kernel.14.cloned.1.call-start
scs
__scs_entry_jumppad:
0x0: {  	(pc) =	sbr.rel $0x88, $3  }
0x1: {  	(tag) =	ssettag $0x0;
	lr =	simm.s32 $0x1  }
0x2: {  	[smem:$0x3F9B] =	sst lr;
	_ =	strace $0xD0000000  }
0x3: {  	_ = 	snop  }
0x4: {  	_ = 	snop  }
0x5: {  	_ = 	snop  }
0x6: {  	_ = 	snop  }
0x7: {  	_ = 	snop  }
__scs_overlays_trampoline_lowered:
0x8: {  	[smem:$0x3FAA] =	sst s0  }
0x9: {  	[smem:$0x3FAB] =	sst s1  }
0xa: {  	[smem:$0x3FAC] =	sst s2  }
0xb: {  	[smem:$0x3FAD] =	sst s3  }
0xc: {  	[smem:$0x3FAE] =	sst s4  }
0xd: {  	[smem:$0x3FAF] =	sst s5  }
0xe: {  	[smem:$0x3FB0] =	sst s6  }
0xf: {  	[smem:$0x3FB1] =	sst s7  }
0x10: {  	[smem:$0x3FB2] =	sst s8  }
0x11: {  	[smem:$0x3FB3] =	sst s9;
	s0 =	simm.s32 @!p0 $0x0  }
0x12: {  	s1 =	sld [smem:$0x3F99];
	s0 =	simm.s32 @p0 $0x1  }
0x13: {  	[smem:$0x3FB4] =	sst s0;
	s0 =	simm.s32 @!p1 $0x0  }
0x14: {  	s2 =	sld [smem:$0x3F98];
	s0 =	simm.s32 @p1 $0x1  }
0x15: {  	[smem:$0x3FB5] =	sst s0;
	s0 =	simm.s32 @!p2 $0x0  }
0x16: {  	s3 =	sld [smem:$0x3FDB];
	s0 =	simm.s32 @p2 $0x1  }
0x17: {  	s4 =	simm.s32 $0x1BF5;
	[smem:$0x3FB7] =	sst s0  }
0x18: {  	s0 =	sld [smem:$0x3F9A];
	_ =	swait.ge [sflag:s4], $0x0  }
0x19: {  	s7 =	sld [smem:$0x3F9B]  }
0x1a: {  	s8 =	sadd.s32 $0xFFFFE003, lr  }
0x1b: {  	s9 =	sadd.s32 $0xFFFFFEF7, lr;
	s5 =	simm.s32 $0xFFFFFFFF;
	p2 =	slt.u32 s8, $0xFFFFF086  }
0x1c: {  	p1 =	slt.u32 s9, $0xF7A;
	s5 =	simm.s32 @!p2 $0x0  }
0x1d: {  	s5 =	simm.s32 @p1 $0x1;
	p0 =	seq.s32 s7, s2  }
0x1e: {  	s7 =	smul.u32 @!p0 $0xF7A, s2;
	p2 =	seq.s32 @!p0 s5, $0x0  }
0x1f: {  	s9 =	smul.u32 $0xF7A, s1;
	s8 =	simm.s32 @!p0 $0x1BF5;
	p2 =	por !p2, p0  }
0x20: {  	[sflag:s8] =	ssyncset.s32 @!p0 $0xFFFFF086;
	s6 =	sadd.s32 @!p0 s3, s7;
	s7 =	simm.s32 @!p0 $0x108  }
0x21: {  	s3 =	sadd.s32 s3, s9;
	s6 =	sadd.s32 @!p0 $0x88, s6;
	s7 =	simm.s32 @p2 $0x1082  }
0x22: {  	[simem:s7], [sflag:s8] =	dma.local @!p0 [hbm:s6], $0xF7A  }
0x23: {  	s9 =	sor.u32 $0xD0000000, s2;
	s6 =	simm.s32 $0x108;
	_ =	swait.ge @!p0 [sflag:s8], $0x0  }
0x24: {  	s3 =	sadd.s32 $0x88, s3;
	s6 =	simm.s32 @!p1 $0x1082;
	[sflag:s4] =	ssyncset.s32 $0xFFFFF086  }
0x25: {  	[simem:s6], [sflag:s4] =	dma.local [hbm:s3], $0xF7A  }
0x26: {  	[smem:$0x3F9B] =	sst s1;
	(tag) =	ssettag s2;
	_ =	strace s9  }
0x27: {  	s1 =	sld [smem:$0x3FAB]  }
0x28: {  	s2 =	sld [smem:$0x3FAC]  }
0x29: {  	s4 =	sld [smem:$0x3FAE]  }
0x2a: {  	p0 =	seq.s32 s5, $0x0;
	s5 =	sld [smem:$0x3FAF]  }
0x2b: {  	s6 =	sld [smem:$0x3FB0]  }
0x2c: {  	s7 =	sld [smem:$0x3FB1]  }
0x2d: {  	s3 =	simm.s32 $0x108;
	s8 =	sld [smem:$0x3FB2]  }
0x2e: {  	s3 =	simm.s32 @!p0 $0x1082;
	s9 =	sld [smem:$0x3FB3]  }
0x2f: {  	lr =	sadd.s32 s0, s3;
	s0 =	sld [smem:$0x3FAA]  }
0x30: {  	s3 =	sld [smem:$0x3FAD]  }
0x31: {  	[smem:$0x3FB6] =	sst s10  }
0x32: {  	s10 =	sld [smem:$0x3FB4];
	_ =	sdelay $0x3  }
0x33: {  	p0 =	seq.s32 s10, $0x1;
	s10 =	sld [smem:$0x3FB6];
	_ =	sdelay $0x3  }
0x34: {  	[smem:$0x3FB6] =	sst s10  }
0x35: {  	s10 =	sld [smem:$0x3FB5];
	_ =	sdelay $0x3  }
0x36: {  	p1 =	seq.s32 s10, $0x1;
	s10 =	sld [smem:$0x3FB6];
	_ =	sdelay $0x3  }
0x37: {  	[smem:$0x3FB6] =	sst s10  }
0x38: {  	s10 =	sld [smem:$0x3FB7]  }
0x39: {  	_ = 	snop;
	(pc) =	sbr.ind lr, $3  }
0x3a: {  	_ = 	snop  }
0x3b: {  	_ = 	snop  }
0x3c: {  	p2 =	seq.s32 s10, $0x1;
	s10 =	sld [smem:$0x3FB6]  }
0x3d: {  	_ =	shalt  }
0x3e: {  	_ =	shalt  }
0x3f: {  	_ =	shalt  }
0x40: {  	_ =	shalt  }
0x41: {  	_ =	shalt  }
0x42: {  	_ =	shalt  }
0x43: {  	_ =	shalt  }
0x44: {  	_ =	shalt  }
0x45: {  	_ =	shalt  }
0x46: {  	_ =	shalt  }
0x47: {  	_ =	shalt  }
0x48: {  	_ =	shalt  }
0x49: {  	_ =	shalt  }
0x4a: {  	_ =	shalt  }
0x4b: {  	_ =	shalt  }
0x4c: {  	_ =	shalt  }
0x4d: {  	_ =	shalt  }
0x4e: {  	_ =	shalt  }
0x4f: {  	_ =	shalt  }
0x50: {  	_ =	shalt  }
0x51: {  	_ =	shalt  }
0x52: {  	_ =	shalt  }
0x53: {  	_ =	shalt  }
0x54: {  	_ =	shalt  }
0x55: {  	_ =	shalt  }
0x56: {  	_ =	shalt  }
0x57: {  	_ =	shalt  }
0x58: {  	_ =	shalt  }
0x59: {  	_ =	shalt  }
0x5a: {  	_ =	shalt  }
0x5b: {  	_ =	shalt  }
0x5c: {  	_ =	shalt  }
0x5d: {  	_ =	shalt  }
0x5e: {  	_ =	shalt  }
0x5f: {  	_ =	shalt  }
0x60: {  	_ =	shalt  }
0x61: {  	_ =	shalt  }
0x62: {  	_ =	shalt  }
0x63: {  	_ =	shalt  }
0x64: {  	_ =	shalt  }
0x65: {  	_ =	shalt  }
0x66: {  	_ =	shalt  }
0x67: {  	_ =	shalt  }
0x68: {  	_ =	shalt  }
0x69: {  	_ =	shalt  }
0x6a: {  	_ =	shalt  }
0x6b: {  	_ =	shalt  }
0x6c: {  	_ =	shalt  }
0x6d: {  	_ =	shalt  }
0x6e: {  	_ =	shalt  }
0x6f: {  	_ =	shalt  }
0x70: {  	_ =	shalt  }
0x71: {  	_ =	shalt  }
0x72: {  	_ =	shalt  }
0x73: {  	_ =	shalt  }
0x74: {  	_ =	shalt  }
0x75: {  	_ =	shalt  }
0x76: {  	_ =	shalt  }
0x77: {  	_ =	shalt  }
0x78: {  	_ =	shalt  }
0x79: {  	_ =	shalt  }
0x7a: {  	_ =	shalt  }
0x7b: {  	_ =	shalt  }
0x7c: {  	_ =	shalt  }
0x7d: {  	_ =	shalt  }
0x7e: {  	_ =	shalt  }
0x7f: {  	_ =	shalt  }
0x80: {  	_ =	shalt  }
0x81: {  	_ =	shalt  }
0x82: {  	_ =	shalt  }
0x83: {  	_ =	shalt  }
0x84: {  	_ =	shalt  }
0x85: {  	_ =	shalt  }
0x86: {  	_ =	shalt  }
0x87: {  	_ =	shalt  }
.Lfunc_end0:
.L_simem_size_0:
called_computation.2_lowered:
.L_overlay_start_0:
0x88: {  	s2 =	sld [smem:$0x3FD9]  }
0x89: {  	s3 =	sld [smem:$0x3FFE];
	_ =	sdelay $0x1  }
0x8a: {  	s1 =	srdreg.scid  }
0x8b: {  	s0 =	sand.u32 $0x1, s1  }
0x8c: {  	s16 =	sshll.u32 s0, $0xA;
	s2 =	sadd.s32 s3, s2  }
0x8d: {  	s2 =	sadd.s32 s2, s16  }
0x8e: {  	[smem:$0x3FC2] =	sst s2  }
0x8f: {  	_ = 	snop  }
0x90: {  	(tm) =	ssettm $0x1  }
0x91: {  	s17 =	sld [smem:$0x3FFB];
	_ =	sdelay $0x3  }
0x92: {  	_ =	strace s17  }
0x93: {  	s2 =	sld [smem:$0x3FFC];
	_ =	sdelay $0x3  }
0x94: {  	_ =	strace s2  }
0x95: {  	s2 =	sld [smem:$0x3FFD];
	_ =	sdelay $0x3  }
0x96: {  	_ =	strace s2  }
0x97: {  	_ =	strace $0x8FFFFFFF  }
0x98: {  	s18 =	sld [smem:$0x3FDB];
	_ =	sdelay $0x1  }
0x99: {  	s19 =	simm.s32 $_scs_section_size  }
0x9a: {  	s4 =	simm.s32 $_size__tile_overlayer_lowered;
	s5 =	simm.s32 $_tile_overlayer_lowered  }
0x9b: {  	s22 =	simm.s32 $0x1BFF;
	s21 =	sshll.u32 s5, $0x1;
	s2 =	sadd.s32 s19, s18  }
0x9c: {  	s6 =	simm.s32 $0x0;
	s20 =	sshll.u32 s4, $0x1;
	s4 =	sadd.s32 s21, s2  }
0x9d: {  	[timem:s6], [sflag:s22] =	dma.local [hbm:s4], s20  }
0x9e: {  	_ =	swait.ge [sflag:s22], s20  }
0x9f: {  	s3 =	ssub.s32 $0x0, s20;
	[sflag:s22] =	ssyncset.done $0x0  }
0xa0: {  	[sflag:s22] =	ssyncadd.s32 s3;
	_ =	sdelay $0x1  }
0xa1: {  	s23 =	simm.s32 $0x1B8B  }
0xa2: {  	_ =	swait.ge [sflag:s23], $0x1  }
0xa3: {  	[sflag:s23] =	ssyncset.done $0x0  }
0xa4: {  	s25 =	simm.s32 $0x1B8E;
	s24 =	sld [smem:$0x3FFE];
	[sflag:s23] =	ssyncadd.s32 $0xFFFFFFFF  }
0xa5: {  	s26 =	simm.s32 $execute0_lowered;
	[smem:$0x3FD2] =	sst s25  }
0xa6: {  	s4 =	sshll.u32 s26, $0x1;
	_ =	strace $0x8000004C;
	[dreg:$0x1] =	wrdreg $0xFFFFFFFF  }
0xa7: {  	s28 =	simm.s32 $_size_execute0_lowered;
	s2 =	sadd.s32 s2, s4;
	[dreg:$0x0] =	wrdreg $0x0  }
0xa8: {  	s4 =	sshll.u32 s28, $0x1;
	[dreg:$0x2] =	wrdreg s2  }
0xa9: {  	[dreg:$0x3] =	wrdreg s4  }
0xaa: {  	[dreg:$0x4] =	wrdreg $0xC0  }
0xab: {  	_ =	task [dreg:s6], $0x5FFFF  }
0xac: {  	[dreg:$0x1] =	wrdreg $0xFFFFFFFF  }
0xad: {  	[dreg:$0x0] =	wrdreg $0x60  }
0xae: {  	[dreg:$0x2] =	wrdreg s24  }
0xaf: {  	[dreg:$0x3] =	wrdreg $0x90000  }
0xb0: {  	[dreg:$0x4] =	wrdreg $0x9  }
0xb1: {  	_ =	task.clear_ibuf [dreg:s6], $0x5FFFF;
	_ =	strace $0x9000004C  }
0xb2: {  	s29 =	simm.s32 $0x9;
	_ =	strace $0x8000004E  }
0xb3: {  	_ =	swait.ge [sflag:s29], $0x1  }
0xb4: {  	[sflag:s29] =	ssyncadd.s32 $0xFFFFFFFF  }
0xb5: {  	_ =	strace $0x9000004E  }
0xb6: {  	_ =	sfence  }
0xb7: {  	s30 =	sld [smem:$0x0];
	_ =	sdelay $0x2  }
0xb8: {  	s31 =	sshll.u32 s1, $0xD;
	s1 =	sshrl.u32 s1, $0x2  }
0xb9: {  	s3 =	sand.u32 $0x4000, s31;
	s1 =	sadd.s32 s1, s30  }
0xba: {  	s0 =	sor.u32 s3, s0;
	s1 =	sshll.u32 s1, $0x11  }
0xbb: {  	s0 =	sor.u32 s1, s0  }
0xbc: {  	s0 =	sadd.s32 $0x8F2B, s0  }
0xbd: {  	[sflag:s0] =	ssyncadd.remote.s32 $0x1  }
0xbe: {  	_ =	sfence.sel $0xFFFF  }
0xbf: {  	[dreg:$0x0] =	wrdreg $0xFFFFFFFF;
	(pc) =	sbr.abs _section_cstart, $3  }
0xc0: {  	[dreg:$0x1] =	wrdreg $0xFFFFFFFF  }
0xc1: {  	_ =	task.clear_ibuf [dreg:s6], $0x2FFFF;
	_ =	strace $0x9FFFFFFF  }
0xc2: {  	(tm) =	ssettm $0x7FFFFFFF  }
0xc3: {  	_ =	shalt  }
tec
execute0_lowered:
.L_overlay_start_1:
0x0: {  	(tag) =	ssettag $0x1  }
0x1: {  	s0 =	rddreg [dreg:$0x0]  }
0x2: {  	s1 =	rddreg [dreg:$0x1];
	s2 =	srdreg.scid;
	s3 =	simm.s32 $0x0  }
0x3: {  	s10 =	stileid.u32;
	s15 =	simm.s32 $0x80;
	s16 =	simm.s32 $0x100  }
0x4: {  	s17 =	simm.s32 $0x180;
	s18 =	simm.s32 $0x880;
	[smem:$0x7FF] =	sst s3  }
0x5: {  	s19 =	simm.s32 $0x200;
	_ =	strace $0x8000004D;
	[dreg:$0x5] =	wrdreg s15  }
0x6: {  	s20 =	simm.s32 $0x900;
	s21 =	simm.s32 $0x280;
	[dreg:$0x6] =	wrdreg s16  }
0x7: {  	s22 =	simm.s32 $0x980;
	s11 =	simm.s32 $0x800;
	[dreg:$0x7] =	wrdreg s17  }
0x8: {  	s23 =	simm.s32 $0x300;
	s24 =	simm.s32 $0xA00;
	[dreg:$0x8] =	wrdreg s18  }
0x9: {  	s25 =	simm.s32 $0x380;
	s26 =	simm.s32 $0xA80;
	[dreg:$0x9] =	wrdreg s19  }
0xa: {  	s28 =	simm.s32 $0xD80;
	s29 =	simm.s32 $0x700;
	[dreg:$0xa] =	wrdreg s20  }
0xb: {  	s30 =	simm.s32 $0xE00;
	s31 =	simm.s32 $0x780;
	[dreg:$0xb] =	wrdreg s21  }
0xc: {  	s2 =	sand.u32 $0x1, s2;
	s5 =	smul.u32 $0x14000, s10;
	[dreg:$0xc] =	wrdreg s22  }
0xd: {  	s6 =	smul.u32 $0xA00, s10;
	s7 =	sadd.s32 $0x16200, s0;
	[dreg:$0xd] =	wrdreg s23  }
0xe: {  	s8 =	smul.u32 $0x50000, s10;
	s14 =	sshll.u32 s10, $0x6;
	[dreg:$0xe] =	wrdreg s24  }
0xf: {  	s10 =	simm.s32 $0x2;
	s4 =	smul.u32 $0x140000, s2;
	[dreg:$0xf] =	wrdreg s25  }
0x10: {  	s2 =	ssub.s32 $0x2, s2;
	s15 =	simm.s32 $0x1;
	[dreg:$0x10] =	wrdreg s26  }
0x11: {  	s16 =	simm.s32 $0x400;
	s17 =	simm.s32 $0xB00;
	s18 =	simm.s32 $0x480  }
0x12: {  	s19 =	simm.s32 $0xB80;
	s20 =	simm.s32 $0x500;
	s21 =	simm.s32 $0xC00  }
0x13: {  	s22 =	simm.s32 $0x580;
	s23 =	simm.s32 $0xC80;
	s24 =	simm.s32 $0x600  }
0x14: {  	s25 =	simm.s32 $0xD00;
	s26 =	simm.s32 $0x680;
	s6 =	sadd.s32 s6, s0  }
0x15: {  	s9 =	sshrl.u32 s2, $0x1;
	s8 =	sshrl.u32 s8, $0x2;
	s5 =	sadd.s32 s5, s4  }
0x16: {  	s2 =	ssub.s32 s2, s9;
	s8 =	sadd.s32 s8, s1;
	s12 =	sadd.s32 $0x2200, s6  }
0x17: {  	s13 =	sadd.s32 $0xC200, s6;
	s9 =	sor.u32 $0x1C02, s14;
	s4 =	sshrl.u32 s4, $0x3  }
0x18: {  	s14 =	simm.s32 $0x5000;
	s5 =	sshrl.u32 s5, $0x3;
	[dreg:$0x3] =	wrdreg s12  }
0x19: {  	[dreg:$0x4] =	wrdreg s13;
	s6 =	sadd.s32 s7, s4;
	s2 =	smax.u32 s2, $0x1  }
0x1a: {  	s12 =	simm.s32 $0x7D;
	s13 =	simm.s32 $0x1000;
	[dreg:$0x12] =	wrdreg s9  }
0x1b: {  	s0 =	sadd.s32 s5, s0;
	s5 =	sadd.s32 s7, s5;
	[dreg:$0x14] =	wrdreg s2  }
0x1c: {  	s4 =	simm.s32 $0xF80;
	s7 =	sshrl.u32 s8, $0x3;
	[dreg:$0x11] =	wrdreg s5  }
0x1d: {  	s2 =	simm.s32 $0xF00;
	s0 =	sadd.s32 $0x66200, s0;
	[dreg:$0x15] =	wrdreg s7  }
0x1e: {  	s8 =	simm.s32 $0x0;
	[dreg:$0x13] =	wrdreg s0;
	s0 =	simm.s32 $0xE80  }
.LBB2_1:
0x1f: {  	[dreg:$0x16] =	wrdreg s8  }
0x20: {  	s5 =	rddreg [dreg:$0x11]  }
0x21: {  	[spmem:s7], [sflag:s9] =	dma.local [hbm:s5], $0x2800  }
0x22: {  	_ =	swait.ge [sflag:s10], $0x2800  }
0x23: {  	[sflag:s10] =	ssyncset.done $0x0  }
0x24: {  	[sflag:s10] =	ssyncadd.s32 $0xFFFFD800  }
0x25: {  	[bflag:$0x0] =	sbarrier.arrive $0xFFFF  }
0x26: {  	s8 =	rddreg [dreg:$0x4]  }
0x27: {  	s5 =	sadd.s32 $0x0, s8  }
0x28: {  	[tilespmem:s3], [sflag:$0x2] =	stream.linear.gather [hbm4b:s5+s3], $0x800, $0x38;
	[tilespmem:$0x1D000] =	vst v63  }
0x29: {  	_ =	swait.ge [sflag:s10], $0x800  }
0x2a: {  	s9 =	rddreg [dreg:$0x3];
	[sflag:s10] =	ssyncset.done $0x0  }
0x2b: {  	[sflag:s10] =	ssyncadd.s32 $0xFFFFF800;
	s5 =	sadd.s32 $0x0, s9  }
0x2c: {  	[tilespmem:s11], [sflag:$0x2] =	stream.linear.gather [hbm4b:s5+s3], $0x800, $0x38;
	[tilespmem:$0x1D000] =	vst v63  }
0x2d: {  	_ =	swait.ge [sflag:s10], $0x800  }
0x2e: {  	[sflag:s10] =	ssyncset.done $0x0  }
0x2f: {  	[sflag:s10] =	ssyncadd.s32 $0xFFFFF800  }
0x30: {  	[tilespmem:s13], [sflag:$0x1] =	stream.indirect.gather [hbm4b:s6+s12], $0x80, s3, s12, $0xb8;
	[tilespmem:$0x1D000] =	vst v63  }
0x31: {  	s7 =	rddreg [dreg:$0x5]  }
0x32: {  	[tilespmem:s14], [sflag:$0x1] =	stream.indirect.gather [hbm4b:s6+s12], $0x80, s7, s12, $0xb8;
	[tilespmem:$0x1D000] =	vst v63  }
0x33: {  	_ =	swait.ge [sflag:s15], $0x3E80  }
0x34: {  	[sflag:s15] =	ssyncset.done $0x0  }
0x35: {  	s8 =	rddreg [dreg:$0x6];
	[sflag:s15] =	ssyncadd.s32 $0xFFFFC180  }
0x36: {  	[tilespmem:s13], [sflag:$0x1] =	stream.indirect.gather [hbm4b:s6+s12], $0x80, s8, s12, $0xb8;
	[tilespmem:$0x1D000] =	vst v63  }
0x37: {  	_ = 	snop  }
0x38: {  	[spmem:s1] =	stream.indirect.scatter.add.f32 [tilespmem:s13], [sflag:$0x2], $0x80, s11, s12, $0xb8;
	[tilespmem:$0x1D000] =	vst v63  }
0x39: {  	_ =	swait.ge [sflag:s10], $0x3E80  }
0x3a: {  	[sflag:s10] =	ssyncset.done $0x0  }
0x3b: {  	[sflag:s10] =	ssyncadd.s32 $0xFFFFC180  }
0x3c: {  	_ =	swait.ge [sflag:s15], $0x3E80  }
0x3d: {  	[sflag:s15] =	ssyncset.done $0x0  }
0x3e: {  	s9 =	rddreg [dreg:$0x7];
	[sflag:s15] =	ssyncadd.s32 $0xFFFFC180  }
0x3f: {  	[tilespmem:s14], [sflag:$0x1] =	stream.indirect.gather [hbm4b:s6+s12], $0x80, s9, s12, $0xb8;
	[tilespmem:$0x1D000] =	vst v63  }
0x40: {  	s7 =	rddreg [dreg:$0x8]  }
0x41: {  	[spmem:s1] =	stream.indirect.scatter.add.f32 [tilespmem:s14], [sflag:$0x2], $0x80, s7, s12, $0xb8;
	[tilespmem:$0x1D000] =	vst v63  }
0x42: {  	_ =	swait.ge [sflag:s10], $0x3E80  }
0x43: {  	[sflag:s10] =	ssyncset.done $0x0  }
0x44: {  	[sflag:s10] =	ssyncadd.s32 $0xFFFFC180  }
0x45: {  	_ =	swait.ge [sflag:s15], $0x3E80  }
0x46: {  	[sflag:s15] =	ssyncset.done $0x0  }
0x47: {  	s9 =	rddreg [dreg:$0x9];
	[sflag:s15] =	ssyncadd.s32 $0xFFFFC180  }
0x48: {  	[tilespmem:s13], [sflag:$0x1] =	stream.indirect.gather [hbm4b:s6+s12], $0x80, s9, s12, $0xb8;
	[tilespmem:$0x1D000] =	vst v63  }
0x49: {  	s7 =	rddreg [dreg:$0xa]  }
0x4a: {  	[spmem:s1] =	stream.indirect.scatter.add.f32 [tilespmem:s13], [sflag:$0x2], $0x80, s7, s12, $0xb8;
	[tilespmem:$0x1D000] =	vst v63  }
0x4b: {  	_ =	swait.ge [sflag:s10], $0x3E80  }
0x4c: {  	[sflag:s10] =	ssyncset.done $0x0  }
0x4d: {  	[sflag:s10] =	ssyncadd.s32 $0xFFFFC180  }
0x4e: {  	_ =	swait.ge [sflag:s15], $0x3E80  }
0x4f: {  	[sflag:s15] =	ssyncset.done $0x0  }
0x50: {  	s9 =	rddreg [dreg:$0xb];
	[sflag:s15] =	ssyncadd.s32 $0xFFFFC180  }
0x51: {  	[tilespmem:s14], [sflag:$0x1] =	stream.indirect.gather [hbm4b:s6+s12], $0x80, s9, s12, $0xb8;
	[tilespmem:$0x1D000] =	vst v63  }
0x52: {  	s7 =	rddreg [dreg:$0xc]  }
0x53: {  	[spmem:s1] =	stream.indirect.scatter.add.f32 [tilespmem:s14], [sflag:$0x2], $0x80, s7, s12, $0xb8;
	[tilespmem:$0x1D000] =	vst v63  }
0x54: {  	_ =	swait.ge [sflag:s10], $0x3E80  }
0x55: {  	[sflag:s10] =	ssyncset.done $0x0  }
0x56: {  	[sflag:s10] =	ssyncadd.s32 $0xFFFFC180  }
0x57: {  	_ =	swait.ge [sflag:s15], $0x3E80  }
0x58: {  	[sflag:s15] =	ssyncset.done $0x0  }
0x59: {  	s9 =	rddreg [dreg:$0xd];
	[sflag:s15] =	ssyncadd.s32 $0xFFFFC180  }
0x5a: {  	[tilespmem:s13], [sflag:$0x1] =	stream.indirect.gather [hbm4b:s6+s12], $0x80, s9, s12, $0xb8;
	[tilespmem:$0x1D000] =	vst v63  }
0x5b: {  	s7 =	rddreg [dreg:$0xe]  }
0x5c: {  	[spmem:s1] =	stream.indirect.scatter.add.f32 [tilespmem:s13], [sflag:$0x2], $0x80, s7, s12, $0xb8;
	[tilespmem:$0x1D000] =	vst v63  }
0x5d: {  	_ =	swait.ge [sflag:s10], $0x3E80  }
0x5e: {  	[sflag:s10] =	ssyncset.done $0x0  }
0x5f: {  	[sflag:s10] =	ssyncadd.s32 $0xFFFFC180  }
0x60: {  	_ =	swait.ge [sflag:s15], $0x3E80  }
0x61: {  	[sflag:s15] =	ssyncset.done $0x0  }
0x62: {  	s8 =	rddreg [dreg:$0xf];
	[sflag:s15] =	ssyncadd.s32 $0xFFFFC180  }
0x63: {  	[tilespmem:s14], [sflag:$0x1] =	stream.indirect.gather [hbm4b:s6+s12], $0x80, s8, s12, $0xb8;
	[tilespmem:$0x1D000] =	vst v63  }
0x64: {  	s9 =	rddreg [dreg:$0x10]  }
0x65: {  	[spmem:s1] =	stream.indirect.scatter.add.f32 [tilespmem:s14], [sflag:$0x2], $0x80, s9, s12, $0xb8;
	[tilespmem:$0x1D000] =	vst v63  }
0x66: {  	_ =	swait.ge [sflag:s10], $0x3E80  }
0x67: {  	[sflag:s10] =	ssyncset.done $0x0  }
0x68: {  	[sflag:s10] =	ssyncadd.s32 $0xFFFFC180  }
0x69: {  	_ =	swait.ge [sflag:s15], $0x3E80  }
0x6a: {  	[sflag:s15] =	ssyncset.done $0x0  }
0x6b: {  	[sflag:s15] =	ssyncadd.s32 $0xFFFFC180  }
0x6c: {  	[tilespmem:s13], [sflag:$0x1] =	stream.indirect.gather [hbm4b:s6+s12], $0x80, s16, s12, $0xb8;
	[tilespmem:$0x1D000] =	vst v63  }
0x6d: {  	_ = 	snop  }
0x6e: {  	[spmem:s1] =	stream.indirect.scatter.add.f32 [tilespmem:s13], [sflag:$0x2], $0x80, s17, s12, $0xb8;
	[tilespmem:$0x1D000] =	vst v63  }
0x6f: {  	_ =	swait.ge [sflag:s10], $0x3E80  }
0x70: {  	[sflag:s10] =	ssyncset.done $0x0  }
0x71: {  	[sflag:s10] =	ssyncadd.s32 $0xFFFFC180  }
0x72: {  	_ =	swait.ge [sflag:s15], $0x3E80  }
0x73: {  	[sflag:s15] =	ssyncset.done $0x0  }
0x74: {  	[sflag:s15] =	ssyncadd.s32 $0xFFFFC180  }
0x75: {  	[tilespmem:s14], [sflag:$0x1] =	stream.indirect.gather [hbm4b:s6+s12], $0x80, s18, s12, $0xb8;
	[tilespmem:$0x1D000] =	vst v63  }
0x76: {  	_ = 	snop  }
0x77: {  	[spmem:s1] =	stream.indirect.scatter.add.f32 [tilespmem:s14], [sflag:$0x2], $0x80, s19, s12, $0xb8;
	[tilespmem:$0x1D000] =	vst v63  }
0x78: {  	_ =	swait.ge [sflag:s10], $0x3E80  }
0x79: {  	[sflag:s10] =	ssyncset.done $0x0  }
0x7a: {  	[sflag:s10] =	ssyncadd.s32 $0xFFFFC180  }
0x7b: {  	_ =	swait.ge [sflag:s15], $0x3E80  }
0x7c: {  	[sflag:s15] =	ssyncset.done $0x0  }
0x7d: {  	[sflag:s15] =	ssyncadd.s32 $0xFFFFC180  }
0x7e: {  	[tilespmem:s13], [sflag:$0x1] =	stream.indirect.gather [hbm4b:s6+s12], $0x80, s20, s12, $0xb8;
	[tilespmem:$0x1D000] =	vst v63  }
0x7f: {  	_ = 	snop  }
0x80: {  	[spmem:s1] =	stream.indirect.scatter.add.f32 [tilespmem:s13], [sflag:$0x2], $0x80, s21, s12, $0xb8;
	[tilespmem:$0x1D000] =	vst v63  }
0x81: {  	_ =	swait.ge [sflag:s10], $0x3E80  }
0x82: {  	[sflag:s10] =	ssyncset.done $0x0  }
0x83: {  	[sflag:s10] =	ssyncadd.s32 $0xFFFFC180  }
0x84: {  	_ =	swait.ge [sflag:s15], $0x3E80  }
0x85: {  	[sflag:s15] =	ssyncset.done $0x0  }
0x86: {  	[sflag:s15] =	ssyncadd.s32 $0xFFFFC180  }
0x87: {  	[tilespmem:s14], [sflag:$0x1] =	stream.indirect.gather [hbm4b:s6+s12], $0x80, s22, s12, $0xb8;
	[tilespmem:$0x1D000] =	vst v63  }
0x88: {  	_ = 	snop  }
0x89: {  	[spmem:s1] =	stream.indirect.scatter.add.f32 [tilespmem:s14], [sflag:$0x2], $0x80, s23, s12, $0xb8;
	[tilespmem:$0x1D000] =	vst v63  }
0x8a: {  	_ =	swait.ge [sflag:s10], $0x3E80  }
0x8b: {  	[sflag:s10] =	ssyncset.done $0x0  }
0x8c: {  	[sflag:s10] =	ssyncadd.s32 $0xFFFFC180  }
0x8d: {  	_ =	swait.ge [sflag:s15], $0x3E80  }
0x8e: {  	[sflag:s15] =	ssyncset.done $0x0  }
0x8f: {  	[sflag:s15] =	ssyncadd.s32 $0xFFFFC180  }
0x90: {  	[tilespmem:s13], [sflag:$0x1] =	stream.indirect.gather [hbm4b:s6+s12], $0x80, s24, s12, $0xb8;
	[tilespmem:$0x1D000] =	vst v63  }
0x91: {  	_ = 	snop  }
0x92: {  	[spmem:s1] =	stream.indirect.scatter.add.f32 [tilespmem:s13], [sflag:$0x2], $0x80, s25, s12, $0xb8;
	[tilespmem:$0x1D000] =	vst v63  }
0x93: {  	_ =	swait.ge [sflag:s10], $0x3E80  }
0x94: {  	[sflag:s10] =	ssyncset.done $0x0  }
0x95: {  	[sflag:s10] =	ssyncadd.s32 $0xFFFFC180  }
0x96: {  	_ =	swait.ge [sflag:s15], $0x3E80  }
0x97: {  	[sflag:s15] =	ssyncset.done $0x0  }
0x98: {  	[sflag:s15] =	ssyncadd.s32 $0xFFFFC180  }
0x99: {  	[tilespmem:s14], [sflag:$0x1] =	stream.indirect.gather [hbm4b:s6+s12], $0x80, s26, s12, $0xb8;
	[tilespmem:$0x1D000] =	vst v63  }
0x9a: {  	_ = 	snop  }
0x9b: {  	[spmem:s1] =	stream.indirect.scatter.add.f32 [tilespmem:s14], [sflag:$0x2], $0x80, s28, s12, $0xb8;
	[tilespmem:$0x1D000] =	vst v63  }
0x9c: {  	_ =	swait.ge [sflag:s10], $0x3E80  }
0x9d: {  	[sflag:s10] =	ssyncset.done $0x0  }
0x9e: {  	[sflag:s10] =	ssyncadd.s32 $0xFFFFC180  }
0x9f: {  	_ =	swait.ge [sflag:s15], $0x3E80  }
0xa0: {  	[sflag:s15] =	ssyncset.done $0x0  }
0xa1: {  	[sflag:s15] =	ssyncadd.s32 $0xFFFFC180  }
0xa2: {  	[tilespmem:s13], [sflag:$0x1] =	stream.indirect.gather [hbm4b:s6+s12], $0x80, s29, s12, $0xb8;
	[tilespmem:$0x1D000] =	vst v63  }
0xa3: {  	_ = 	snop  }
0xa4: {  	[spmem:s1] =	stream.indirect.scatter.add.f32 [tilespmem:s13], [sflag:$0x2], $0x80, s30, s12, $0xb8;
	[tilespmem:$0x1D000] =	vst v63  }
0xa5: {  	_ =	swait.ge [sflag:s10], $0x3E80  }
0xa6: {  	[sflag:s10] =	ssyncset.done $0x0  }
0xa7: {  	[sflag:s10] =	ssyncadd.s32 $0xFFFFC180  }
0xa8: {  	_ =	swait.ge [sflag:s15], $0x3E80  }
0xa9: {  	[sflag:s15] =	ssyncset.done $0x0  }
0xaa: {  	[sflag:s15] =	ssyncadd.s32 $0xFFFFC180  }
0xab: {  	[tilespmem:s14], [sflag:$0x1] =	stream.indirect.gather [hbm4b:s6+s12], $0x80, s31, s12, $0xb8;
	[tilespmem:$0x1D000] =	vst v63  }
0xac: {  	_ = 	snop  }
0xad: {  	[spmem:s1] =	stream.indirect.scatter.add.f32 [tilespmem:s14], [sflag:$0x2], $0x80, s0, s12, $0xb8;
	[tilespmem:$0x1D000] =	vst v63  }
0xae: {  	_ =	swait.ge [sflag:s10], $0x3E80  }
0xaf: {  	[sflag:s10] =	ssyncset.done $0x0  }
0xb0: {  	[sflag:s10] =	ssyncadd.s32 $0xFFFFC180  }
0xb1: {  	_ =	swait.ge [sflag:s15], $0x3E80  }
0xb2: {  	[sflag:s15] =	ssyncset.done $0x0  }
0xb3: {  	[sflag:s15] =	ssyncadd.s32 $0xFFFFC180  }
0xb4: {  	[spmem:s1] =	stream.indirect.scatter.add.f32 [tilespmem:s13], [sflag:$0x2], $0x80, s2, s12, $0xb8;
	[tilespmem:$0x1D000] =	vst v63  }
0xb5: {  	_ =	swait.ge [sflag:s10], $0x3E80  }
0xb6: {  	[sflag:s10] =	ssyncset.done $0x0  }
0xb7: {  	[sflag:s10] =	ssyncadd.s32 $0xFFFFC180  }
0xb8: {  	_ =	swait.ge [sflag:s15], $0x3E80  }
0xb9: {  	[sflag:s15] =	ssyncset.done $0x0  }
0xba: {  	[sflag:s15] =	ssyncadd.s32 $0xFFFFC180  }
0xbb: {  	[spmem:s1] =	stream.indirect.scatter.add.f32 [tilespmem:s14], [sflag:$0x2], $0x80, s4, s12, $0xb8;
	[tilespmem:$0x1D000] =	vst v63  }
0xbc: {  	s5 =	simm.s32 $0x200;
	_ =	swait.ge [sflag:s10], $0x3E80  }
0xbd: {  	s8 =	simm.s32 $0x100;
	s9 =	rddreg [dreg:$0x4];
	[sflag:s10] =	ssyncset.done $0x0  }
.LBB2_2:
0xbe: {  	[sflag:s10] =	ssyncadd.s32 $0xFFFFC180;
	s9 =	sadd.s32 s8, s9  }
0xbf: {  	[tilespmem:s3], [sflag:$0x2] =	stream.linear.gather [hbm4b:s9+s3], $0x800, $0x38;
	[tilespmem:$0x1D000] =	vst v63  }
0xc0: {  	_ =	swait.ge [sflag:s10], $0x800  }
0xc1: {  	s9 =	rddreg [dreg:$0x3];
	[sflag:s10] =	ssyncset.done $0x0  }
0xc2: {  	[sflag:s10] =	ssyncadd.s32 $0xFFFFF800;
	s9 =	sadd.s32 s8, s9  }
0xc3: {  	[tilespmem:s11], [sflag:$0x2] =	stream.linear.gather [hbm4b:s9+s3], $0x800, $0x38;
	[tilespmem:$0x1D000] =	vst v63  }
0xc4: {  	_ =	swait.ge [sflag:s10], $0x800  }
0xc5: {  	[sflag:s10] =	ssyncset.done $0x0  }
0xc6: {  	[sflag:s10] =	ssyncadd.s32 $0xFFFFF800  }
0xc7: {  	[tilespmem:s13], [sflag:$0x1] =	stream.indirect.gather [hbm4b:s6+s12], $0x80, s3, s12, $0xb8;
	[tilespmem:$0x1D000] =	vst v63  }
0xc8: {  	s9 =	rddreg [dreg:$0x5]  }
0xc9: {  	[tilespmem:s14], [sflag:$0x1] =	stream.indirect.gather [hbm4b:s6+s12], $0x80, s9, s12, $0xb8;
	[tilespmem:$0x1D000] =	vst v63  }
0xca: {  	_ =	swait.ge [sflag:s15], $0x3E80  }
0xcb: {  	[sflag:s15] =	ssyncset.done $0x0  }
0xcc: {  	s9 =	rddreg [dreg:$0x6];
	[sflag:s15] =	ssyncadd.s32 $0xFFFFC180  }
0xcd: {  	[tilespmem:s13], [sflag:$0x1] =	stream.indirect.gather [hbm4b:s6+s12], $0x80, s9, s12, $0xb8;
	[tilespmem:$0x1D000] =	vst v63  }
0xce: {  	_ = 	snop  }
0xcf: {  	[spmem:s1] =	stream.indirect.scatter.add.f32 [tilespmem:s13], [sflag:$0x2], $0x80, s11, s12, $0xb8;
	[tilespmem:$0x1D000] =	vst v63  }
0xd0: {  	_ =	swait.ge [sflag:s10], $0x3E80  }
0xd1: {  	[sflag:s10] =	ssyncset.done $0x0  }
0xd2: {  	[sflag:s10] =	ssyncadd.s32 $0xFFFFC180  }
0xd3: {  	_ =	swait.ge [sflag:s15], $0x3E80  }
0xd4: {  	s7 =	smov.u32 s5;
	[sflag:s15] =	ssyncset.done $0x0  }
0xd5: {  	s8 =	smov.u32 s7;
	s7 =	rddreg [dreg:$0x7];
	[sflag:s15] =	ssyncadd.s32 $0xFFFFC180  }
0xd6: {  	[tilespmem:s14], [sflag:$0x1] =	stream.indirect.gather [hbm4b:s6+s12], $0x80, s7, s12, $0xb8;
	[tilespmem:$0x1D000] =	vst v63  }
0xd7: {  	s9 =	rddreg [dreg:$0x8]  }
0xd8: {  	[spmem:s1] =	stream.indirect.scatter.add.f32 [tilespmem:s14], [sflag:$0x2], $0x80, s9, s12, $0xb8;
	[tilespmem:$0x1D000] =	vst v63  }
0xd9: {  	_ =	swait.ge [sflag:s10], $0x3E80  }
0xda: {  	[sflag:s10] =	ssyncset.done $0x0  }
0xdb: {  	[sflag:s10] =	ssyncadd.s32 $0xFFFFC180  }
0xdc: {  	_ =	swait.ge [sflag:s15], $0x3E80  }
0xdd: {  	[sflag:s15] =	ssyncset.done $0x0  }
0xde: {  	s7 =	rddreg [dreg:$0x9];
	[sflag:s15] =	ssyncadd.s32 $0xFFFFC180  }
0xdf: {  	[tilespmem:s13], [sflag:$0x1] =	stream.indirect.gather [hbm4b:s6+s12], $0x80, s7, s12, $0xb8;
	[tilespmem:$0x1D000] =	vst v63  }
0xe0: {  	s9 =	rddreg [dreg:$0xa]  }
0xe1: {  	[spmem:s1] =	stream.indirect.scatter.add.f32 [tilespmem:s13], [sflag:$0x2], $0x80, s9, s12, $0xb8;
	[tilespmem:$0x1D000] =	vst v63  }
0xe2: {  	_ =	swait.ge [sflag:s10], $0x3E80  }
0xe3: {  	[sflag:s10] =	ssyncset.done $0x0  }
0xe4: {  	[sflag:s10] =	ssyncadd.s32 $0xFFFFC180  }
0xe5: {  	_ =	swait.ge [sflag:s15], $0x3E80  }
0xe6: {  	[sflag:s15] =	ssyncset.done $0x0  }
0xe7: {  	s7 =	rddreg [dreg:$0xb];
	[sflag:s15] =	ssyncadd.s32 $0xFFFFC180  }
0xe8: {  	[tilespmem:s14], [sflag:$0x1] =	stream.indirect.gather [hbm4b:s6+s12], $0x80, s7, s12, $0xb8;
	[tilespmem:$0x1D000] =	vst v63  }
0xe9: {  	s9 =	rddreg [dreg:$0xc]  }
0xea: {  	[spmem:s1] =	stream.indirect.scatter.add.f32 [tilespmem:s14], [sflag:$0x2], $0x80, s9, s12, $0xb8;
	[tilespmem:$0x1D000] =	vst v63  }
0xeb: {  	_ =	swait.ge [sflag:s10], $0x3E80  }
0xec: {  	[sflag:s10] =	ssyncset.done $0x0  }
0xed: {  	[sflag:s10] =	ssyncadd.s32 $0xFFFFC180  }
0xee: {  	_ =	swait.ge [sflag:s15], $0x3E80  }
0xef: {  	[sflag:s15] =	ssyncset.done $0x0  }
0xf0: {  	s7 =	rddreg [dreg:$0xd];
	[sflag:s15] =	ssyncadd.s32 $0xFFFFC180  }
0xf1: {  	[tilespmem:s13], [sflag:$0x1] =	stream.indirect.gather [hbm4b:s6+s12], $0x80, s7, s12, $0xb8;
	[tilespmem:$0x1D000] =	vst v63  }
0xf2: {  	s9 =	rddreg [dreg:$0xe]  }
0xf3: {  	[spmem:s1] =	stream.indirect.scatter.add.f32 [tilespmem:s13], [sflag:$0x2], $0x80, s9, s12, $0xb8;
	[tilespmem:$0x1D000] =	vst v63  }
0xf4: {  	_ =	swait.ge [sflag:s10], $0x3E80  }
0xf5: {  	[sflag:s10] =	ssyncset.done $0x0  }
0xf6: {  	[sflag:s10] =	ssyncadd.s32 $0xFFFFC180  }
0xf7: {  	_ =	swait.ge [sflag:s15], $0x3E80  }
0xf8: {  	[sflag:s15] =	ssyncset.done $0x0  }
0xf9: {  	s7 =	rddreg [dreg:$0xf];
	[sflag:s15] =	ssyncadd.s32 $0xFFFFC180  }
0xfa: {  	[tilespmem:s14], [sflag:$0x1] =	stream.indirect.gather [hbm4b:s6+s12], $0x80, s7, s12, $0xb8;
	[tilespmem:$0x1D000] =	vst v63  }
0xfb: {  	s9 =	rddreg [dreg:$0x10]  }
0xfc: {  	[spmem:s1] =	stream.indirect.scatter.add.f32 [tilespmem:s14], [sflag:$0x2], $0x80, s9, s12, $0xb8;
	[tilespmem:$0x1D000] =	vst v63  }
0xfd: {  	_ =	swait.ge [sflag:s10], $0x3E80  }
0xfe: {  	[sflag:s10] =	ssyncset.done $0x0  }
0xff: {  	[sflag:s10] =	ssyncadd.s32 $0xFFFFC180  }
0x100: {  	_ =	swait.ge [sflag:s15], $0x3E80  }
0x101: {  	[sflag:s15] =	ssyncset.done $0x0  }
0x102: {  	[sflag:s15] =	ssyncadd.s32 $0xFFFFC180  }
0x103: {  	[tilespmem:s13], [sflag:$0x1] =	stream.indirect.gather [hbm4b:s6+s12], $0x80, s16, s12, $0xb8;
	[tilespmem:$0x1D000] =	vst v63  }
0x104: {  	_ = 	snop  }
0x105: {  	[spmem:s1] =	stream.indirect.scatter.add.f32 [tilespmem:s13], [sflag:$0x2], $0x80, s17, s12, $0xb8;
	[tilespmem:$0x1D000] =	vst v63  }
0x106: {  	_ =	swait.ge [sflag:s10], $0x3E80  }
0x107: {  	[sflag:s10] =	ssyncset.done $0x0  }
0x108: {  	[sflag:s10] =	ssyncadd.s32 $0xFFFFC180  }
0x109: {  	_ =	swait.ge [sflag:s15], $0x3E80  }
0x10a: {  	[sflag:s15] =	ssyncset.done $0x0  }
0x10b: {  	[sflag:s15] =	ssyncadd.s32 $0xFFFFC180  }
0x10c: {  	[tilespmem:s14], [sflag:$0x1] =	stream.indirect.gather [hbm4b:s6+s12], $0x80, s18, s12, $0xb8;
	[tilespmem:$0x1D000] =	vst v63  }
0x10d: {  	_ = 	snop  }
0x10e: {  	[spmem:s1] =	stream.indirect.scatter.add.f32 [tilespmem:s14], [sflag:$0x2], $0x80, s19, s12, $0xb8;
	[tilespmem:$0x1D000] =	vst v63  }
0x10f: {  	_ =	swait.ge [sflag:s10], $0x3E80  }
0x110: {  	[sflag:s10] =	ssyncset.done $0x0  }
0x111: {  	[sflag:s10] =	ssyncadd.s32 $0xFFFFC180  }
0x112: {  	_ =	swait.ge [sflag:s15], $0x3E80  }
0x113: {  	[sflag:s15] =	ssyncset.done $0x0  }
0x114: {  	[sflag:s15] =	ssyncadd.s32 $0xFFFFC180  }
0x115: {  	[tilespmem:s13], [sflag:$0x1] =	stream.indirect.gather [hbm4b:s6+s12], $0x80, s20, s12, $0xb8;
	[tilespmem:$0x1D000] =	vst v63  }
0x116: {  	_ = 	snop  }
0x117: {  	[spmem:s1] =	stream.indirect.scatter.add.f32 [tilespmem:s13], [sflag:$0x2], $0x80, s21, s12, $0xb8;
	[tilespmem:$0x1D000] =	vst v63  }
0x118: {  	_ =	swait.ge [sflag:s10], $0x3E80  }
0x119: {  	[sflag:s10] =	ssyncset.done $0x0  }
0x11a: {  	[sflag:s10] =	ssyncadd.s32 $0xFFFFC180  }
0x11b: {  	_ =	swait.ge [sflag:s15], $0x3E80  }
0x11c: {  	[sflag:s15] =	ssyncset.done $0x0  }
0x11d: {  	[sflag:s15] =	ssyncadd.s32 $0xFFFFC180  }
0x11e: {  	[tilespmem:s14], [sflag:$0x1] =	stream.indirect.gather [hbm4b:s6+s12], $0x80, s22, s12, $0xb8;
	[tilespmem:$0x1D000] =	vst v63  }
0x11f: {  	_ = 	snop  }
0x120: {  	[spmem:s1] =	stream.indirect.scatter.add.f32 [tilespmem:s14], [sflag:$0x2], $0x80, s23, s12, $0xb8;
	[tilespmem:$0x1D000] =	vst v63  }
0x121: {  	_ =	swait.ge [sflag:s10], $0x3E80  }
0x122: {  	[sflag:s10] =	ssyncset.done $0x0  }
0x123: {  	[sflag:s10] =	ssyncadd.s32 $0xFFFFC180  }
0x124: {  	_ =	swait.ge [sflag:s15], $0x3E80  }
0x125: {  	[sflag:s15] =	ssyncset.done $0x0  }
0x126: {  	[sflag:s15] =	ssyncadd.s32 $0xFFFFC180  }
0x127: {  	[tilespmem:s13], [sflag:$0x1] =	stream.indirect.gather [hbm4b:s6+s12], $0x80, s24, s12, $0xb8;
	[tilespmem:$0x1D000] =	vst v63  }
0x128: {  	_ = 	snop  }
0x129: {  	[spmem:s1] =	stream.indirect.scatter.add.f32 [tilespmem:s13], [sflag:$0x2], $0x80, s25, s12, $0xb8;
	[tilespmem:$0x1D000] =	vst v63  }
0x12a: {  	_ =	swait.ge [sflag:s10], $0x3E80  }
0x12b: {  	[sflag:s10] =	ssyncset.done $0x0  }
0x12c: {  	[sflag:s10] =	ssyncadd.s32 $0xFFFFC180  }
0x12d: {  	_ =	swait.ge [sflag:s15], $0x3E80  }
0x12e: {  	[sflag:s15] =	ssyncset.done $0x0  }
0x12f: {  	[sflag:s15] =	ssyncadd.s32 $0xFFFFC180  }
0x130: {  	[tilespmem:s14], [sflag:$0x1] =	stream.indirect.gather [hbm4b:s6+s12], $0x80, s26, s12, $0xb8;
	[tilespmem:$0x1D000] =	vst v63  }
0x131: {  	_ = 	snop  }
0x132: {  	[spmem:s1] =	stream.indirect.scatter.add.f32 [tilespmem:s14], [sflag:$0x2], $0x80, s28, s12, $0xb8;
	[tilespmem:$0x1D000] =	vst v63  }
0x133: {  	_ =	swait.ge [sflag:s10], $0x3E80  }
0x134: {  	[sflag:s10] =	ssyncset.done $0x0  }
0x135: {  	[sflag:s10] =	ssyncadd.s32 $0xFFFFC180  }
0x136: {  	_ =	swait.ge [sflag:s15], $0x3E80  }
0x137: {  	[sflag:s15] =	ssyncset.done $0x0  }
0x138: {  	[sflag:s15] =	ssyncadd.s32 $0xFFFFC180  }
0x139: {  	[tilespmem:s13], [sflag:$0x1] =	stream.indirect.gather [hbm4b:s6+s12], $0x80, s29, s12, $0xb8;
	[tilespmem:$0x1D000] =	vst v63  }
0x13a: {  	_ = 	snop  }
0x13b: {  	[spmem:s1] =	stream.indirect.scatter.add.f32 [tilespmem:s13], [sflag:$0x2], $0x80, s30, s12, $0xb8;
	[tilespmem:$0x1D000] =	vst v63  }
0x13c: {  	_ =	swait.ge [sflag:s10], $0x3E80  }
0x13d: {  	[sflag:s10] =	ssyncset.done $0x0  }
0x13e: {  	[sflag:s10] =	ssyncadd.s32 $0xFFFFC180  }
0x13f: {  	_ =	swait.ge [sflag:s15], $0x3E80  }
0x140: {  	[sflag:s15] =	ssyncset.done $0x0  }
0x141: {  	[sflag:s15] =	ssyncadd.s32 $0xFFFFC180  }
0x142: {  	[tilespmem:s14], [sflag:$0x1] =	stream.indirect.gather [hbm4b:s6+s12], $0x80, s31, s12, $0xb8;
	[tilespmem:$0x1D000] =	vst v63  }
0x143: {  	_ = 	snop  }
0x144: {  	[spmem:s1] =	stream.indirect.scatter.add.f32 [tilespmem:s14], [sflag:$0x2], $0x80, s0, s12, $0xb8;
	[tilespmem:$0x1D000] =	vst v63  }
0x145: {  	_ =	swait.ge [sflag:s10], $0x3E80  }
0x146: {  	[sflag:s10] =	ssyncset.done $0x0  }
0x147: {  	[sflag:s10] =	ssyncadd.s32 $0xFFFFC180  }
0x148: {  	_ =	swait.ge [sflag:s15], $0x3E80  }
0x149: {  	[sflag:s15] =	ssyncset.done $0x0  }
0x14a: {  	[sflag:s15] =	ssyncadd.s32 $0xFFFFC180  }
0x14b: {  	[spmem:s1] =	stream.indirect.scatter.add.f32 [tilespmem:s13], [sflag:$0x2], $0x80, s2, s12, $0xb8;
	[tilespmem:$0x1D000] =	vst v63  }
0x14c: {  	_ =	swait.ge [sflag:s10], $0x3E80  }
0x14d: {  	[sflag:s10] =	ssyncset.done $0x0  }
0x14e: {  	[sflag:s10] =	ssyncadd.s32 $0xFFFFC180  }
0x14f: {  	p0 =	sne.s32 s5, $0x900;
	_ =	swait.ge [sflag:s15], $0x3E80  }
.Ltmp0:
0x150: {  	[sflag:s15] =	ssyncset.done $0x0;
	(pc) =	sbr.rel @p0 .LBB2_2-.Ltmp0, $4  }
0x151: {  	[sflag:s15] =	ssyncadd.s32 $0xFFFFC180  }
0x152: {  	[spmem:s1] =	stream.indirect.scatter.add.f32 [tilespmem:s14], [sflag:$0x2], $0x80, s4, s12, $0xb8;
	[tilespmem:$0x1D000] =	vst v63  }
0x153: {  	_ =	swait.ge [sflag:s10], $0x3E80  }
0x154: {  	s5 =	sadd.s32 $0x100, s5;
	s9 =	rddreg [dreg:$0x4];
	[sflag:s10] =	ssyncset.done $0x0  }
0x155: {  	[sflag:s10] =	ssyncadd.s32 $0xFFFFC180;
	s5 =	sadd.s32 s8, s9  }
0x156: {  	[tilespmem:s3], [sflag:$0x2] =	stream.linear.gather [hbm4b:s5+s3], $0x800, $0x38;
	[tilespmem:$0x1D000] =	vst v63  }
0x157: {  	_ =	swait.ge [sflag:s10], $0x800  }
0x158: {  	s9 =	rddreg [dreg:$0x3];
	[sflag:s10] =	ssyncset.done $0x0  }
0x159: {  	[sflag:s10] =	ssyncadd.s32 $0xFFFFF800;
	s5 =	sadd.s32 s8, s9  }
0x15a: {  	[tilespmem:s11], [sflag:$0x2] =	stream.linear.gather [hbm4b:s5+s3], $0x800, $0x38;
	[tilespmem:$0x1D000] =	vst v63  }
0x15b: {  	_ =	swait.ge [sflag:s10], $0x800  }
0x15c: {  	[sflag:s10] =	ssyncset.done $0x0  }
0x15d: {  	[sflag:s10] =	ssyncadd.s32 $0xFFFFF800  }
0x15e: {  	[tilespmem:s13], [sflag:$0x1] =	stream.indirect.gather [hbm4b:s6+s12], $0x80, s3, s12, $0xb8;
	[tilespmem:$0x1D000] =	vst v63  }
0x15f: {  	s7 =	rddreg [dreg:$0x5]  }
0x160: {  	[tilespmem:s14], [sflag:$0x1] =	stream.indirect.gather [hbm4b:s6+s12], $0x80, s7, s12, $0xb8;
	[tilespmem:$0x1D000] =	vst v63  }
0x161: {  	_ =	swait.ge [sflag:s15], $0x3E80  }
0x162: {  	[sflag:s15] =	ssyncset.done $0x0  }
0x163: {  	s8 =	rddreg [dreg:$0x6];
	[sflag:s15] =	ssyncadd.s32 $0xFFFFC180  }
0x164: {  	[tilespmem:s13], [sflag:$0x1] =	stream.indirect.gather [hbm4b:s6+s12], $0x80, s8, s12, $0xb8;
	[tilespmem:$0x1D000] =	vst v63  }
0x165: {  	_ = 	snop  }
0x166: {  	[spmem:s1] =	stream.indirect.scatter.add.f32 [tilespmem:s13], [sflag:$0x2], $0x80, s11, s12, $0xb8;
	[tilespmem:$0x1D000] =	vst v63  }
0x167: {  	_ =	swait.ge [sflag:s10], $0x3E80  }
0x168: {  	[sflag:s10] =	ssyncset.done $0x0  }
0x169: {  	[sflag:s10] =	ssyncadd.s32 $0xFFFFC180  }
0x16a: {  	_ =	swait.ge [sflag:s15], $0x3E80  }
0x16b: {  	[sflag:s15] =	ssyncset.done $0x0  }
0x16c: {  	s9 =	rddreg [dreg:$0x7];
	[sflag:s15] =	ssyncadd.s32 $0xFFFFC180  }
0x16d: {  	[tilespmem:s14], [sflag:$0x1] =	stream.indirect.gather [hbm4b:s6+s12], $0x80, s9, s12, $0xb8;
	[tilespmem:$0x1D000] =	vst v63  }
0x16e: {  	s7 =	rddreg [dreg:$0x8]  }
0x16f: {  	[spmem:s1] =	stream.indirect.scatter.add.f32 [tilespmem:s14], [sflag:$0x2], $0x80, s7, s12, $0xb8;
	[tilespmem:$0x1D000] =	vst v63  }
0x170: {  	_ =	swait.ge [sflag:s10], $0x3E80  }
0x171: {  	[sflag:s10] =	ssyncset.done $0x0  }
0x172: {  	[sflag:s10] =	ssyncadd.s32 $0xFFFFC180  }
0x173: {  	_ =	swait.ge [sflag:s15], $0x3E80  }
0x174: {  	[sflag:s15] =	ssyncset.done $0x0  }
0x175: {  	s8 =	rddreg [dreg:$0x9];
	[sflag:s15] =	ssyncadd.s32 $0xFFFFC180  }
0x176: {  	[tilespmem:s13], [sflag:$0x1] =	stream.indirect.gather [hbm4b:s6+s12], $0x80, s8, s12, $0xb8;
	[tilespmem:$0x1D000] =	vst v63  }
0x177: {  	s9 =	rddreg [dreg:$0xa]  }
0x178: {  	[spmem:s1] =	stream.indirect.scatter.add.f32 [tilespmem:s13], [sflag:$0x2], $0x80, s9, s12, $0xb8;
	[tilespmem:$0x1D000] =	vst v63  }
0x179: {  	_ =	swait.ge [sflag:s10], $0x3E80  }
0x17a: {  	[sflag:s10] =	ssyncset.done $0x0  }
0x17b: {  	[sflag:s10] =	ssyncadd.s32 $0xFFFFC180  }
0x17c: {  	_ =	swait.ge [sflag:s15], $0x3E80  }
0x17d: {  	[sflag:s15] =	ssyncset.done $0x0  }
0x17e: {  	s8 =	rddreg [dreg:$0xb];
	[sflag:s15] =	ssyncadd.s32 $0xFFFFC180  }
0x17f: {  	[tilespmem:s14], [sflag:$0x1] =	stream.indirect.gather [hbm4b:s6+s12], $0x80, s8, s12, $0xb8;
	[tilespmem:$0x1D000] =	vst v63  }
0x180: {  	s9 =	rddreg [dreg:$0xc]  }
0x181: {  	[spmem:s1] =	stream.indirect.scatter.add.f32 [tilespmem:s14], [sflag:$0x2], $0x80, s9, s12, $0xb8;
	[tilespmem:$0x1D000] =	vst v63  }
0x182: {  	_ =	swait.ge [sflag:s10], $0x3E80  }
0x183: {  	[sflag:s10] =	ssyncset.done $0x0  }
0x184: {  	[sflag:s10] =	ssyncadd.s32 $0xFFFFC180  }
0x185: {  	_ =	swait.ge [sflag:s15], $0x3E80  }
0x186: {  	[sflag:s15] =	ssyncset.done $0x0  }
0x187: {  	s8 =	rddreg [dreg:$0xd];
	[sflag:s15] =	ssyncadd.s32 $0xFFFFC180  }
0x188: {  	[tilespmem:s13], [sflag:$0x1] =	stream.indirect.gather [hbm4b:s6+s12], $0x80, s8, s12, $0xb8;
	[tilespmem:$0x1D000] =	vst v63  }
0x189: {  	s9 =	rddreg [dreg:$0xe]  }
0x18a: {  	[spmem:s1] =	stream.indirect.scatter.add.f32 [tilespmem:s13], [sflag:$0x2], $0x80, s9, s12, $0xb8;
	[tilespmem:$0x1D000] =	vst v63  }
0x18b: {  	_ =	swait.ge [sflag:s10], $0x3E80  }
0x18c: {  	[sflag:s10] =	ssyncset.done $0x0  }
0x18d: {  	[sflag:s10] =	ssyncadd.s32 $0xFFFFC180  }
0x18e: {  	_ =	swait.ge [sflag:s15], $0x3E80  }
0x18f: {  	[sflag:s15] =	ssyncset.done $0x0  }
0x190: {  	s8 =	rddreg [dreg:$0xf];
	[sflag:s15] =	ssyncadd.s32 $0xFFFFC180  }
0x191: {  	[tilespmem:s14], [sflag:$0x1] =	stream.indirect.gather [hbm4b:s6+s12], $0x80, s8, s12, $0xb8;
	[tilespmem:$0x1D000] =	vst v63  }
0x192: {  	s9 =	rddreg [dreg:$0x10]  }
0x193: {  	[spmem:s1] =	stream.indirect.scatter.add.f32 [tilespmem:s14], [sflag:$0x2], $0x80, s9, s12, $0xb8;
	[tilespmem:$0x1D000] =	vst v63  }
0x194: {  	_ =	swait.ge [sflag:s10], $0x3E80  }
0x195: {  	[sflag:s10] =	ssyncset.done $0x0  }
0x196: {  	[sflag:s10] =	ssyncadd.s32 $0xFFFFC180  }
0x197: {  	_ =	swait.ge [sflag:s15], $0x3E80  }
0x198: {  	[sflag:s15] =	ssyncset.done $0x0  }
0x199: {  	[sflag:s15] =	ssyncadd.s32 $0xFFFFC180  }
0x19a: {  	[tilespmem:s13], [sflag:$0x1] =	stream.indirect.gather [hbm4b:s6+s12], $0x80, s16, s12, $0xb8;
	[tilespmem:$0x1D000] =	vst v63  }
0x19b: {  	_ = 	snop  }
0x19c: {  	[spmem:s1] =	stream.indirect.scatter.add.f32 [tilespmem:s13], [sflag:$0x2], $0x80, s17, s12, $0xb8;
	[tilespmem:$0x1D000] =	vst v63  }
0x19d: {  	_ =	swait.ge [sflag:s10], $0x3E80  }
0x19e: {  	[sflag:s10] =	ssyncset.done $0x0  }
0x19f: {  	[sflag:s10] =	ssyncadd.s32 $0xFFFFC180  }
0x1a0: {  	_ =	swait.ge [sflag:s15], $0x3E80  }
0x1a1: {  	[sflag:s15] =	ssyncset.done $0x0  }
0x1a2: {  	[sflag:s15] =	ssyncadd.s32 $0xFFFFC180  }
0x1a3: {  	[tilespmem:s14], [sflag:$0x1] =	stream.indirect.gather [hbm4b:s6+s12], $0x80, s18, s12, $0xb8;
	[tilespmem:$0x1D000] =	vst v63  }
0x1a4: {  	_ = 	snop  }
0x1a5: {  	[spmem:s1] =	stream.indirect.scatter.add.f32 [tilespmem:s14], [sflag:$0x2], $0x80, s19, s12, $0xb8;
	[tilespmem:$0x1D000] =	vst v63  }
0x1a6: {  	_ =	swait.ge [sflag:s10], $0x3E80  }
0x1a7: {  	[sflag:s10] =	ssyncset.done $0x0  }
0x1a8: {  	[sflag:s10] =	ssyncadd.s32 $0xFFFFC180  }
0x1a9: {  	_ =	swait.ge [sflag:s15], $0x3E80  }
0x1aa: {  	[sflag:s15] =	ssyncset.done $0x0  }
0x1ab: {  	[sflag:s15] =	ssyncadd.s32 $0xFFFFC180  }
0x1ac: {  	[tilespmem:s13], [sflag:$0x1] =	stream.indirect.gather [hbm4b:s6+s12], $0x80, s20, s12, $0xb8;
	[tilespmem:$0x1D000] =	vst v63  }
0x1ad: {  	_ = 	snop  }
0x1ae: {  	[spmem:s1] =	stream.indirect.scatter.add.f32 [tilespmem:s13], [sflag:$0x2], $0x80, s21, s12, $0xb8;
	[tilespmem:$0x1D000] =	vst v63  }
0x1af: {  	_ =	swait.ge [sflag:s10], $0x3E80  }
0x1b0: {  	[sflag:s10] =	ssyncset.done $0x0  }
0x1b1: {  	[sflag:s10] =	ssyncadd.s32 $0xFFFFC180  }
0x1b2: {  	_ =	swait.ge [sflag:s15], $0x3E80  }
0x1b3: {  	[sflag:s15] =	ssyncset.done $0x0  }
0x1b4: {  	[sflag:s15] =	ssyncadd.s32 $0xFFFFC180  }
0x1b5: {  	[tilespmem:s14], [sflag:$0x1] =	stream.indirect.gather [hbm4b:s6+s12], $0x80, s22, s12, $0xb8;
	[tilespmem:$0x1D000] =	vst v63  }
0x1b6: {  	_ = 	snop  }
0x1b7: {  	[spmem:s1] =	stream.indirect.scatter.add.f32 [tilespmem:s14], [sflag:$0x2], $0x80, s23, s12, $0xb8;
	[tilespmem:$0x1D000] =	vst v63  }
0x1b8: {  	_ =	swait.ge [sflag:s10], $0x3E80  }
0x1b9: {  	[sflag:s10] =	ssyncset.done $0x0  }
0x1ba: {  	[sflag:s10] =	ssyncadd.s32 $0xFFFFC180  }
0x1bb: {  	_ =	swait.ge [sflag:s15], $0x3E80  }
0x1bc: {  	[sflag:s15] =	ssyncset.done $0x0  }
0x1bd: {  	[sflag:s15] =	ssyncadd.s32 $0xFFFFC180  }
0x1be: {  	[tilespmem:s13], [sflag:$0x1] =	stream.indirect.gather [hbm4b:s6+s12], $0x80, s24, s12, $0xb8;
	[tilespmem:$0x1D000] =	vst v63  }
0x1bf: {  	_ = 	snop  }
0x1c0: {  	[spmem:s1] =	stream.indirect.scatter.add.f32 [tilespmem:s13], [sflag:$0x2], $0x80, s25, s12, $0xb8;
	[tilespmem:$0x1D000] =	vst v63  }
0x1c1: {  	_ =	swait.ge [sflag:s10], $0x3E80  }
0x1c2: {  	[sflag:s10] =	ssyncset.done $0x0  }
0x1c3: {  	[sflag:s10] =	ssyncadd.s32 $0xFFFFC180  }
0x1c4: {  	_ =	swait.ge [sflag:s15], $0x3E80  }
0x1c5: {  	[sflag:s15] =	ssyncset.done $0x0  }
0x1c6: {  	[sflag:s15] =	ssyncadd.s32 $0xFFFFC180  }
0x1c7: {  	[tilespmem:s14], [sflag:$0x1] =	stream.indirect.gather [hbm4b:s6+s12], $0x80, s26, s12, $0xb8;
	[tilespmem:$0x1D000] =	vst v63  }
0x1c8: {  	_ = 	snop  }
0x1c9: {  	[spmem:s1] =	stream.indirect.scatter.add.f32 [tilespmem:s14], [sflag:$0x2], $0x80, s28, s12, $0xb8;
	[tilespmem:$0x1D000] =	vst v63  }
0x1ca: {  	_ =	swait.ge [sflag:s10], $0x3E80  }
0x1cb: {  	[sflag:s10] =	ssyncset.done $0x0  }
0x1cc: {  	[sflag:s10] =	ssyncadd.s32 $0xFFFFC180  }
0x1cd: {  	_ =	swait.ge [sflag:s15], $0x3E80  }
0x1ce: {  	[sflag:s15] =	ssyncset.done $0x0  }
0x1cf: {  	[sflag:s15] =	ssyncadd.s32 $0xFFFFC180  }
0x1d0: {  	[tilespmem:s13], [sflag:$0x1] =	stream.indirect.gather [hbm4b:s6+s12], $0x80, s29, s12, $0xb8;
	[tilespmem:$0x1D000] =	vst v63  }
0x1d1: {  	_ = 	snop  }
0x1d2: {  	[spmem:s1] =	stream.indirect.scatter.add.f32 [tilespmem:s13], [sflag:$0x2], $0x80, s30, s12, $0xb8;
	[tilespmem:$0x1D000] =	vst v63  }
0x1d3: {  	_ =	swait.ge [sflag:s10], $0x3E80  }
0x1d4: {  	[sflag:s10] =	ssyncset.done $0x0  }
0x1d5: {  	[sflag:s10] =	ssyncadd.s32 $0xFFFFC180  }
0x1d6: {  	_ =	swait.ge [sflag:s15], $0x3E80  }
0x1d7: {  	[sflag:s15] =	ssyncset.done $0x0  }
0x1d8: {  	[sflag:s15] =	ssyncadd.s32 $0xFFFFC180  }
0x1d9: {  	[tilespmem:s14], [sflag:$0x1] =	stream.indirect.gather [hbm4b:s6+s12], $0x80, s31, s12, $0xb8;
	[tilespmem:$0x1D000] =	vst v63  }
0x1da: {  	_ = 	snop  }
0x1db: {  	[spmem:s1] =	stream.indirect.scatter.add.f32 [tilespmem:s14], [sflag:$0x2], $0x80, s0, s12, $0xb8;
	[tilespmem:$0x1D000] =	vst v63  }
0x1dc: {  	_ =	swait.ge [sflag:s10], $0x3E80  }
0x1dd: {  	[sflag:s10] =	ssyncset.done $0x0  }
0x1de: {  	[sflag:s10] =	ssyncadd.s32 $0xFFFFC180  }
0x1df: {  	_ =	swait.ge [sflag:s15], $0x3E80  }
0x1e0: {  	[sflag:s15] =	ssyncset.done $0x0  }
0x1e1: {  	[sflag:s15] =	ssyncadd.s32 $0xFFFFC180  }
0x1e2: {  	[spmem:s1] =	stream.indirect.scatter.add.f32 [tilespmem:s13], [sflag:$0x2], $0x80, s2, s12, $0xb8;
	[tilespmem:$0x1D000] =	vst v63  }
0x1e3: {  	_ =	swait.ge [sflag:s10], $0x3E80  }
0x1e4: {  	[sflag:s10] =	ssyncset.done $0x0  }
0x1e5: {  	[sflag:s10] =	ssyncadd.s32 $0xFFFFC180  }
0x1e6: {  	_ =	swait.ge [sflag:s15], $0x3E80  }
0x1e7: {  	[sflag:s15] =	ssyncset.done $0x0  }
0x1e8: {  	[sflag:s15] =	ssyncadd.s32 $0xFFFFC180  }
0x1e9: {  	[spmem:s1] =	stream.indirect.scatter.add.f32 [tilespmem:s14], [sflag:$0x2], $0x80, s4, s12, $0xb8;
	[tilespmem:$0x1D000] =	vst v63  }
0x1ea: {  	_ =	swait.ge [sflag:s10], $0x3E80  }
0x1eb: {  	[sflag:s10] =	ssyncset.done $0x0  }
0x1ec: {  	[sflag:s10] =	ssyncadd.s32 $0xFFFFC180  }
0x1ed: {  	[bflag:$0x0] =	sbarrier.arrive $0xFFFF  }
0x1ee: {  	s9 =	rddreg [dreg:$0x12]  }
0x1ef: {  	s8 =	rddreg [dreg:$0x13]  }
0x1f0: {  	s7 =	rddreg [dreg:$0x15]  }
0x1f1: {  	[hbm:s8], [sflag:s9] =	dma.local [spmem:s7], $0x2800  }
0x1f2: {  	_ =	swait.ge [sflag:s10], $0x2800  }
0x1f3: {  	s5 =	rddreg [dreg:$0x16]  }
0x1f4: {  	s8 =	sadd.s32 $0x1, s5;
	s5 =	rddreg [dreg:$0x14]  }
0x1f5: {  	p0 =	sne.s32 s8, s5  }
.Ltmp1:
0x1f6: {  	_ = 	snop;
	(pc) =	sbr.rel @p0 .LBB2_1-.Ltmp1, $3  }
0x1f7: {  	_ =	sdelay $0x1  }
0x1f8: {  	[sflag:s10] =	ssyncset.done $0x0  }
0x1f9: {  	[sflag:s10] =	ssyncadd.s32 $0xFFFFD800  }
0x1fa: {  	_ =	sfence.sel $0x180000  }
0x1fb: {  	[bflag:$0x0] =	sbarrier.arrive $0xFFFF  }
0x1fc: {  	_ =	strace $0x9000004D  }
0x1fd: {  	s0 =	stileid.u32;
	[bflag:$0x2] =	sbarrier.arrive $0xFFFF  }
0x1fe: {  	p0 =	sne.s32 s0, $0x0;
	s0 =	rddreg [dreg:$0x2]  }
0x1ff: {  	s0 =	sadd.s32 @!p0 $0x100000, s0  }
0x200: {  	[sflag:s0] =	ssyncadd.tile.s32 @!p0 $0x1;
	_ =	shalt  }
.Lfunc_end2:
_tile_overlayer_lowered:
.L_overlay_start_2:
0x201: {  	(tag) =	ssettag $0x2  }
0x202: {  	s0 =	rddreg [dreg:$0x0];
	s2 =	stileid.u32  }
0x203: {  	s1 =	rddreg [dreg:$0x1];
	p0 =	sne.s32 s2, $0x0  }
0x204: {  	s3 =	rddreg [dreg:$0x2];
	[bflag:$0x3] =	sbarrier.arrive $0xFFFF;
	s2 =	simm.s32 @!p0 $0x1C02  }
0x205: {  	[timem:s3], [sflag:s2] =	dma.local @!p0 [hbm:s0], s1  }
0x206: {  	s0 =	simm.s32 @!p0 $0x2  }
0x207: {  	_ =	swait.ge @!p0 [sflag:s0], s1  }
0x208: {  	s1 =	ssub.s32 @!p0 $0x0, s1;
	[sflag:s0] =	ssyncset.done @!p0 $0x0  }
0x209: {  	[sflag:s0] =	ssyncadd.s32 @!p0 s1  }
0x20a: {  	[bflag:$0x3] =	sbarrier.arrive $0xFFFF  }
0x20b: {  	_ =	shalt  }

// kernel: kernel.8.cloned.1.call-start
scs
__scs_entry_jumppad:
0x0: {  	(pc) =	sbr.rel $0x88, $3  }
0x1: {  	(tag) =	ssettag $0x0;
	lr =	simm.s32 $0x1  }
0x2: {  	[smem:$0x3F9B] =	sst lr;
	_ =	strace $0xD0000000  }
0x3: {  	_ = 	snop  }
0x4: {  	_ = 	snop  }
0x5: {  	_ = 	snop  }
0x6: {  	_ = 	snop  }
0x7: {  	_ = 	snop  }
__scs_overlays_trampoline_lowered:
0x8: {  	[smem:$0x3FAA] =	sst s0  }
0x9: {  	[smem:$0x3FAB] =	sst s1  }
0xa: {  	[smem:$0x3FAC] =	sst s2  }
0xb: {  	[smem:$0x3FAD] =	sst s3  }
0xc: {  	[smem:$0x3FAE] =	sst s4  }
0xd: {  	[smem:$0x3FAF] =	sst s5  }
0xe: {  	[smem:$0x3FB0] =	sst s6  }
0xf: {  	[smem:$0x3FB1] =	sst s7  }
0x10: {  	[smem:$0x3FB2] =	sst s8  }
0x11: {  	[smem:$0x3FB3] =	sst s9;
	s0 =	simm.s32 @!p0 $0x0  }
0x12: {  	s1 =	sld [smem:$0x3F99];
	s0 =	simm.s32 @p0 $0x1  }
0x13: {  	[smem:$0x3FB4] =	sst s0;
	s0 =	simm.s32 @!p1 $0x0  }
0x14: {  	s2 =	sld [smem:$0x3F98];
	s0 =	simm.s32 @p1 $0x1  }
0x15: {  	[smem:$0x3FB5] =	sst s0;
	s0 =	simm.s32 @!p2 $0x0  }
0x16: {  	s3 =	sld [smem:$0x3FDB];
	s0 =	simm.s32 @p2 $0x1  }
0x17: {  	s4 =	simm.s32 $0x1BF5;
	[smem:$0x3FB7] =	sst s0  }
0x18: {  	s0 =	sld [smem:$0x3F9A];
	_ =	swait.ge [sflag:s4], $0x0  }
0x19: {  	s7 =	sld [smem:$0x3F9B]  }
0x1a: {  	s8 =	sadd.s32 $0xFFFFE003, lr  }
0x1b: {  	s9 =	sadd.s32 $0xFFFFFEF7, lr;
	s5 =	simm.s32 $0xFFFFFFFF;
	p2 =	slt.u32 s8, $0xFFFFF086  }
0x1c: {  	p1 =	slt.u32 s9, $0xF7A;
	s5 =	simm.s32 @!p2 $0x0  }
0x1d: {  	s5 =	simm.s32 @p1 $0x1;
	p0 =	seq.s32 s7, s2  }
0x1e: {  	s7 =	smul.u32 @!p0 $0xF7A, s2;
	p2 =	seq.s32 @!p0 s5, $0x0  }
0x1f: {  	s9 =	smul.u32 $0xF7A, s1;
	s8 =	simm.s32 @!p0 $0x1BF5;
	p2 =	por !p2, p0  }
0x20: {  	[sflag:s8] =	ssyncset.s32 @!p0 $0xFFFFF086;
	s6 =	sadd.s32 @!p0 s3, s7;
	s7 =	simm.s32 @!p0 $0x108  }
0x21: {  	s3 =	sadd.s32 s3, s9;
	s6 =	sadd.s32 @!p0 $0x88, s6;
	s7 =	simm.s32 @p2 $0x1082  }
0x22: {  	[simem:s7], [sflag:s8] =	dma.local @!p0 [hbm:s6], $0xF7A  }
0x23: {  	s9 =	sor.u32 $0xD0000000, s2;
	s6 =	simm.s32 $0x108;
	_ =	swait.ge @!p0 [sflag:s8], $0x0  }
0x24: {  	s3 =	sadd.s32 $0x88, s3;
	s6 =	simm.s32 @!p1 $0x1082;
	[sflag:s4] =	ssyncset.s32 $0xFFFFF086  }
0x25: {  	[simem:s6], [sflag:s4] =	dma.local [hbm:s3], $0xF7A  }
0x26: {  	[smem:$0x3F9B] =	sst s1;
	(tag) =	ssettag s2;
	_ =	strace s9  }
0x27: {  	s1 =	sld [smem:$0x3FAB]  }
0x28: {  	s2 =	sld [smem:$0x3FAC]  }
0x29: {  	s4 =	sld [smem:$0x3FAE]  }
0x2a: {  	p0 =	seq.s32 s5, $0x0;
	s5 =	sld [smem:$0x3FAF]  }
0x2b: {  	s6 =	sld [smem:$0x3FB0]  }
0x2c: {  	s7 =	sld [smem:$0x3FB1]  }
0x2d: {  	s3 =	simm.s32 $0x108;
	s8 =	sld [smem:$0x3FB2]  }
0x2e: {  	s3 =	simm.s32 @!p0 $0x1082;
	s9 =	sld [smem:$0x3FB3]  }
0x2f: {  	lr =	sadd.s32 s0, s3;
	s0 =	sld [smem:$0x3FAA]  }
0x30: {  	s3 =	sld [smem:$0x3FAD]  }
0x31: {  	[smem:$0x3FB6] =	sst s10  }
0x32: {  	s10 =	sld [smem:$0x3FB4];
	_ =	sdelay $0x3  }
0x33: {  	p0 =	seq.s32 s10, $0x1;
	s10 =	sld [smem:$0x3FB6];
	_ =	sdelay $0x3  }
0x34: {  	[smem:$0x3FB6] =	sst s10  }
0x35: {  	s10 =	sld [smem:$0x3FB5];
	_ =	sdelay $0x3  }
0x36: {  	p1 =	seq.s32 s10, $0x1;
	s10 =	sld [smem:$0x3FB6];
	_ =	sdelay $0x3  }
0x37: {  	[smem:$0x3FB6] =	sst s10  }
0x38: {  	s10 =	sld [smem:$0x3FB7]  }
0x39: {  	_ = 	snop;
	(pc) =	sbr.ind lr, $3  }
0x3a: {  	_ = 	snop  }
0x3b: {  	_ = 	snop  }
0x3c: {  	p2 =	seq.s32 s10, $0x1;
	s10 =	sld [smem:$0x3FB6]  }
0x3d: {  	_ =	shalt  }
0x3e: {  	_ =	shalt  }
0x3f: {  	_ =	shalt  }
0x40: {  	_ =	shalt  }
0x41: {  	_ =	shalt  }
0x42: {  	_ =	shalt  }
0x43: {  	_ =	shalt  }
0x44: {  	_ =	shalt  }
0x45: {  	_ =	shalt  }
0x46: {  	_ =	shalt  }
0x47: {  	_ =	shalt  }
0x48: {  	_ =	shalt  }
0x49: {  	_ =	shalt  }
0x4a: {  	_ =	shalt  }
0x4b: {  	_ =	shalt  }
0x4c: {  	_ =	shalt  }
0x4d: {  	_ =	shalt  }
0x4e: {  	_ =	shalt  }
0x4f: {  	_ =	shalt  }
0x50: {  	_ =	shalt  }
0x51: {  	_ =	shalt  }
0x52: {  	_ =	shalt  }
0x53: {  	_ =	shalt  }
0x54: {  	_ =	shalt  }
0x55: {  	_ =	shalt  }
0x56: {  	_ =	shalt  }
0x57: {  	_ =	shalt  }
0x58: {  	_ =	shalt  }
0x59: {  	_ =	shalt  }
0x5a: {  	_ =	shalt  }
0x5b: {  	_ =	shalt  }
0x5c: {  	_ =	shalt  }
0x5d: {  	_ =	shalt  }
0x5e: {  	_ =	shalt  }
0x5f: {  	_ =	shalt  }
0x60: {  	_ =	shalt  }
0x61: {  	_ =	shalt  }
0x62: {  	_ =	shalt  }
0x63: {  	_ =	shalt  }
0x64: {  	_ =	shalt  }
0x65: {  	_ =	shalt  }
0x66: {  	_ =	shalt  }
0x67: {  	_ =	shalt  }
0x68: {  	_ =	shalt  }
0x69: {  	_ =	shalt  }
0x6a: {  	_ =	shalt  }
0x6b: {  	_ =	shalt  }
0x6c: {  	_ =	shalt  }
0x6d: {  	_ =	shalt  }
0x6e: {  	_ =	shalt  }
0x6f: {  	_ =	shalt  }
0x70: {  	_ =	shalt  }
0x71: {  	_ =	shalt  }
0x72: {  	_ =	shalt  }
0x73: {  	_ =	shalt  }
0x74: {  	_ =	shalt  }
0x75: {  	_ =	shalt  }
0x76: {  	_ =	shalt  }
0x77: {  	_ =	shalt  }
0x78: {  	_ =	shalt  }
0x79: {  	_ =	shalt  }
0x7a: {  	_ =	shalt  }
0x7b: {  	_ =	shalt  }
0x7c: {  	_ =	shalt  }
0x7d: {  	_ =	shalt  }
0x7e: {  	_ =	shalt  }
0x7f: {  	_ =	shalt  }
0x80: {  	_ =	shalt  }
0x81: {  	_ =	shalt  }
0x82: {  	_ =	shalt  }
0x83: {  	_ =	shalt  }
0x84: {  	_ =	shalt  }
0x85: {  	_ =	shalt  }
0x86: {  	_ =	shalt  }
0x87: {  	_ =	shalt  }
.Lfunc_end0:
.L_simem_size_0:
called_computation_lowered:
.L_overlay_start_0:
0x88: {  	s2 =	sld [smem:$0x3FD9]  }
0x89: {  	s3 =	sld [smem:$0x3FFE];
	_ =	sdelay $0x1  }
0x8a: {  	s1 =	srdreg.scid  }
0x8b: {  	s0 =	sand.u32 $0x1, s1  }
0x8c: {  	s17 =	sshll.u32 s0, $0xA;
	s2 =	sadd.s32 s3, s2  }
0x8d: {  	s2 =	sadd.s32 s2, s17  }
0x8e: {  	[smem:$0x3FC2] =	sst s2  }
0x8f: {  	_ = 	snop  }
0x90: {  	s2 =	sld [smem:$0x3FD0];
	(tm) =	ssettm $0x1  }
0x91: {  	s18 =	sld [smem:$0x3FFB];
	_ =	sdelay $0x3  }
0x92: {  	_ =	strace s18  }
0x93: {  	s3 =	sld [smem:$0x3FFC];
	_ =	sdelay $0x3  }
0x94: {  	_ =	strace s3  }
0x95: {  	s3 =	sld [smem:$0x3FFD];
	_ =	sdelay $0x3  }
0x96: {  	_ =	strace s3  }
0x97: {  	_ =	strace $0x8FFFFFFF  }
0x98: {  	s19 =	sld [smem:$0x3FDB];
	_ =	sdelay $0x1  }
0x99: {  	s4 =	simm.s32 $_scs_section_size  }
0x9a: {  	s5 =	simm.s32 $_size__tile_overlayer_lowered;
	s6 =	simm.s32 $_tile_overlayer_lowered  }
0x9b: {  	s22 =	simm.s32 $0x1BFF;
	s21 =	sshll.u32 s6, $0x1;
	s3 =	sadd.s32 s4, s19  }
0x9c: {  	s7 =	simm.s32 $0x0;
	s20 =	sshll.u32 s5, $0x1;
	s5 =	sadd.s32 s21, s3  }
0x9d: {  	[timem:s7], [sflag:s22] =	dma.local [hbm:s5], s20  }
0x9e: {  	_ =	swait.ge [sflag:s22], s20  }
0x9f: {  	s4 =	ssub.s32 $0x0, s20;
	[sflag:s22] =	ssyncset.done $0x0  }
0xa0: {  	[sflag:s22] =	ssyncadd.s32 s4;
	_ =	sdelay $0x1  }
0xa1: {  	s23 =	simm.s32 $0x1B8B  }
0xa2: {  	_ =	swait.ge [sflag:s23], $0x1  }
0xa3: {  	[sflag:s23] =	ssyncset.done $0x0  }
0xa4: {  	s25 =	simm.s32 $0x1B8E;
	s24 =	sld [smem:$0x3FFE];
	[sflag:s23] =	ssyncadd.s32 $0xFFFFFFFF  }
0xa5: {  	s26 =	simm.s32 $execute0_lowered;
	[smem:$0x3FD2] =	sst s25  }
0xa6: {  	s5 =	sshll.u32 s26, $0x1;
	_ =	strace $0x80000046;
	[dreg:$0x1] =	wrdreg $0xFFFFFFFF  }
0xa7: {  	s28 =	simm.s32 $_size_execute0_lowered;
	s3 =	sadd.s32 s3, s5;
	[dreg:$0x0] =	wrdreg $0x0  }
0xa8: {  	s5 =	sshll.u32 s28, $0x1;
	[dreg:$0x2] =	wrdreg s3  }
0xa9: {  	[dreg:$0x3] =	wrdreg s5  }
0xaa: {  	[dreg:$0x4] =	wrdreg $0xC0  }
0xab: {  	_ =	task [dreg:s7], $0x5FFFF  }
0xac: {  	[dreg:$0x1] =	wrdreg $0xFFFFFFFF  }
0xad: {  	[dreg:$0x0] =	wrdreg $0x60  }
0xae: {  	[dreg:$0x2] =	wrdreg s2  }
0xaf: {  	[dreg:$0x3] =	wrdreg s24  }
0xb0: {  	[dreg:$0x4] =	wrdreg $0x28800  }
0xb1: {  	[dreg:$0x5] =	wrdreg $0x9  }
0xb2: {  	_ =	task.clear_ibuf [dreg:s7], $0x6FFFF;
	_ =	strace $0x90000046  }
0xb3: {  	s29 =	simm.s32 $0x9;
	_ =	strace $0x80000048  }
0xb4: {  	_ =	swait.ge [sflag:s29], $0x1  }
0xb5: {  	[sflag:s29] =	ssyncadd.s32 $0xFFFFFFFF  }
0xb6: {  	_ =	strace $0x90000048  }
0xb7: {  	_ =	sfence  }
0xb8: {  	s30 =	sld [smem:$0x0];
	_ =	sdelay $0x2  }
0xb9: {  	s31 =	sshll.u32 s1, $0xD;
	s1 =	sshrl.u32 s1, $0x2  }
0xba: {  	s3 =	sand.u32 $0x4000, s31;
	s1 =	sadd.s32 s1, s30  }
0xbb: {  	s0 =	sor.u32 s3, s0;
	s1 =	sshll.u32 s1, $0x11  }
0xbc: {  	s0 =	sor.u32 s1, s0  }
0xbd: {  	s0 =	sadd.s32 $0x8F2B, s0  }
0xbe: {  	[sflag:s0] =	ssyncadd.remote.s32 $0x1  }
0xbf: {  	_ =	sfence.sel $0xFFFF  }
0xc0: {  	[dreg:$0x0] =	wrdreg $0xFFFFFFFF;
	(pc) =	sbr.abs _section_cstart, $3  }
0xc1: {  	[dreg:$0x1] =	wrdreg $0xFFFFFFFF  }
0xc2: {  	_ =	task.clear_ibuf [dreg:s7], $0x2FFFF;
	_ =	strace $0x9FFFFFFF  }
0xc3: {  	(tm) =	ssettm $0x7FFFFFFF  }
tec
execute0_lowered:
.L_overlay_start_1:
0x0: {  	(tag) =	ssettag $0x1  }
0x1: {  	s7 =	rddreg [dreg:$0x0]  }
0x2: {  	s6 =	rddreg [dreg:$0x1]  }
0x3: {  	s1 =	rddreg [dreg:$0x2]  }
0x4: {  	s0 =	rddreg [dreg:$0x3];
	s3 =	simm.s32 $0x0;
	s5 =	srdreg.scid  }
0x5: {  	s2 =	stileid.u32;
	s14 =	simm.s32 $0x20;
	s15 =	simm.s32 $0x10  }
0x6: {  	s16 =	simm.s32 $0x0;
	[smem:$0x7FF] =	sst s3;
	s9 =	smul.u32 $0x500, s2  }
0x7: {  	s4 =	sadd.s32 $0x1600, s6;
	s8 =	sand.u32 $0x1, s5;
	s28 =	smul.u32 $0x2800, s2  }
0x8: {  	s5 =	sadd.s32 $0x1400, s6;
	s13 =	smul.u32 $0xA00, s2;
	s31 =	sshll.u32 s2, $0x6  }
0x9: {  	s10 =	sshll.u32 s8, $0x7;
	s11 =	smul.u32 $0x28000, s8;
	s8 =	ssub.s32 $0x2, s8  }
0xa: {  	_ =	strace $0x80000047;
	s9 =	sor.u32 s10, s9;
	s12 =	sshrl.u32 s8, $0x1  }
0xb: {  	s30 =	sshrl.u32 s13, $0x2;
	s9 =	sshrl.u32 s9, $0x3;
	s12 =	ssub.s32 s8, s12  }
0xc: {  	s29 =	sadd.s32 s28, s11;
	s13 =	sadd.s32 s30, s1;
	s9 =	sadd.s32 s9, s6  }
0xd: {  	s11 =	sshrl.u32 s29, $0x3;
	s6 =	sor.u32 $0x1C01, s31;
	s10 =	sshrl.u32 s13, $0x3  }
0xe: {  	s13 =	simm.s32 $0x7D;
	s7 =	sadd.s32 s7, s11;
	s8 =	sadd.s32 $0x1800, s9  }
0xf: {  	s9 =	smax.u32 s12, $0x1;
	s11 =	simm.s32 $0x1;
	s12 =	simm.s32 $0x2800  }
.LBB2_1:
0x10: {  	[spmem:s10], [sflag:s6] =	dma.local [hbm:s4], $0x50  }
0x11: {  	_ =	swait.ge [sflag:s11], $0x50  }
0x12: {  	[sflag:s11] =	ssyncset.done $0x0  }
0x13: {  	[sflag:s11] =	ssyncadd.s32 $0xFFFFFFB0  }
0x14: {  	[tilespmem:s3], [sflag:$0x1] =	stream.linear.gather [hbm4b:s7+s3], $0x2800, $0x38;
	[tilespmem:$0x2B00] =	vst v63  }
0x15: {  	_ =	swait.ge [sflag:s11], $0x2800  }
0x16: {  	[sflag:s11] =	ssyncset.done $0x0  }
0x17: {  	[sflag:s11] =	ssyncadd.s32 $0xFFFFD800  }
0x18: {  	[tilespmem:s12], [sflag:$0x1] =	stream.linear.gather [hbm4b:s5+s3], $0x80, $0x38;
	[tilespmem:$0x2B00] =	vst v63  }
0x19: {  	_ =	swait.ge [sflag:s11], $0x80  }
0x1a: {  	[sflag:s11] =	ssyncset.done $0x0  }
0x1b: {  	[sflag:s11] =	ssyncadd.s32 $0xFFFFFF80  }
0x1c: {  	s17 =	simm.s32 $0x0;
	[bflag:$0x0] =	sbarrier.arrive $0xFFFF  }
0x1d: {  	[spmem:s1] =	stream.indirect.scatter.add.f32 [tilespmem:s12], [sflag:$0x1], $0x1, s17, s13, $0xb8;
	[tilespmem:$0x2B00] =	vst v63  }
0x1e: {  	_ =	swait.ge [sflag:s11], $0x7D  }
0x1f: {  	s17 =	simm.s32 $0x200;
	[sflag:s11] =	ssyncset.done $0x0  }
.LBB2_2:
0x20: {  	s18 =	sshra.s32 s17, $0x2;
	[sflag:s11] =	ssyncadd.s32 $0xFFFFFF83;
	p0 =	sne.s32 s17, $0x9E00  }
0x21: {  	[spmem:s1] =	stream.indirect.scatter.add.f32 [tilespmem:s12], [sflag:$0x1], $0x1, s18, s13, $0xb8;
	[tilespmem:$0x2B00] =	vst v63  }
.Ltmp0:
0x22: {  	_ = 	snop;
	(pc) =	sbr.rel @p0 .LBB2_2-.Ltmp0, $4  }
0x23: {  	_ = 	snop  }
0x24: {  	s17 =	sadd.s32 $0x200, s17  }
0x25: {  	_ =	swait.ge [sflag:s11], $0x7D  }
0x26: {  	[sflag:s11] =	ssyncset.done $0x0  }
0x27: {  	s16 =	sadd.s32 $0x1, s16  }
0x28: {  	[sflag:s11] =	ssyncadd.s32 $0xFFFFFF83;
	p0 =	sne.s32 s16, s9  }
.Ltmp1:
0x29: {  	[bflag:$0x0] =	sbarrier.arrive $0xFFFF;
	(pc) =	sbr.rel @p0 .LBB2_1-.Ltmp1, $4  }
0x2a: {  	[hbm:s8@s14], [sflag:s6] =	dma.strided [spmem:s10@s15], $0x50, s11, $0x10   }
0x2b: {  	_ =	swait.ge [sflag:s11], $0x50  }
0x2c: {  	[sflag:s11] =	ssyncset.done $0x0  }
0x2d: {  	[sflag:s11] =	ssyncadd.s32 $0xFFFFFFB0  }
0x2e: {  	_ =	sfence.sel $0x180000  }
0x2f: {  	[bflag:$0x0] =	sbarrier.arrive $0xFFFF  }
0x30: {  	p0 =	sne.s32 s2, $0x0;
	_ =	strace $0x90000047  }
0x31: {  	s0 =	sadd.s32 @!p0 $0x100000, s0;
	[bflag:$0x2] =	sbarrier.arrive $0xFFFF  }
0x32: {  	[sflag:s0] =	ssyncadd.tile.s32 @!p0 $0x1;
	_ =	shalt  }
.Lfunc_end2:
_tile_overlayer_lowered:
.L_overlay_start_2:
0x33: {  	(tag) =	ssettag $0x2  }
0x34: {  	s0 =	rddreg [dreg:$0x0];
	s2 =	stileid.u32  }
0x35: {  	s1 =	rddreg [dreg:$0x1];
	p0 =	sne.s32 s2, $0x0  }
0x36: {  	s3 =	rddreg [dreg:$0x2];
	[bflag:$0x3] =	sbarrier.arrive $0xFFFF;
	s2 =	simm.s32 @!p0 $0x1C01  }
0x37: {  	[timem:s3], [sflag:s2] =	dma.local @!p0 [hbm:s0], s1  }
0x38: {  	s0 =	simm.s32 @!p0 $0x1  }
0x39: {  	_ =	swait.ge @!p0 [sflag:s0], s1  }
0x3a: {  	s1 =	ssub.s32 @!p0 $0x0, s1;
	[sflag:s0] =	ssyncset.done @!p0 $0x0  }
0x3b: {  	[sflag:s0] =	ssyncadd.s32 @!p0 s1  }
0x3c: {  	[bflag:$0x3] =	sbarrier.arrive $0xFFFF  }
0x3d: {  	_ =	shalt  }

</sc_bundles>
